<compile_context>
chip_gen: v7x
topology: tpu7x:2x2x1
jax: 0.10.2.dev20260603
libtpu: 0.0.44.dev20260713+nightly
codegen_flags: <defaults>
</compile_context>

<pallas_src>
import functools

import jax
import jax.numpy as jnp
from jax import lax
from jax.experimental import pallas as pl
from jax.experimental.pallas import tpu as pltpu
from jax.experimental.pallas import tpu_sc as plsc

_N = 10000
_E = 160000
_D1 = 256
_D2 = 64
_NC, _NS, _L = 2, 16, 16
_EPT = _E // _NS
_CHUNK = 80
_NCHUNK = _EPT // _CHUNK
_HALF = _N // _NC
_PADH = 5120
_NPAD = 10240
_BN = 1000


_EPT32 = _E // (_NC * _NS)
_DCH = 100
_DNCH = _EPT32 // _DCH
_DW = 16


def _make_deg():
    mesh = plsc.VectorSubcoreMesh(core_axis_name="c", subcore_axis_name="s")
    stripe = _NPAD // _NS

    @functools.partial(
        pl.kernel, mesh=mesh,
        compiler_params=pltpu.CompilerParams(use_tc_tiling_on_sc=False),
        out_type=jax.ShapeDtypeStruct((_NC, _NPAD, _DW), jnp.float32),
        scratch_types=[
            pltpu.VMEM((_DNCH, _DCH), jnp.int32),
            pltpu.VMEM((_DCH, _DW), jnp.float32),
            pltpu.VMEM((stripe, _DW), jnp.float32),
            pltpu.VMEM_SHARED((_NPAD, _DW), jnp.float32),
        ],
    )
    def degk(dst_hbm, deg_out, didx_v, ones_v, zbuf_v, acc_sh):
        c = lax.axis_index("c")
        s = lax.axis_index("s")
        gid = c * _NS + s
        pltpu.sync_copy(dst_hbm.at[gid], didx_v)
        of = jnp.ones((_L,), jnp.float32)
        zf = jnp.zeros((_L,), jnp.float32)

        def fill_body(i, _):
            ones_v[i, :] = of
            return _
        lax.fori_loop(0, _DCH, fill_body, None)

        def zfill_body(i, _):
            zbuf_v[i, :] = zf
            return _
        lax.fori_loop(0, stripe, zfill_body, None)
        pltpu.sync_copy(zbuf_v, acc_sh.at[pl.ds(s * stripe, stripe)])
        plsc.subcore_barrier()

        def e_body(j, _):
            pltpu.sync_copy(ones_v, acc_sh.at[didx_v.at[j]], add=True)
            return _
        lax.fori_loop(0, _DNCH, e_body, None)
        plsc.subcore_barrier()

        pltpu.sync_copy(acc_sh.at[pl.ds(s * stripe, stripe)],
                        deg_out.at[c, pl.ds(s * stripe, stripe)])

    return degk


def _make_smooth(FB, NF):
    mesh = plsc.VectorSubcoreMesh(core_axis_name="c", subcore_axis_name="s")
    rows_per_tile = _PADH // _NS
    ncopy = rows_per_tile // _CHUNK
    wout = 312

    out_type = [jax.ShapeDtypeStruct((_N, FB), jnp.float32)] * NF

    @functools.partial(
        pl.kernel, mesh=mesh,
        compiler_params=pltpu.CompilerParams(use_tc_tiling_on_sc=False),
        out_type=out_type,
        scratch_types=[
            pltpu.VMEM((_NCHUNK, _CHUNK), jnp.int32),
            pltpu.VMEM((_NCHUNK, _CHUNK), jnp.int32),
            pltpu.VMEM((_NCHUNK, _CHUNK), jnp.int32),
            pltpu.VMEM((_CHUNK, FB), jnp.float32),
            pltpu.VMEM((_CHUNK, FB), jnp.float32),
            pltpu.VMEM((_CHUNK, FB), jnp.float32),
            pltpu.VMEM_SHARED((_PADH, FB), jnp.float32),
            pltpu.SemaphoreType.DMA,
            pltpu.SemaphoreType.DMA,
        ],
    )
    def smooth(*refs):
        h_refs = refs[:NF]
        src_hbm, dst_hbm = refs[NF], refs[NF + 1]
        out_refs = refs[NF + 2:2 * NF + 2]
        (src_v, dst_v, ldst_v, rows_a, rows_b, zbuf_v, acc_sh,
         sem_a, sem_b) = refs[2 * NF + 2:]
        c = lax.axis_index("c")
        s = lax.axis_index("s")
        pltpu.sync_copy(src_hbm.at[s], src_v)
        pltpu.sync_copy(dst_hbm.at[s], dst_v)
        nbase = c * _HALF

        def ld_body(r, _):
            for q in range(_CHUNK // _L):
                d = dst_v[r, pl.ds(q * _L, _L)]
                ldv = d - nbase
                ok = (ldv >= 0) & (ldv < _HALF)
                ldst_v[r, pl.ds(q * _L, _L)] = jnp.where(ok, ldv, _HALF)
            return _
        lax.fori_loop(0, _NCHUNK, ld_body, None)

        zf = jnp.zeros((_L,), jnp.float32)

        def zrow_body(i, _):
            for q in range(FB // _L):
                zbuf_v[i, pl.ds(q * _L, _L)] = zf
            return _
        lax.fori_loop(0, _CHUNK, zrow_body, None)

        for f in range(NF):
            if f > 0:
                plsc.subcore_barrier()
            for k in range(ncopy):
                pltpu.sync_copy(
                    zbuf_v,
                    acc_sh.at[pl.ds(s * rows_per_tile + k * _CHUNK, _CHUNK)])
            plsc.subcore_barrier()

            h = h_refs[f]

            def _gather(j, buf, sem):
                pltpu.async_copy(h.at[src_v.at[j]], buf, sem)

            def _gwait(j, buf, sem):
                pltpu.make_async_copy(h.at[src_v.at[j]], buf, sem).wait()

            def _scat(j, buf):
                pltpu.sync_copy(buf, acc_sh.at[ldst_v.at[j]], add=True)

            _gather(0, rows_a, sem_a)

            def pair_body(p, _):
                j0 = p * 2
                _gwait(j0, rows_a, sem_a)
                _gather(j0 + 1, rows_b, sem_b)
                _scat(j0, rows_a)
                _gwait(j0 + 1, rows_b, sem_b)
                _gather(j0 + 2, rows_a, sem_a)
                _scat(j0 + 1, rows_b)
                return _
            lax.fori_loop(0, (_NCHUNK - 1) // 2, pair_body, None)
            _gwait(_NCHUNK - 1, rows_a, sem_a)
            _scat(_NCHUNK - 1, rows_a)
            plsc.subcore_barrier()

            pltpu.sync_copy(acc_sh.at[pl.ds(s * wout, wout)],
                            out_refs[f].at[pl.ds(c * _HALF + s * wout, wout)])

            @pl.when(s == _NS - 1)
            def _(f=f):
                rem = _HALF - _NS * wout
                pltpu.sync_copy(acc_sh.at[pl.ds(_NS * wout, rem)],
                                out_refs[f].at[pl.ds(c * _HALF + _NS * wout, rem)])

    return smooth


_deg_kernel = _make_deg()
_FB = 128
_NF1 = _D1 // _FB
_smooth_d1 = _make_smooth(_FB, _NF1)
_smooth_d2 = _make_smooth(_D2, 1)


def _tc1(X, W1, b1, dega, degb):
    def body(x_ref, w_ref, b_ref, da_ref, db_ref,
             h_ref, *out_refs):
        hp_refs = out_refs[:_NF1]
        isq_ref, inv_ref = out_refs[_NF1], out_refs[_NF1 + 1]
        d1 = da_ref[...] + db_ref[...] + 1.0
        isq = lax.rsqrt(d1)
        h = jnp.dot(x_ref[...], w_ref[...],
                    preferred_element_type=jnp.float32) + b_ref[...]
        hp = h * isq
        h_ref[...] = h
        for k in range(_NF1):
            hp_refs[k][...] = hp[:, k * _FB:(k + 1) * _FB]
        isq_ref[...] = isq
        inv_ref[...] = 1.0 / d1

    return pl.pallas_call(
        body, grid=(_N // _BN,),
        in_specs=[
            pl.BlockSpec((_BN, _D1), lambda i: (i, 0)),
            pl.BlockSpec((_D1, _D1), lambda i: (0, 0)),
            pl.BlockSpec((1, _D1), lambda i: (0, 0)),
            pl.BlockSpec((_BN, 1), lambda i: (i, 0)),
            pl.BlockSpec((_BN, 1), lambda i: (i, 0)),
        ],
        out_specs=(
            [pl.BlockSpec((_BN, _D1), lambda i: (i, 0))]
            + [pl.BlockSpec((_BN, _FB), lambda i: (i, 0))] * _NF1
            + [pl.BlockSpec((_BN, 1), lambda i: (i, 0))] * 2
        ),
        out_shape=(
            [jax.ShapeDtypeStruct((_N, _D1), jnp.float32)]
            + [jax.ShapeDtypeStruct((_N, _FB), jnp.float32)] * _NF1
            + [jax.ShapeDtypeStruct((_N, 1), jnp.float32)] * 2
        ),
    )(X, W1, b1, dega, degb)


def _tc2(S1s, h1, isq, inv, W2p, b2p):
    def body(*refs):
        s1_refs = refs[:_NF1]
        (h1_ref, isq_ref, inv_ref, w_ref, b_ref,
         o1_ref, h2_ref, hp_ref) = refs[_NF1:]
        isq = isq_ref[...]
        s1 = jnp.concatenate([r[...] for r in s1_refs], axis=1)
        out1 = jnp.maximum(isq * s1 + inv_ref[...] * h1_ref[...], 0.0)
        h2 = jnp.dot(out1, w_ref[...],
                     preferred_element_type=jnp.float32) + b_ref[...]
        o1_ref[...] = out1
        h2_ref[...] = h2
        hp_ref[...] = h2 * isq

    return pl.pallas_call(
        body, grid=(_N // _BN,),
        in_specs=[pl.BlockSpec((_BN, _FB), lambda i: (i, 0))] * _NF1 + [
            pl.BlockSpec((_BN, _D1), lambda i: (i, 0)),
            pl.BlockSpec((_BN, 1), lambda i: (i, 0)),
            pl.BlockSpec((_BN, 1), lambda i: (i, 0)),
            pl.BlockSpec((_D1, _D2), lambda i: (0, 0)),
            pl.BlockSpec((1, _D2), lambda i: (0, 0)),
        ],
        out_specs=[
            pl.BlockSpec((_BN, _D1), lambda i: (i, 0)),
            pl.BlockSpec((_BN, _D2), lambda i: (i, 0)),
            pl.BlockSpec((_BN, _D2), lambda i: (i, 0)),
        ],
        out_shape=[
            jax.ShapeDtypeStruct((_N, _D1), jnp.float32),
            jax.ShapeDtypeStruct((_N, _D2), jnp.float32),
            jax.ShapeDtypeStruct((_N, _D2), jnp.float32),
        ],
    )(*S1s, h1, isq, inv, W2p, b2p)


def _tc3(S2, h2, isq, inv):
    def body(s2_ref, h2_ref, isq_ref, inv_ref, o2_ref):
        o2_ref[...] = isq_ref[...] * s2_ref[...] + inv_ref[...] * h2_ref[...]

    return pl.pallas_call(
        body, grid=(_N // _BN,),
        in_specs=[
            pl.BlockSpec((_BN, _D2), lambda i: (i, 0)),
            pl.BlockSpec((_BN, _D2), lambda i: (i, 0)),
            pl.BlockSpec((_BN, 1), lambda i: (i, 0)),
            pl.BlockSpec((_BN, 1), lambda i: (i, 0)),
        ],
        out_specs=pl.BlockSpec((_BN, _D2), lambda i: (i, 0)),
        out_shape=jax.ShapeDtypeStruct((_N, _D2), jnp.float32),
    )(S2, h2, isq, inv)


def kernel(X, edge_index, W1, b1, W2, b2):
    src = edge_index[0].reshape(_NS, _NCHUNK, _CHUNK)
    dst = edge_index[1].reshape(_NS, _NCHUNK, _CHUNK)
    dst_deg = edge_index[1].reshape(_NC * _NS, _DNCH, _DCH)

    degP = _deg_kernel(dst_deg)
    dega = degP[0, :_N, 0].reshape(_N, 1)
    degb = degP[1, :_N, 0].reshape(_N, 1)

    h1, *rest = _tc1(X, W1, b1.reshape(1, _D1), dega, degb)
    h1ps, isq, inv = rest[:_NF1], rest[_NF1], rest[_NF1 + 1]
    S1s = _smooth_d1(*h1ps, src, dst)

    W2p = jnp.pad(W2, ((0, 0), (0, _D2 - W2.shape[1])))
    b2p = jnp.pad(b2, (0, _D2 - b2.shape[0])).reshape(1, _D2)
    out1, h2, h2p = _tc2(S1s, h1, isq, inv, W2p, b2p)

    (S2,) = _smooth_d2(h2p, src, dst)
    out2p = _tc3(S2, h2, isq, inv)
    return (out1, out2p[:, :W2.shape[1]])

# --- scband reference (transcript-rebuilt; emitter-appended) ---
"""Pipeline reference for scband-gcn-59339268161949 (READ-ONLY COPY).

The authoritative reference and input builder live on the scoring server;
editing this copy changes nothing except your own understanding.
"""

import jax, jax.numpy as jnp
import numpy as np

N = 10000
E = 160000
D_IN = 256
D_HID = 256
N_CLASSES = 40


def setup_inputs(seed: int = 0) -> dict:
    key = jax.random.key(seed)
    ks = jax.random.split(key, 6)
    X = jax.random.normal(ks[0], (N, D_IN), dtype=jnp.float32)
    edge_index = jax.random.randint(ks[1], (2, E), 0, N, dtype=jnp.int32)
    W1 = jax.random.normal(ks[2], (D_IN, D_HID), dtype=jnp.float32) * (1.0 / np.sqrt(D_IN))
    b1 = jnp.zeros((D_HID,), dtype=jnp.float32)
    W2 = jax.random.normal(ks[3], (D_HID, N_CLASSES), dtype=jnp.float32) * (1.0 / np.sqrt(D_HID))
    b2 = jnp.zeros((N_CLASSES,), dtype=jnp.float32)
    return {"X": X, "edge_index": edge_index, "W1": W1, "b1": b1, "W2": W2, "b2": b2}


def _gcn_smoothing(X, edge_index):
    # D_hat^{-1/2} (A + I) D_hat^{-1/2} X, as in dhg.Graph.smoothing_with_GCN
    src = edge_index[0]
    dst = edge_index[1]
    loop = jnp.arange(N, dtype=src.dtype)
    src = jnp.concatenate([src, loop])
    dst = jnp.concatenate([dst, loop])
    deg = jnp.zeros((N,), jnp.float32).at[dst].add(1.0)
    inv_sqrt = jnp.where(deg > 0, 1.0 / jnp.sqrt(deg), 0.0)
    coef = inv_sqrt[src] * inv_sqrt[dst]
    msg = jnp.take(X, src, axis=0) * coef[:, None]
    return jnp.zeros((N, X.shape[1]), X.dtype).at[dst].add(msg)


def reference(X, edge_index, W1, b1, W2, b2):
    # Layer 0: theta -> smoothing -> ReLU (drop_rate=0.0, no BN)
    h = X @ W1 + b1
    h = _gcn_smoothing(h, edge_index)
    out1 = jax.nn.relu(h)
    # Layer 1 (is_last=True): theta -> smoothing, no activation
    h2 = out1 @ W2 + b2
    out2 = _gcn_smoothing(h2, edge_index)
    return (out1, out2)

if __name__ == "__main__":
    import jax
    _d = setup_inputs()
    print(jax.jit(kernel)(*tuple(_d.values())))

</pallas_src>

<mosaic_0001>
#map = affine_map<(d0, d1) -> (0, 0, 0)>
module attributes {stable_mosaic.version = 14 : i64} {
  func.func @degk(%arg0: i32, %arg1: i32, %arg2: memref<32x50x100xi32, #tpu.memory_space<hbm>>, %arg3: memref<2x10240x16xf32, #tpu.memory_space<hbm>>, %arg4: memref<50x100xi32, #tpu.memory_space<vmem>>, %arg5: memref<100x16xf32, #tpu.memory_space<vmem>>, %arg6: memref<640x16xf32, #tpu.memory_space<vmem>>, %arg7: memref<10240x16xf32, #tpu.memory_space<vmem_shared>>) attributes {dimension_semantics = [#tpu.dimension_semantics<core_parallel>, #tpu.dimension_semantics<subcore_parallel>], iteration_bounds = array<i64: 2, 16>, scalar_prefetch = 0 : i64, scratch_operands = 4 : i64, tpu.core_type = #tpu.core_type<sc_vector_subcore>, window_params = [{transform_indices = #map}, {transform_indices = #map}]} {
    %mul3A = arith.constant 16 : i32
    %mul3A_0 = arith.muli %arg0, %mul3A : i32
    %add3A = arith.addi %mul3A_0, %arg1 : i32
    "tpu.region"() ({
      %run_scoped3A = tpu.sem_alloc : memref<!tpu.dma_semaphore, #tpu.memory_space<semaphore_mem>>
      %dma_start3A = arith.constant 0 : i32
      %dma_start3A_25 = arith.constant 0 : i32
      %dma_start3A_26 = tpu.memref_slice %arg2[%add3A, %dma_start3A, %dma_start3A_25] : memref<32x50x100xi32, #tpu.memory_space<hbm>> -> memref<1x50x100xi32, #tpu.memory_space<hbm>>
      %dma_start3A_27 = tpu.memref_squeeze %dma_start3A_26 : memref<1x50x100xi32, #tpu.memory_space<hbm>> -> memref<50x100xi32, #tpu.memory_space<hbm>>
      %dma_start3A_28 = arith.constant 0 : i32
      %dma_start3A_29 = arith.constant 0 : i32
      %dma_start3A_30 = tpu.memref_slice %arg2[%add3A, %dma_start3A_28, %dma_start3A_29] : memref<32x50x100xi32, #tpu.memory_space<hbm>> -> memref<1x50x100xi32, #tpu.memory_space<hbm>>
      %dma_start3A_31 = tpu.memref_squeeze %dma_start3A_30 : memref<1x50x100xi32, #tpu.memory_space<hbm>> -> memref<50x100xi32, #tpu.memory_space<hbm>>
      tpu.enqueue_dma source(%dma_start3A_31 : memref<50x100xi32, #tpu.memory_space<hbm>>) target(%arg4 : memref<50x100xi32, #tpu.memory_space<vmem>>) target_semaphore(%run_scoped3A : memref<!tpu.dma_semaphore, #tpu.memory_space<semaphore_mem>>)
      %dma_wait3A = arith.constant 0 : i32
      %dma_wait3A_32 = arith.constant 0 : i32
      %dma_wait3A_33 = tpu.memref_slice %arg2[%add3A, %dma_wait3A, %dma_wait3A_32] : memref<32x50x100xi32, #tpu.memory_space<hbm>> -> memref<1x50x100xi32, #tpu.memory_space<hbm>>
      %dma_wait3A_34 = tpu.memref_squeeze %dma_wait3A_33 : memref<1x50x100xi32, #tpu.memory_space<hbm>> -> memref<50x100xi32, #tpu.memory_space<hbm>>
      %dma_wait3A_35 = arith.constant 0 : i32
      %dma_wait3A_36 = arith.constant 0 : i32
      %dma_wait3A_37 = tpu.memref_slice %arg2[%add3A, %dma_wait3A_35, %dma_wait3A_36] : memref<32x50x100xi32, #tpu.memory_space<hbm>> -> memref<1x50x100xi32, #tpu.memory_space<hbm>>
      %dma_wait3A_38 = tpu.memref_squeeze %dma_wait3A_37 : memref<1x50x100xi32, #tpu.memory_space<hbm>> -> memref<50x100xi32, #tpu.memory_space<hbm>>
      tpu.wait_dma2 semaphore(%run_scoped3A : memref<!tpu.dma_semaphore, #tpu.memory_space<semaphore_mem>>) src(%dma_wait3A_38 : memref<50x100xi32, #tpu.memory_space<hbm>>) dst(%arg4 : memref<50x100xi32, #tpu.memory_space<vmem>>)
      tpu.yield
    }) : () -> ()
    %broadcast_in_dim3A = arith.constant 1.000000e+00 : f32
    %broadcast_in_dim3A_1 = vector.broadcast %broadcast_in_dim3A : f32 to vector<16xf32>
    %broadcast_in_dim3A_2 = arith.constant 0.000000e+00 : f32
    %broadcast_in_dim3A_3 = vector.broadcast %broadcast_in_dim3A_2 : f32 to vector<16xf32>
    %scan3A = arith.constant 0 : i32
    %scan3A_4 = arith.constant 100 : i32
    %scan3A_5 = arith.addi %scan3A, %scan3A_4 : i32
    %scan3A_6 = arith.constant 1 : i32
    scf.for %scan3A_25 = %scan3A to %scan3A_5 step %scan3A_6  : i32 {
      %swap3A = arith.index_cast %scan3A_25 : i32 to index
      %swap3A_26 = arith.constant 0 : index
      %swap3A_27 = tpu.vector_load %arg5[%swap3A, %swap3A_26] {strides = array<i32>} : memref<100x16xf32, #tpu.memory_space<vmem>>, vector<1x16xf32>,
      %swap3A_28 = vector.shape_cast %swap3A_27 : vector<1x16xf32> to vector<16xf32>
      %swap3A_29 = vector.shape_cast %broadcast_in_dim3A_1 : vector<16xf32> to vector<1x16xf32>
      tpu.vector_store %arg5[%swap3A, %swap3A_26], %swap3A_29 {strides = array<i32>} : memref<100x16xf32, #tpu.memory_space<vmem>>, vector<1x16xf32>,
    }
    %scan3A_7 = arith.constant 100 : i32
    %scan3A_8 = arith.constant 0 : i32
    %scan3A_9 = arith.constant 640 : i32
    %scan3A_10 = arith.addi %scan3A_8, %scan3A_9 : i32
    %scan3A_11 = arith.constant 1 : i32
    scf.for %scan3A_25 = %scan3A_8 to %scan3A_10 step %scan3A_11  : i32 {
      %swap3A = arith.index_cast %scan3A_25 : i32 to index
      %swap3A_26 = arith.constant 0 : index
      %swap3A_27 = tpu.vector_load %arg6[%swap3A, %swap3A_26] {strides = array<i32>} : memref<640x16xf32, #tpu.memory_space<vmem>>, vector<1x16xf32>,
      %swap3A_28 = vector.shape_cast %swap3A_27 : vector<1x16xf32> to vector<16xf32>
      %swap3A_29 = vector.shape_cast %broadcast_in_dim3A_3 : vector<16xf32> to vector<1x16xf32>
      tpu.vector_store %arg6[%swap3A, %swap3A_26], %swap3A_29 {strides = array<i32>} : memref<640x16xf32, #tpu.memory_space<vmem>>, vector<1x16xf32>,
    }
    %scan3A_12 = arith.constant 640 : i32
    %mul3A_13 = arith.constant 640 : i32
    %mul3A_14 = arith.muli %arg1, %mul3A_13 : i32
    "tpu.region"() ({
      %run_scoped3A = tpu.sem_alloc : memref<!tpu.dma_semaphore, #tpu.memory_space<semaphore_mem>>
      %dma_start3A = arith.constant 0 : i32
      %dma_start3A_25 = tpu.memref_slice %arg7[%mul3A_14, %dma_start3A] : memref<10240x16xf32, #tpu.memory_space<vmem_shared>> -> memref<640x16xf32, #tpu.memory_space<vmem_shared>>
      %dma_start3A_26 = arith.constant 0 : i32
      %dma_start3A_27 = tpu.memref_slice %arg7[%mul3A_14, %dma_start3A_26] : memref<10240x16xf32, #tpu.memory_space<vmem_shared>> -> memref<640x16xf32, #tpu.memory_space<vmem_shared>>
      tpu.enqueue_dma source(%arg6 : memref<640x16xf32, #tpu.memory_space<vmem>>) target(%dma_start3A_27 : memref<640x16xf32, #tpu.memory_space<vmem_shared>>) target_semaphore(%run_scoped3A : memref<!tpu.dma_semaphore, #tpu.memory_space<semaphore_mem>>)
      %dma_wait3A = arith.constant 0 : i32
      %dma_wait3A_28 = tpu.memref_slice %arg7[%mul3A_14, %dma_wait3A] : memref<10240x16xf32, #tpu.memory_space<vmem_shared>> -> memref<640x16xf32, #tpu.memory_space<vmem_shared>>
      %dma_wait3A_29 = arith.constant 0 : i32
      %dma_wait3A_30 = tpu.memref_slice %arg7[%mul3A_14, %dma_wait3A_29] : memref<10240x16xf32, #tpu.memory_space<vmem_shared>> -> memref<640x16xf32, #tpu.memory_space<vmem_shared>>
      tpu.wait_dma2 semaphore(%run_scoped3A : memref<!tpu.dma_semaphore, #tpu.memory_space<semaphore_mem>>) src(%arg6 : memref<640x16xf32, #tpu.memory_space<vmem>>) dst(%dma_wait3A_30 : memref<640x16xf32, #tpu.memory_space<vmem_shared>>)
      tpu.yield
    }) : () -> ()
    %barrier3A = arith.constant 0 : index
    tpu.barrier barrier_id(%barrier3A)
    %scan3A_15 = arith.constant 0 : i32
    %scan3A_16 = arith.constant 50 : i32
    %scan3A_17 = arith.addi %scan3A_15, %scan3A_16 : i32
    %scan3A_18 = arith.constant 1 : i32
    scf.for %scan3A_25 = %scan3A_15 to %scan3A_17 step %scan3A_18  : i32 {
      "tpu.region"() ({
        %run_scoped3A = tpu.sem_alloc : memref<!tpu.dma_semaphore, #tpu.memory_space<semaphore_mem>>
        %dma_start3A = arith.constant 0 : i32
        %dma_start3A_26 = tpu.memref_slice %arg4[%scan3A_25, %dma_start3A] : memref<50x100xi32, #tpu.memory_space<vmem>> -> memref<1x100xi32, #tpu.memory_space<vmem>>
        %dma_start3A_27 = tpu.memref_squeeze %dma_start3A_26 : memref<1x100xi32, #tpu.memory_space<vmem>> -> memref<100xi32, #tpu.memory_space<vmem>>
        %dma_start3A_28 = arith.constant 0 : i32
        %dma_start3A_29 = arith.constant 0 : i32
        %dma_start3A_30 = tpu.memref_slice %arg7[%dma_start3A_28, %dma_start3A_29] : memref<10240x16xf32, #tpu.memory_space<vmem_shared>> -> memref<10240x16xf32, #tpu.memory_space<vmem_shared>>
        tpu.enqueue_indirect_dma source(%arg5 : memref<100x16xf32, #tpu.memory_space<vmem>>) target(%dma_start3A_30 : memref<10240x16xf32, #tpu.memory_space<vmem_shared>>) offsets(%dma_start3A_27 : memref<100xi32, #tpu.memory_space<vmem>>) semaphore(%run_scoped3A : memref<!tpu.dma_semaphore, #tpu.memory_space<semaphore_mem>>) {add = true}
        %dma_wait3A = arith.constant 0 : i32
        %dma_wait3A_31 = tpu.memref_slice %arg4[%scan3A_25, %dma_wait3A] : memref<50x100xi32, #tpu.memory_space<vmem>> -> memref<1x100xi32, #tpu.memory_space<vmem>>
        %dma_wait3A_32 = tpu.memref_squeeze %dma_wait3A_31 : memref<1x100xi32, #tpu.memory_space<vmem>> -> memref<100xi32, #tpu.memory_space<vmem>>
        %dma_wait3A_33 = arith.constant 0 : i32
        %dma_wait3A_34 = arith.constant 0 : i32
        %dma_wait3A_35 = tpu.memref_slice %arg7[%dma_wait3A_33, %dma_wait3A_34] : memref<10240x16xf32, #tpu.memory_space<vmem_shared>> -> memref<10240x16xf32, #tpu.memory_space<vmem_shared>>
        tpu.wait_indirect_dma semaphore(%run_scoped3A : memref<!tpu.dma_semaphore, #tpu.memory_space<semaphore_mem>>) src(%arg5 : memref<100x16xf32, #tpu.memory_space<vmem>>) dst(%dma_wait3A_35 : memref<10240x16xf32, #tpu.memory_space<vmem_shared>>)
        tpu.yield
      }) : () -> ()
    }
    %scan3A_19 = arith.constant 50 : i32
    %barrier3A_20 = arith.constant 0 : index
    tpu.barrier barrier_id(%barrier3A_20)
    %mul3A_21 = arith.constant 640 : i32
    %mul3A_22 = arith.muli %arg1, %mul3A_21 : i32
    %mul3A_23 = arith.constant 640 : i32
    %mul3A_24 = arith.muli %arg1, %mul3A_23 : i32
    "tpu.region"() ({
      %run_scoped3A = tpu.sem_alloc : memref<!tpu.dma_semaphore, #tpu.memory_space<semaphore_mem>>
      %dma_start3A = arith.constant 0 : i32
      %dma_start3A_25 = tpu.memref_slice %arg3[%arg0, %mul3A_24, %dma_start3A] : memref<2x10240x16xf32, #tpu.memory_space<hbm>> -> memref<1x640x16xf32, #tpu.memory_space<hbm>>
      %dma_start3A_26 = tpu.memref_squeeze %dma_start3A_25 : memref<1x640x16xf32, #tpu.memory_space<hbm>> -> memref<640x16xf32, #tpu.memory_space<hbm>>
      %dma_start3A_27 = arith.constant 0 : i32
      %dma_start3A_28 = tpu.memref_slice %arg7[%mul3A_22, %dma_start3A_27] : memref<10240x16xf32, #tpu.memory_space<vmem_shared>> -> memref<640x16xf32, #tpu.memory_space<vmem_shared>>
      tpu.enqueue_dma source(%dma_start3A_28 : memref<640x16xf32, #tpu.memory_space<vmem_shared>>) target(%dma_start3A_26 : memref<640x16xf32, #tpu.memory_space<hbm>>) target_semaphore(%run_scoped3A : memref<!tpu.dma_semaphore, #tpu.memory_space<semaphore_mem>>)
      %dma_wait3A = arith.constant 0 : i32
      %dma_wait3A_29 = tpu.memref_slice %arg3[%arg0, %mul3A_24, %dma_wait3A] : memref<2x10240x16xf32, #tpu.memory_space<hbm>> -> memref<1x640x16xf32, #tpu.memory_space<hbm>>
      %dma_wait3A_30 = tpu.memref_squeeze %dma_wait3A_29 : memref<1x640x16xf32, #tpu.memory_space<hbm>> -> memref<640x16xf32, #tpu.memory_space<hbm>>
      %dma_wait3A_31 = arith.constant 0 : i32
      %dma_wait3A_32 = tpu.memref_slice %arg7[%mul3A_22, %dma_wait3A_31] : memref<10240x16xf32, #tpu.memory_space<vmem_shared>> -> memref<640x16xf32, #tpu.memory_space<vmem_shared>>
      tpu.wait_dma2 semaphore(%run_scoped3A : memref<!tpu.dma_semaphore, #tpu.memory_space<semaphore_mem>>) src(%dma_wait3A_32 : memref<640x16xf32, #tpu.memory_space<vmem_shared>>) dst(%dma_wait3A_30 : memref<640x16xf32, #tpu.memory_space<hbm>>)
      tpu.yield
    }) : () -> ()
    return
  }
}

#map = affine_map<(d0, d1) -> (0, 0)>
#map1 = affine_map<(d0, d1) -> (0, 0, 0)>
module attributes {stable_mosaic.version = 14 : i64} {
  func.func @smooth(%arg0: i32, %arg1: i32, %arg2: memref<10000x128xf32, #tpu.memory_space<hbm>>, %arg3: memref<10000x128xf32, #tpu.memory_space<hbm>>, %arg4: memref<16x125x80xi32, #tpu.memory_space<hbm>>, %arg5: memref<16x125x80xi32, #tpu.memory_space<hbm>>, %arg6: memref<10000x128xf32, #tpu.memory_space<hbm>>, %arg7: memref<10000x128xf32, #tpu.memory_space<hbm>>, %arg8: memref<125x80xi32, #tpu.memory_space<vmem>>, %arg9: memref<125x80xi32, #tpu.memory_space<vmem>>, %arg10: memref<125x80xi32, #tpu.memory_space<vmem>>, %arg11: memref<80x128xf32, #tpu.memory_space<vmem>>, %arg12: memref<80x128xf32, #tpu.memory_space<vmem>>, %arg13: memref<80x128xf32, #tpu.memory_space<vmem>>, %arg14: memref<5120x128xf32, #tpu.memory_space<vmem_shared>>, %arg15: memref<!tpu.dma_semaphore, #tpu.memory_space<semaphore_mem>>, %arg16: memref<!tpu.dma_semaphore, #tpu.memory_space<semaphore_mem>>) attributes {dimension_semantics = [#tpu.dimension_semantics<core_parallel>, #tpu.dimension_semantics<subcore_parallel>], iteration_bounds = array<i64: 2, 16>, scalar_prefetch = 0 : i64, scratch_operands = 9 : i64, tpu.core_type = #tpu.core_type<sc_vector_subcore>, window_params = [{transform_indices = #map}, {transform_indices = #map}, {transform_indices = #map1}, {transform_indices = #map1}, {transform_indices = #map}, {transform_indices = #map}]} {
    "tpu.region"() ({
      %run_scoped3A_104 = tpu.sem_alloc : memref<!tpu.dma_semaphore, #tpu.memory_space<semaphore_mem>>
      %dma_start3A_105 = arith.constant 0 : i32
      %dma_start3A_106 = arith.constant 0 : i32
      %dma_start3A_107 = tpu.memref_slice %arg4[%arg1, %dma_start3A_105, %dma_start3A_106] : memref<16x125x80xi32, #tpu.memory_space<hbm>> -> memref<1x125x80xi32, #tpu.memory_space<hbm>>
      %dma_start3A_108 = tpu.memref_squeeze %dma_start3A_107 : memref<1x125x80xi32, #tpu.memory_space<hbm>> -> memref<125x80xi32, #tpu.memory_space<hbm>>
      %dma_start3A_109 = arith.constant 0 : i32
      %dma_start3A_110 = arith.constant 0 : i32
      %dma_start3A_111 = tpu.memref_slice %arg4[%arg1, %dma_start3A_109, %dma_start3A_110] : memref<16x125x80xi32, #tpu.memory_space<hbm>> -> memref<1x125x80xi32, #tpu.memory_space<hbm>>
      %dma_start3A_112 = tpu.memref_squeeze %dma_start3A_111 : memref<1x125x80xi32, #tpu.memory_space<hbm>> -> memref<125x80xi32, #tpu.memory_space<hbm>>
      tpu.enqueue_dma source(%dma_start3A_112 : memref<125x80xi32, #tpu.memory_space<hbm>>) target(%arg8 : memref<125x80xi32, #tpu.memory_space<vmem>>) target_semaphore(%run_scoped3A_104 : memref<!tpu.dma_semaphore, #tpu.memory_space<semaphore_mem>>)
      %dma_wait3A_113 = arith.constant 0 : i32
      %dma_wait3A_114 = arith.constant 0 : i32
      %dma_wait3A_115 = tpu.memref_slice %arg4[%arg1, %dma_wait3A_113, %dma_wait3A_114] : memref<16x125x80xi32, #tpu.memory_space<hbm>> -> memref<1x125x80xi32, #tpu.memory_space<hbm>>
      %dma_wait3A_116 = tpu.memref_squeeze %dma_wait3A_115 : memref<1x125x80xi32, #tpu.memory_space<hbm>> -> memref<125x80xi32, #tpu.memory_space<hbm>>
      %dma_wait3A_117 = arith.constant 0 : i32
      %dma_wait3A_118 = arith.constant 0 : i32
      %dma_wait3A_119 = tpu.memref_slice %arg4[%arg1, %dma_wait3A_117, %dma_wait3A_118] : memref<16x125x80xi32, #tpu.memory_space<hbm>> -> memref<1x125x80xi32, #tpu.memory_space<hbm>>
      %dma_wait3A_120 = tpu.memref_squeeze %dma_wait3A_119 : memref<1x125x80xi32, #tpu.memory_space<hbm>> -> memref<125x80xi32, #tpu.memory_space<hbm>>
      tpu.wait_dma2 semaphore(%run_scoped3A_104 : memref<!tpu.dma_semaphore, #tpu.memory_space<semaphore_mem>>) src(%dma_wait3A_120 : memref<125x80xi32, #tpu.memory_space<hbm>>) dst(%arg8 : memref<125x80xi32, #tpu.memory_space<vmem>>)
      tpu.yield
    }) : () -> ()
    "tpu.region"() ({
      %run_scoped3A_104 = tpu.sem_alloc : memref<!tpu.dma_semaphore, #tpu.memory_space<semaphore_mem>>
      %dma_start3A_105 = arith.constant 0 : i32
      %dma_start3A_106 = arith.constant 0 : i32
      %dma_start3A_107 = tpu.memref_slice %arg5[%arg1, %dma_start3A_105, %dma_start3A_106] : memref<16x125x80xi32, #tpu.memory_space<hbm>> -> memref<1x125x80xi32, #tpu.memory_space<hbm>>
      %dma_start3A_108 = tpu.memref_squeeze %dma_start3A_107 : memref<1x125x80xi32, #tpu.memory_space<hbm>> -> memref<125x80xi32, #tpu.memory_space<hbm>>
      %dma_start3A_109 = arith.constant 0 : i32
      %dma_start3A_110 = arith.constant 0 : i32
      %dma_start3A_111 = tpu.memref_slice %arg5[%arg1, %dma_start3A_109, %dma_start3A_110] : memref<16x125x80xi32, #tpu.memory_space<hbm>> -> memref<1x125x80xi32, #tpu.memory_space<hbm>>
      %dma_start3A_112 = tpu.memref_squeeze %dma_start3A_111 : memref<1x125x80xi32, #tpu.memory_space<hbm>> -> memref<125x80xi32, #tpu.memory_space<hbm>>
      tpu.enqueue_dma source(%dma_start3A_112 : memref<125x80xi32, #tpu.memory_space<hbm>>) target(%arg9 : memref<125x80xi32, #tpu.memory_space<vmem>>) target_semaphore(%run_scoped3A_104 : memref<!tpu.dma_semaphore, #tpu.memory_space<semaphore_mem>>)
      %dma_wait3A_113 = arith.constant 0 : i32
      %dma_wait3A_114 = arith.constant 0 : i32
      %dma_wait3A_115 = tpu.memref_slice %arg5[%arg1, %dma_wait3A_113, %dma_wait3A_114] : memref<16x125x80xi32, #tpu.memory_space<hbm>> -> memref<1x125x80xi32, #tpu.memory_space<hbm>>
      %dma_wait3A_116 = tpu.memref_squeeze %dma_wait3A_115 : memref<1x125x80xi32, #tpu.memory_space<hbm>> -> memref<125x80xi32, #tpu.memory_space<hbm>>
      %dma_wait3A_117 = arith.constant 0 : i32
      %dma_wait3A_118 = arith.constant 0 : i32
      %dma_wait3A_119 = tpu.memref_slice %arg5[%arg1, %dma_wait3A_117, %dma_wait3A_118] : memref<16x125x80xi32, #tpu.memory_space<hbm>> -> memref<1x125x80xi32, #tpu.memory_space<hbm>>
      %dma_wait3A_120 = tpu.memref_squeeze %dma_wait3A_119 : memref<1x125x80xi32, #tpu.memory_space<hbm>> -> memref<125x80xi32, #tpu.memory_space<hbm>>
      tpu.wait_dma2 semaphore(%run_scoped3A_104 : memref<!tpu.dma_semaphore, #tpu.memory_space<semaphore_mem>>) src(%dma_wait3A_120 : memref<125x80xi32, #tpu.memory_space<hbm>>) dst(%arg9 : memref<125x80xi32, #tpu.memory_space<vmem>>)
      tpu.yield
    }) : () -> ()
    %mul3A = arith.constant 5000 : i32
    %mul3A_0 = arith.muli %arg0, %mul3A : i32
    %scan3A = arith.constant 0 : i32
    %scan3A_1 = arith.constant 125 : i32
    %scan3A_2 = arith.addi %scan3A, %scan3A_1 : i32
    %scan3A_3 = arith.constant 1 : i32
    scf.for %scan3A_104 = %scan3A to %scan3A_2 step %scan3A_3  : i32 {
      %get3A = arith.index_cast %scan3A_104 : i32 to index
      %get3A_105 = arith.constant 0 : index
      %get3A_106 = tpu.vector_load %arg9[%get3A, %get3A_105] {strides = array<i32>} : memref<125x80xi32, #tpu.memory_space<vmem>>, vector<1x16xi32>,
      %get3A_107 = vector.shape_cast %get3A_106 : vector<1x16xi32> to vector<16xi32>
      %sub3A = vector.broadcast %mul3A_0 : i32 to vector<16xi32>
      %sub3A_108 = arith.subi %get3A_107, %sub3A : vector<16xi32>
      %ge3A = arith.constant 0 : i32
      %ge3A_109 = vector.broadcast %ge3A : i32 to vector<16xi32>
      %ge3A_110 = arith.cmpi sge, %sub3A_108, %ge3A_109 : vector<16xi32>
      %lt3A = arith.constant 5000 : i32
      %lt3A_111 = vector.broadcast %lt3A : i32 to vector<16xi32>
      %lt3A_112 = arith.cmpi slt, %sub3A_108, %lt3A_111 : vector<16xi32>
      %and3A = arith.andi %ge3A_110, %lt3A_112 : vector<16xi1>
      %jit3A = arith.constant 5000 : i32
      %broadcast_in_dim3A_113 = vector.broadcast %jit3A : i32 to vector<16xi32>
      %select_n3A = arith.select %and3A, %sub3A_108, %broadcast_in_dim3A_113 : vector<16xi1>, vector<16xi32>
      %swap3A = arith.index_cast %scan3A_104 : i32 to index
      %swap3A_114 = arith.constant 0 : index
      %swap3A_115 = tpu.vector_load %arg10[%swap3A, %swap3A_114] {strides = array<i32>} : memref<125x80xi32, #tpu.memory_space<vmem>>, vector<1x16xi32>,
      %swap3A_116 = vector.shape_cast %swap3A_115 : vector<1x16xi32> to vector<16xi32>
      %swap3A_117 = vector.shape_cast %select_n3A : vector<16xi32> to vector<1x16xi32>
      tpu.vector_store %arg10[%swap3A, %swap3A_114], %swap3A_117 {strides = array<i32>} : memref<125x80xi32, #tpu.memory_space<vmem>>, vector<1x16xi32>,
      %get3A_118 = arith.index_cast %scan3A_104 : i32 to index
      %get3A_119 = arith.constant 16 : index
      %get3A_120 = tpu.vector_load %arg9[%get3A_118, %get3A_119] {strides = array<i32>} : memref<125x80xi32, #tpu.memory_space<vmem>>, vector<1x16xi32>,
      %get3A_121 = vector.shape_cast %get3A_120 : vector<1x16xi32> to vector<16xi32>
      %sub3A_122 = vector.broadcast %mul3A_0 : i32 to vector<16xi32>
      %sub3A_123 = arith.subi %get3A_121, %sub3A_122 : vector<16xi32>
      %ge3A_124 = arith.constant 0 : i32
      %ge3A_125 = vector.broadcast %ge3A_124 : i32 to vector<16xi32>
      %ge3A_126 = arith.cmpi sge, %sub3A_123, %ge3A_125 : vector<16xi32>
      %lt3A_127 = arith.constant 5000 : i32
      %lt3A_128 = vector.broadcast %lt3A_127 : i32 to vector<16xi32>
      %lt3A_129 = arith.cmpi slt, %sub3A_123, %lt3A_128 : vector<16xi32>
      %and3A_130 = arith.andi %ge3A_126, %lt3A_129 : vector<16xi1>
      %jit3A_131 = arith.constant 5000 : i32
      %broadcast_in_dim3A_132 = vector.broadcast %jit3A_131 : i32 to vector<16xi32>
      %select_n3A_133 = arith.select %and3A_130, %sub3A_123, %broadcast_in_dim3A_132 : vector<16xi1>, vector<16xi32>
      %swap3A_134 = arith.index_cast %scan3A_104 : i32 to index
      %swap3A_135 = arith.constant 16 : index
      %swap3A_136 = tpu.vector_load %arg10[%swap3A_134, %swap3A_135] {strides = array<i32>} : memref<125x80xi32, #tpu.memory_space<vmem>>, vector<1x16xi32>,
      %swap3A_137 = vector.shape_cast %swap3A_136 : vector<1x16xi32> to vector<16xi32>
      %swap3A_138 = vector.shape_cast %select_n3A_133 : vector<16xi32> to vector<1x16xi32>
      tpu.vector_store %arg10[%swap3A_134, %swap3A_135], %swap3A_138 {strides = array<i32>} : memref<125x80xi32, #tpu.memory_space<vmem>>, vector<1x16xi32>,
      %get3A_139 = arith.index_cast %scan3A_104 : i32 to index
      %get3A_140 = arith.constant 32 : index
      %get3A_141 = tpu.vector_load %arg9[%get3A_139, %get3A_140] {strides = array<i32>} : memref<125x80xi32, #tpu.memory_space<vmem>>, vector<1x16xi32>,
      %get3A_142 = vector.shape_cast %get3A_141 : vector<1x16xi32> to vector<16xi32>
      %sub3A_143 = vector.broadcast %mul3A_0 : i32 to vector<16xi32>
      %sub3A_144 = arith.subi %get3A_142, %sub3A_143 : vector<16xi32>
      %ge3A_145 = arith.constant 0 : i32
      %ge3A_146 = vector.broadcast %ge3A_145 : i32 to vector<16xi32>
      %ge3A_147 = arith.cmpi sge, %sub3A_144, %ge3A_146 : vector<16xi32>
      %lt3A_148 = arith.constant 5000 : i32
      %lt3A_149 = vector.broadcast %lt3A_148 : i32 to vector<16xi32>
      %lt3A_150 = arith.cmpi slt, %sub3A_144, %lt3A_149 : vector<16xi32>
      %and3A_151 = arith.andi %ge3A_147, %lt3A_150 : vector<16xi1>
      %jit3A_152 = arith.constant 5000 : i32
      %broadcast_in_dim3A_153 = vector.broadcast %jit3A_152 : i32 to vector<16xi32>
      %select_n3A_154 = arith.select %and3A_151, %sub3A_144, %broadcast_in_dim3A_153 : vector<16xi1>, vector<16xi32>
      %swap3A_155 = arith.index_cast %scan3A_104 : i32 to index
      %swap3A_156 = arith.constant 32 : index
      %swap3A_157 = tpu.vector_load %arg10[%swap3A_155, %swap3A_156] {strides = array<i32>} : memref<125x80xi32, #tpu.memory_space<vmem>>, vector<1x16xi32>,
      %swap3A_158 = vector.shape_cast %swap3A_157 : vector<1x16xi32> to vector<16xi32>
      %swap3A_159 = vector.shape_cast %select_n3A_154 : vector<16xi32> to vector<1x16xi32>
      tpu.vector_store %arg10[%swap3A_155, %swap3A_156], %swap3A_159 {strides = array<i32>} : memref<125x80xi32, #tpu.memory_space<vmem>>, vector<1x16xi32>,
      %get3A_160 = arith.index_cast %scan3A_104 : i32 to index
      %get3A_161 = arith.constant 48 : index
      %get3A_162 = tpu.vector_load %arg9[%get3A_160, %get3A_161] {strides = array<i32>} : memref<125x80xi32, #tpu.memory_space<vmem>>, vector<1x16xi32>,
      %get3A_163 = vector.shape_cast %get3A_162 : vector<1x16xi32> to vector<16xi32>
      %sub3A_164 = vector.broadcast %mul3A_0 : i32 to vector<16xi32>
      %sub3A_165 = arith.subi %get3A_163, %sub3A_164 : vector<16xi32>
      %ge3A_166 = arith.constant 0 : i32
      %ge3A_167 = vector.broadcast %ge3A_166 : i32 to vector<16xi32>
      %ge3A_168 = arith.cmpi sge, %sub3A_165, %ge3A_167 : vector<16xi32>
      %lt3A_169 = arith.constant 5000 : i32
      %lt3A_170 = vector.broadcast %lt3A_169 : i32 to vector<16xi32>
      %lt3A_171 = arith.cmpi slt, %sub3A_165, %lt3A_170 : vector<16xi32>
      %and3A_172 = arith.andi %ge3A_168, %lt3A_171 : vector<16xi1>
      %jit3A_173 = arith.constant 5000 : i32
      %broadcast_in_dim3A_174 = vector.broadcast %jit3A_173 : i32 to vector<16xi32>
      %select_n3A_175 = arith.select %and3A_172, %sub3A_165, %broadcast_in_dim3A_174 : vector<16xi1>, vector<16xi32>
      %swap3A_176 = arith.index_cast %scan3A_104 : i32 to index
      %swap3A_177 = arith.constant 48 : index
      %swap3A_178 = tpu.vector_load %arg10[%swap3A_176, %swap3A_177] {strides = array<i32>} : memref<125x80xi32, #tpu.memory_space<vmem>>, vector<1x16xi32>,
      %swap3A_179 = vector.shape_cast %swap3A_178 : vector<1x16xi32> to vector<16xi32>
      %swap3A_180 = vector.shape_cast %select_n3A_175 : vector<16xi32> to vector<1x16xi32>
      tpu.vector_store %arg10[%swap3A_176, %swap3A_177], %swap3A_180 {strides = array<i32>} : memref<125x80xi32, #tpu.memory_space<vmem>>, vector<1x16xi32>,
      %get3A_181 = arith.index_cast %scan3A_104 : i32 to index
      %get3A_182 = arith.constant 64 : index
      %get3A_183 = tpu.vector_load %arg9[%get3A_181, %get3A_182] {strides = array<i32>} : memref<125x80xi32, #tpu.memory_space<vmem>>, vector<1x16xi32>,
      %get3A_184 = vector.shape_cast %get3A_183 : vector<1x16xi32> to vector<16xi32>
      %sub3A_185 = vector.broadcast %mul3A_0 : i32 to vector<16xi32>
      %sub3A_186 = arith.subi %get3A_184, %sub3A_185 : vector<16xi32>
      %ge3A_187 = arith.constant 0 : i32
      %ge3A_188 = vector.broadcast %ge3A_187 : i32 to vector<16xi32>
      %ge3A_189 = arith.cmpi sge, %sub3A_186, %ge3A_188 : vector<16xi32>
      %lt3A_190 = arith.constant 5000 : i32
      %lt3A_191 = vector.broadcast %lt3A_190 : i32 to vector<16xi32>
      %lt3A_192 = arith.cmpi slt, %sub3A_186, %lt3A_191 : vector<16xi32>
      %and3A_193 = arith.andi %ge3A_189, %lt3A_192 : vector<16xi1>
      %jit3A_194 = arith.constant 5000 : i32
      %broadcast_in_dim3A_195 = vector.broadcast %jit3A_194 : i32 to vector<16xi32>
      %select_n3A_196 = arith.select %and3A_193, %sub3A_186, %broadcast_in_dim3A_195 : vector<16xi1>, vector<16xi32>
      %swap3A_197 = arith.index_cast %scan3A_104 : i32 to index
      %swap3A_198 = arith.constant 64 : index
      %swap3A_199 = tpu.vector_load %arg10[%swap3A_197, %swap3A_198] {strides = array<i32>} : memref<125x80xi32, #tpu.memory_space<vmem>>, vector<1x16xi32>,
      %swap3A_200 = vector.shape_cast %swap3A_199 : vector<1x16xi32> to vector<16xi32>
      %swap3A_201 = vector.shape_cast %select_n3A_196 : vector<16xi32> to vector<1x16xi32>
      tpu.vector_store %arg10[%swap3A_197, %swap3A_198], %swap3A_201 {strides = array<i32>} : memref<125x80xi32, #tpu.memory_space<vmem>>, vector<1x16xi32>,
    }
    %scan3A_4 = arith.constant 125 : i32
    %broadcast_in_dim3A = arith.constant 0.000000e+00 : f32
    %broadcast_in_dim3A_5 = vector.broadcast %broadcast_in_dim3A : f32 to vector<16xf32>
    %scan3A_6 = arith.constant 0 : i32
    %scan3A_7 = arith.constant 80 : i32
    %scan3A_8 = arith.addi %scan3A_6, %scan3A_7 : i32
    %scan3A_9 = arith.constant 1 : i32
    scf.for %scan3A_104 = %scan3A_6 to %scan3A_8 step %scan3A_9  : i32 {
      %swap3A = arith.index_cast %scan3A_104 : i32 to index
      %swap3A_105 = arith.constant 0 : index
      %swap3A_106 = tpu.vector_load %arg13[%swap3A, %swap3A_105] {strides = array<i32>} : memref<80x128xf32, #tpu.memory_space<vmem>>, vector<1x16xf32>,
      %swap3A_107 = vector.shape_cast %swap3A_106 : vector<1x16xf32> to vector<16xf32>
      %swap3A_108 = vector.shape_cast %broadcast_in_dim3A_5 : vector<16xf32> to vector<1x16xf32>
      tpu.vector_store %arg13[%swap3A, %swap3A_105], %swap3A_108 {strides = array<i32>} : memref<80x128xf32, #tpu.memory_space<vmem>>, vector<1x16xf32>,
      %swap3A_109 = arith.index_cast %scan3A_104 : i32 to index
      %swap3A_110 = arith.constant 16 : index
      %swap3A_111 = tpu.vector_load %arg13[%swap3A_109, %swap3A_110] {strides = array<i32>} : memref<80x128xf32, #tpu.memory_space<vmem>>, vector<1x16xf32>,
      %swap3A_112 = vector.shape_cast %swap3A_111 : vector<1x16xf32> to vector<16xf32>
      %swap3A_113 = vector.shape_cast %broadcast_in_dim3A_5 : vector<16xf32> to vector<1x16xf32>
      tpu.vector_store %arg13[%swap3A_109, %swap3A_110], %swap3A_113 {strides = array<i32>} : memref<80x128xf32, #tpu.memory_space<vmem>>, vector<1x16xf32>,
      %swap3A_114 = arith.index_cast %scan3A_104 : i32 to index
      %swap3A_115 = arith.constant 32 : index
      %swap3A_116 = tpu.vector_load %arg13[%swap3A_114, %swap3A_115] {strides = array<i32>} : memref<80x128xf32, #tpu.memory_space<vmem>>, vector<1x16xf32>,
      %swap3A_117 = vector.shape_cast %swap3A_116 : vector<1x16xf32> to vector<16xf32>
      %swap3A_118 = vector.shape_cast %broadcast_in_dim3A_5 : vector<16xf32> to vector<1x16xf32>
      tpu.vector_store %arg13[%swap3A_114, %swap3A_115], %swap3A_118 {strides = array<i32>} : memref<80x128xf32, #tpu.memory_space<vmem>>, vector<1x16xf32>,
      %swap3A_119 = arith.index_cast %scan3A_104 : i32 to index
      %swap3A_120 = arith.constant 48 : index
      %swap3A_121 = tpu.vector_load %arg13[%swap3A_119, %swap3A_120] {strides = array<i32>} : memref<80x128xf32, #tpu.memory_space<vmem>>, vector<1x16xf32>,
      %swap3A_122 = vector.shape_cast %swap3A_121 : vector<1x16xf32> to vector<16xf32>
      %swap3A_123 = vector.shape_cast %broadcast_in_dim3A_5 : vector<16xf32> to vector<1x16xf32>
      tpu.vector_store %arg13[%swap3A_119, %swap3A_120], %swap3A_123 {strides = array<i32>} : memref<80x128xf32, #tpu.memory_space<vmem>>, vector<1x16xf32>,
      %swap3A_124 = arith.index_cast %scan3A_104 : i32 to index
      %swap3A_125 = arith.constant 64 : index
      %swap3A_126 = tpu.vector_load %arg13[%swap3A_124, %swap3A_125] {strides = array<i32>} : memref<80x128xf32, #tpu.memory_space<vmem>>, vector<1x16xf32>,
      %swap3A_127 = vector.shape_cast %swap3A_126 : vector<1x16xf32> to vector<16xf32>
      %swap3A_128 = vector.shape_cast %broadcast_in_dim3A_5 : vector<16xf32> to vector<1x16xf32>
      tpu.vector_store %arg13[%swap3A_124, %swap3A_125], %swap3A_128 {strides = array<i32>} : memref<80x128xf32, #tpu.memory_space<vmem>>, vector<1x16xf32>,
      %swap3A_129 = arith.index_cast %scan3A_104 : i32 to index
      %swap3A_130 = arith.constant 80 : index
      %swap3A_131 = tpu.vector_load %arg13[%swap3A_129, %swap3A_130] {strides = array<i32>} : memref<80x128xf32, #tpu.memory_space<vmem>>, vector<1x16xf32>,
      %swap3A_132 = vector.shape_cast %swap3A_131 : vector<1x16xf32> to vector<16xf32>
      %swap3A_133 = vector.shape_cast %broadcast_in_dim3A_5 : vector<16xf32> to vector<1x16xf32>
      tpu.vector_store %arg13[%swap3A_129, %swap3A_130], %swap3A_133 {strides = array<i32>} : memref<80x128xf32, #tpu.memory_space<vmem>>, vector<1x16xf32>,
      %swap3A_134 = arith.index_cast %scan3A_104 : i32 to index
      %swap3A_135 = arith.constant 96 : index
      %swap3A_136 = tpu.vector_load %arg13[%swap3A_134, %swap3A_135] {strides = array<i32>} : memref<80x128xf32, #tpu.memory_space<vmem>>, vector<1x16xf32>,
      %swap3A_137 = vector.shape_cast %swap3A_136 : vector<1x16xf32> to vector<16xf32>
      %swap3A_138 = vector.shape_cast %broadcast_in_dim3A_5 : vector<16xf32> to vector<1x16xf32>
      tpu.vector_store %arg13[%swap3A_134, %swap3A_135], %swap3A_138 {strides = array<i32>} : memref<80x128xf32, #tpu.memory_space<vmem>>, vector<1x16xf32>,
      %swap3A_139 = arith.index_cast %scan3A_104 : i32 to index
      %swap3A_140 = arith.constant 112 : index
      %swap3A_141 = tpu.vector_load %arg13[%swap3A_139, %swap3A_140] {strides = array<i32>} : memref<80x128xf32, #tpu.memory_space<vmem>>, vector<1x16xf32>,
      %swap3A_142 = vector.shape_cast %swap3A_141 : vector<1x16xf32> to vector<16xf32>
      %swap3A_143 = vector.shape_cast %broadcast_in_dim3A_5 : vector<16xf32> to vector<1x16xf32>
      tpu.vector_store %arg13[%swap3A_139, %swap3A_140], %swap3A_143 {strides = array<i32>} : memref<80x128xf32, #tpu.memory_space<vmem>>, vector<1x16xf32>,
    }
    %scan3A_10 = arith.constant 80 : i32
    %mul3A_11 = arith.constant 320 : i32
    %mul3A_12 = arith.muli %arg1, %mul3A_11 : i32
    %add3A = arith.constant 0 : i32
    %add3A_13 = arith.addi %mul3A_12, %add3A : i32
    "tpu.region"() ({
      %run_scoped3A_104 = tpu.sem_alloc : memref<!tpu.dma_semaphore, #tpu.memory_space<semaphore_mem>>
      %dma_start3A_105 = arith.constant 0 : i32
      %dma_start3A_106 = tpu.memref_slice %arg14[%add3A_13, %dma_start3A_105] : memref<5120x128xf32, #tpu.memory_space<vmem_shared>> -> memref<80x128xf32, #tpu.memory_space<vmem_shared>>
      %dma_start3A_107 = arith.constant 0 : i32
      %dma_start3A_108 = tpu.memref_slice %arg14[%add3A_13, %dma_start3A_107] : memref<5120x128xf32, #tpu.memory_space<vmem_shared>> -> memref<80x128xf32, #tpu.memory_space<vmem_shared>>
      tpu.enqueue_dma source(%arg13 : memref<80x128xf32, #tpu.memory_space<vmem>>) target(%dma_start3A_108 : memref<80x128xf32, #tpu.memory_space<vmem_shared>>) target_semaphore(%run_scoped3A_104 : memref<!tpu.dma_semaphore, #tpu.memory_space<semaphore_mem>>)
      %dma_wait3A_109 = arith.constant 0 : i32
      %dma_wait3A_110 = tpu.memref_slice %arg14[%add3A_13, %dma_wait3A_109] : memref<5120x128xf32, #tpu.memory_space<vmem_shared>> -> memref<80x128xf32, #tpu.memory_space<vmem_shared>>
      %dma_wait3A_111 = arith.constant 0 : i32
      %dma_wait3A_112 = tpu.memref_slice %arg14[%add3A_13, %dma_wait3A_111] : memref<5120x128xf32, #tpu.memory_space<vmem_shared>> -> memref<80x128xf32, #tpu.memory_space<vmem_shared>>
      tpu.wait_dma2 semaphore(%run_scoped3A_104 : memref<!tpu.dma_semaphore, #tpu.memory_space<semaphore_mem>>) src(%arg13 : memref<80x128xf32, #tpu.memory_space<vmem>>) dst(%dma_wait3A_112 : memref<80x128xf32, #tpu.memory_space<vmem_shared>>)
      tpu.yield
    }) : () -> ()
    %mul3A_14 = arith.constant 320 : i32
    %mul3A_15 = arith.muli %arg1, %mul3A_14 : i32
    %add3A_16 = arith.constant 80 : i32
    %add3A_17 = arith.addi %mul3A_15, %add3A_16 : i32
    "tpu.region"() ({
      %run_scoped3A_104 = tpu.sem_alloc : memref<!tpu.dma_semaphore, #tpu.memory_space<semaphore_mem>>
      %dma_start3A_105 = arith.constant 0 : i32
      %dma_start3A_106 = tpu.memref_slice %arg14[%add3A_17, %dma_start3A_105] : memref<5120x128xf32, #tpu.memory_space<vmem_shared>> -> memref<80x128xf32, #tpu.memory_space<vmem_shared>>
      %dma_start3A_107 = arith.constant 0 : i32
      %dma_start3A_108 = tpu.memref_slice %arg14[%add3A_17, %dma_start3A_107] : memref<5120x128xf32, #tpu.memory_space<vmem_shared>> -> memref<80x128xf32, #tpu.memory_space<vmem_shared>>
      tpu.enqueue_dma source(%arg13 : memref<80x128xf32, #tpu.memory_space<vmem>>) target(%dma_start3A_108 : memref<80x128xf32, #tpu.memory_space<vmem_shared>>) target_semaphore(%run_scoped3A_104 : memref<!tpu.dma_semaphore, #tpu.memory_space<semaphore_mem>>)
      %dma_wait3A_109 = arith.constant 0 : i32
      %dma_wait3A_110 = tpu.memref_slice %arg14[%add3A_17, %dma_wait3A_109] : memref<5120x128xf32, #tpu.memory_space<vmem_shared>> -> memref<80x128xf32, #tpu.memory_space<vmem_shared>>
      %dma_wait3A_111 = arith.constant 0 : i32
      %dma_wait3A_112 = tpu.memref_slice %arg14[%add3A_17, %dma_wait3A_111] : memref<5120x128xf32, #tpu.memory_space<vmem_shared>> -> memref<80x128xf32, #tpu.memory_space<vmem_shared>>
      tpu.wait_dma2 semaphore(%run_scoped3A_104 : memref<!tpu.dma_semaphore, #tpu.memory_space<semaphore_mem>>) src(%arg13 : memref<80x128xf32, #tpu.memory_space<vmem>>) dst(%dma_wait3A_112 : memref<80x128xf32, #tpu.memory_space<vmem_shared>>)
      tpu.yield
    }) : () -> ()
    %mul3A_18 = arith.constant 320 : i32
    %mul3A_19 = arith.muli %arg1, %mul3A_18 : i32
    %add3A_20 = arith.constant 160 : i32
    %add3A_21 = arith.addi %mul3A_19, %add3A_20 : i32
    "tpu.region"() ({
      %run_scoped3A_104 = tpu.sem_alloc : memref<!tpu.dma_semaphore, #tpu.memory_space<semaphore_mem>>
      %dma_start3A_105 = arith.constant 0 : i32
      %dma_start3A_106 = tpu.memref_slice %arg14[%add3A_21, %dma_start3A_105] : memref<5120x128xf32, #tpu.memory_space<vmem_shared>> -> memref<80x128xf32, #tpu.memory_space<vmem_shared>>
      %dma_start3A_107 = arith.constant 0 : i32
      %dma_start3A_108 = tpu.memref_slice %arg14[%add3A_21, %dma_start3A_107] : memref<5120x128xf32, #tpu.memory_space<vmem_shared>> -> memref<80x128xf32, #tpu.memory_space<vmem_shared>>
      tpu.enqueue_dma source(%arg13 : memref<80x128xf32, #tpu.memory_space<vmem>>) target(%dma_start3A_108 : memref<80x128xf32, #tpu.memory_space<vmem_shared>>) target_semaphore(%run_scoped3A_104 : memref<!tpu.dma_semaphore, #tpu.memory_space<semaphore_mem>>)
      %dma_wait3A_109 = arith.constant 0 : i32
      %dma_wait3A_110 = tpu.memref_slice %arg14[%add3A_21, %dma_wait3A_109] : memref<5120x128xf32, #tpu.memory_space<vmem_shared>> -> memref<80x128xf32, #tpu.memory_space<vmem_shared>>
      %dma_wait3A_111 = arith.constant 0 : i32
      %dma_wait3A_112 = tpu.memref_slice %arg14[%add3A_21, %dma_wait3A_111] : memref<5120x128xf32, #tpu.memory_space<vmem_shared>> -> memref<80x128xf32, #tpu.memory_space<vmem_shared>>
      tpu.wait_dma2 semaphore(%run_scoped3A_104 : memref<!tpu.dma_semaphore, #tpu.memory_space<semaphore_mem>>) src(%arg13 : memref<80x128xf32, #tpu.memory_space<vmem>>) dst(%dma_wait3A_112 : memref<80x128xf32, #tpu.memory_space<vmem_shared>>)
      tpu.yield
    }) : () -> ()
    %mul3A_22 = arith.constant 320 : i32
    %mul3A_23 = arith.muli %arg1, %mul3A_22 : i32
    %add3A_24 = arith.constant 240 : i32
    %add3A_25 = arith.addi %mul3A_23, %add3A_24 : i32
    "tpu.region"() ({
      %run_scoped3A_104 = tpu.sem_alloc : memref<!tpu.dma_semaphore, #tpu.memory_space<semaphore_mem>>
      %dma_start3A_105 = arith.constant 0 : i32
      %dma_start3A_106 = tpu.memref_slice %arg14[%add3A_25, %dma_start3A_105] : memref<5120x128xf32, #tpu.memory_space<vmem_shared>> -> memref<80x128xf32, #tpu.memory_space<vmem_shared>>
      %dma_start3A_107 = arith.constant 0 : i32
      %dma_start3A_108 = tpu.memref_slice %arg14[%add3A_25, %dma_start3A_107] : memref<5120x128xf32, #tpu.memory_space<vmem_shared>> -> memref<80x128xf32, #tpu.memory_space<vmem_shared>>
      tpu.enqueue_dma source(%arg13 : memref<80x128xf32, #tpu.memory_space<vmem>>) target(%dma_start3A_108 : memref<80x128xf32, #tpu.memory_space<vmem_shared>>) target_semaphore(%run_scoped3A_104 : memref<!tpu.dma_semaphore, #tpu.memory_space<semaphore_mem>>)
      %dma_wait3A_109 = arith.constant 0 : i32
      %dma_wait3A_110 = tpu.memref_slice %arg14[%add3A_25, %dma_wait3A_109] : memref<5120x128xf32, #tpu.memory_space<vmem_shared>> -> memref<80x128xf32, #tpu.memory_space<vmem_shared>>
      %dma_wait3A_111 = arith.constant 0 : i32
      %dma_wait3A_112 = tpu.memref_slice %arg14[%add3A_25, %dma_wait3A_111] : memref<5120x128xf32, #tpu.memory_space<vmem_shared>> -> memref<80x128xf32, #tpu.memory_space<vmem_shared>>
      tpu.wait_dma2 semaphore(%run_scoped3A_104 : memref<!tpu.dma_semaphore, #tpu.memory_space<semaphore_mem>>) src(%arg13 : memref<80x128xf32, #tpu.memory_space<vmem>>) dst(%dma_wait3A_112 : memref<80x128xf32, #tpu.memory_space<vmem_shared>>)
      tpu.yield
    }) : () -> ()
    %barrier3A = arith.constant 0 : index
    tpu.barrier barrier_id(%barrier3A)
    %dma_start3A = arith.constant 0 : i32
    %dma_start3A_26 = arith.constant 0 : i32
    %dma_start3A_27 = tpu.memref_slice %arg8[%dma_start3A, %dma_start3A_26] : memref<125x80xi32, #tpu.memory_space<vmem>> -> memref<1x80xi32, #tpu.memory_space<vmem>>
    %dma_start3A_28 = tpu.memref_squeeze %dma_start3A_27 : memref<1x80xi32, #tpu.memory_space<vmem>> -> memref<80xi32, #tpu.memory_space<vmem>>
    %dma_start3A_29 = arith.constant 0 : i32
    %dma_start3A_30 = arith.constant 0 : i32
    %dma_start3A_31 = tpu.memref_slice %arg2[%dma_start3A_29, %dma_start3A_30] : memref<10000x128xf32, #tpu.memory_space<hbm>> -> memref<10000x128xf32, #tpu.memory_space<hbm>>
    tpu.enqueue_indirect_dma source(%dma_start3A_31 : memref<10000x128xf32, #tpu.memory_space<hbm>>) target(%arg11 : memref<80x128xf32, #tpu.memory_space<vmem>>) offsets(%dma_start3A_28 : memref<80xi32, #tpu.memory_space<vmem>>) semaphore(%arg15 : memref<!tpu.dma_semaphore, #tpu.memory_space<semaphore_mem>>)
    %scan3A_32 = arith.constant 0 : i32
    %scan3A_33 = arith.constant 62 : i32
    %scan3A_34 = arith.addi %scan3A_32, %scan3A_33 : i32
    %scan3A_35 = arith.constant 1 : i32
    scf.for %scan3A_104 = %scan3A_32 to %scan3A_34 step %scan3A_35  : i32 {
      %mul3A_105 = arith.constant 2 : i32
      %mul3A_106 = arith.muli %scan3A_104, %mul3A_105 : i32
      %dma_wait3A_107 = arith.constant 0 : i32
      %dma_wait3A_108 = tpu.memref_slice %arg8[%mul3A_106, %dma_wait3A_107] : memref<125x80xi32, #tpu.memory_space<vmem>> -> memref<1x80xi32, #tpu.memory_space<vmem>>
      %dma_wait3A_109 = tpu.memref_squeeze %dma_wait3A_108 : memref<1x80xi32, #tpu.memory_space<vmem>> -> memref<80xi32, #tpu.memory_space<vmem>>
      %dma_wait3A_110 = arith.constant 0 : i32
      %dma_wait3A_111 = arith.constant 0 : i32
      %dma_wait3A_112 = tpu.memref_slice %arg2[%dma_wait3A_110, %dma_wait3A_111] : memref<10000x128xf32, #tpu.memory_space<hbm>> -> memref<10000x128xf32, #tpu.memory_space<hbm>>
      tpu.wait_indirect_dma semaphore(%arg15 : memref<!tpu.dma_semaphore, #tpu.memory_space<semaphore_mem>>) src(%dma_wait3A_112 : memref<10000x128xf32, #tpu.memory_space<hbm>>) dst(%arg11 : memref<80x128xf32, #tpu.memory_space<vmem>>)
      %add3A_113 = arith.constant 1 : i32
      %add3A_114 = arith.addi %mul3A_106, %add3A_113 : i32
      %dma_start3A_115 = arith.constant 0 : i32
      %dma_start3A_116 = tpu.memref_slice %arg8[%add3A_114, %dma_start3A_115] : memref<125x80xi32, #tpu.memory_space<vmem>> -> memref<1x80xi32, #tpu.memory_space<vmem>>
      %dma_start3A_117 = tpu.memref_squeeze %dma_start3A_116 : memref<1x80xi32, #tpu.memory_space<vmem>> -> memref<80xi32, #tpu.memory_space<vmem>>
      %dma_start3A_118 = arith.constant 0 : i32
      %dma_start3A_119 = arith.constant 0 : i32
      %dma_start3A_120 = tpu.memref_slice %arg2[%dma_start3A_118, %dma_start3A_119] : memref<10000x128xf32, #tpu.memory_space<hbm>> -> memref<10000x128xf32, #tpu.memory_space<hbm>>
      tpu.enqueue_indirect_dma source(%dma_start3A_120 : memref<10000x128xf32, #tpu.memory_space<hbm>>) target(%arg12 : memref<80x128xf32, #tpu.memory_space<vmem>>) offsets(%dma_start3A_117 : memref<80xi32, #tpu.memory_space<vmem>>) semaphore(%arg16 : memref<!tpu.dma_semaphore, #tpu.memory_space<semaphore_mem>>)
      "tpu.region"() ({
        %run_scoped3A_139 = tpu.sem_alloc : memref<!tpu.dma_semaphore, #tpu.memory_space<semaphore_mem>>
        %dma_start3A_140 = arith.constant 0 : i32
        %dma_start3A_141 = tpu.memref_slice %arg10[%mul3A_106, %dma_start3A_140] : memref<125x80xi32, #tpu.memory_space<vmem>> -> memref<1x80xi32, #tpu.memory_space<vmem>>
        %dma_start3A_142 = tpu.memref_squeeze %dma_start3A_141 : memref<1x80xi32, #tpu.memory_space<vmem>> -> memref<80xi32, #tpu.memory_space<vmem>>
        %dma_start3A_143 = arith.constant 0 : i32
        %dma_start3A_144 = arith.constant 0 : i32
        %dma_start3A_145 = tpu.memref_slice %arg14[%dma_start3A_143, %dma_start3A_144] : memref<5120x128xf32, #tpu.memory_space<vmem_shared>> -> memref<5120x128xf32, #tpu.memory_space<vmem_shared>>
        tpu.enqueue_indirect_dma source(%arg11 : memref<80x128xf32, #tpu.memory_space<vmem>>) target(%dma_start3A_145 : memref<5120x128xf32, #tpu.memory_space<vmem_shared>>) offsets(%dma_start3A_142 : memref<80xi32, #tpu.memory_space<vmem>>) semaphore(%run_scoped3A_139 : memref<!tpu.dma_semaphore, #tpu.memory_space<semaphore_mem>>) {add = true}
        %dma_wait3A_146 = arith.constant 0 : i32
        %dma_wait3A_147 = tpu.memref_slice %arg10[%mul3A_106, %dma_wait3A_146] : memref<125x80xi32, #tpu.memory_space<vmem>> -> memref<1x80xi32, #tpu.memory_space<vmem>>
        %dma_wait3A_148 = tpu.memref_squeeze %dma_wait3A_147 : memref<1x80xi32, #tpu.memory_space<vmem>> -> memref<80xi32, #tpu.memory_space<vmem>>
        %dma_wait3A_149 = arith.constant 0 : i32
        %dma_wait3A_150 = arith.constant 0 : i32
        %dma_wait3A_151 = tpu.memref_slice %arg14[%dma_wait3A_149, %dma_wait3A_150] : memref<5120x128xf32, #tpu.memory_space<vmem_shared>> -> memref<5120x128xf32, #tpu.memory_space<vmem_shared>>
        tpu.wait_indirect_dma semaphore(%run_scoped3A_139 : memref<!tpu.dma_semaphore, #tpu.memory_space<semaphore_mem>>) src(%arg11 : memref<80x128xf32, #tpu.memory_space<vmem>>) dst(%dma_wait3A_151 : memref<5120x128xf32, #tpu.memory_space<vmem_shared>>)
        tpu.yield
      }) : () -> ()
      %add3A_121 = arith.constant 1 : i32
      %add3A_122 = arith.addi %mul3A_106, %add3A_121 : i32
      %dma_wait3A_123 = arith.constant 0 : i32
      %dma_wait3A_124 = tpu.memref_slice %arg8[%add3A_122, %dma_wait3A_123] : memref<125x80xi32, #tpu.memory_space<vmem>> -> memref<1x80xi32, #tpu.memory_space<vmem>>
      %dma_wait3A_125 = tpu.memref_squeeze %dma_wait3A_124 : memref<1x80xi32, #tpu.memory_space<vmem>> -> memref<80xi32, #tpu.memory_space<vmem>>
      %dma_wait3A_126 = arith.constant 0 : i32
      %dma_wait3A_127 = arith.constant 0 : i32
      %dma_wait3A_128 = tpu.memref_slice %arg2[%dma_wait3A_126, %dma_wait3A_127] : memref<10000x128xf32, #tpu.memory_space<hbm>> -> memref<10000x128xf32, #tpu.memory_space<hbm>>
      tpu.wait_indirect_dma semaphore(%arg16 : memref<!tpu.dma_semaphore, #tpu.memory_space<semaphore_mem>>) src(%dma_wait3A_128 : memref<10000x128xf32, #tpu.memory_space<hbm>>) dst(%arg12 : memref<80x128xf32, #tpu.memory_space<vmem>>)
      %add3A_129 = arith.constant 2 : i32
      %add3A_130 = arith.addi %mul3A_106, %add3A_129 : i32
      %dma_start3A_131 = arith.constant 0 : i32
      %dma_start3A_132 = tpu.memref_slice %arg8[%add3A_130, %dma_start3A_131] : memref<125x80xi32, #tpu.memory_space<vmem>> -> memref<1x80xi32, #tpu.memory_space<vmem>>
      %dma_start3A_133 = tpu.memref_squeeze %dma_start3A_132 : memref<1x80xi32, #tpu.memory_space<vmem>> -> memref<80xi32, #tpu.memory_space<vmem>>
      %dma_start3A_134 = arith.constant 0 : i32
      %dma_start3A_135 = arith.constant 0 : i32
      %dma_start3A_136 = tpu.memref_slice %arg2[%dma_start3A_134, %dma_start3A_135] : memref<10000x128xf32, #tpu.memory_space<hbm>> -> memref<10000x128xf32, #tpu.memory_space<hbm>>
      tpu.enqueue_indirect_dma source(%dma_start3A_136 : memref<10000x128xf32, #tpu.memory_space<hbm>>) target(%arg11 : memref<80x128xf32, #tpu.memory_space<vmem>>) offsets(%dma_start3A_133 : memref<80xi32, #tpu.memory_space<vmem>>) semaphore(%arg15 : memref<!tpu.dma_semaphore, #tpu.memory_space<semaphore_mem>>)
      %add3A_137 = arith.constant 1 : i32
      %add3A_138 = arith.addi %mul3A_106, %add3A_137 : i32
      "tpu.region"() ({
        %run_scoped3A_139 = tpu.sem_alloc : memref<!tpu.dma_semaphore, #tpu.memory_space<semaphore_mem>>
        %dma_start3A_140 = arith.constant 0 : i32
        %dma_start3A_141 = tpu.memref_slice %arg10[%add3A_138, %dma_start3A_140] : memref<125x80xi32, #tpu.memory_space<vmem>> -> memref<1x80xi32, #tpu.memory_space<vmem>>
        %dma_start3A_142 = tpu.memref_squeeze %dma_start3A_141 : memref<1x80xi32, #tpu.memory_space<vmem>> -> memref<80xi32, #tpu.memory_space<vmem>>
        %dma_start3A_143 = arith.constant 0 : i32
        %dma_start3A_144 = arith.constant 0 : i32
        %dma_start3A_145 = tpu.memref_slice %arg14[%dma_start3A_143, %dma_start3A_144] : memref<5120x128xf32, #tpu.memory_space<vmem_shared>> -> memref<5120x128xf32, #tpu.memory_space<vmem_shared>>
        tpu.enqueue_indirect_dma source(%arg12 : memref<80x128xf32, #tpu.memory_space<vmem>>) target(%dma_start3A_145 : memref<5120x128xf32, #tpu.memory_space<vmem_shared>>) offsets(%dma_start3A_142 : memref<80xi32, #tpu.memory_space<vmem>>) semaphore(%run_scoped3A_139 : memref<!tpu.dma_semaphore, #tpu.memory_space<semaphore_mem>>) {add = true}
        %dma_wait3A_146 = arith.constant 0 : i32
        %dma_wait3A_147 = tpu.memref_slice %arg10[%add3A_138, %dma_wait3A_146] : memref<125x80xi32, #tpu.memory_space<vmem>> -> memref<1x80xi32, #tpu.memory_space<vmem>>
        %dma_wait3A_148 = tpu.memref_squeeze %dma_wait3A_147 : memref<1x80xi32, #tpu.memory_space<vmem>> -> memref<80xi32, #tpu.memory_space<vmem>>
        %dma_wait3A_149 = arith.constant 0 : i32
        %dma_wait3A_150 = arith.constant 0 : i32
        %dma_wait3A_151 = tpu.memref_slice %arg14[%dma_wait3A_149, %dma_wait3A_150] : memref<5120x128xf32, #tpu.memory_space<vmem_shared>> -> memref<5120x128xf32, #tpu.memory_space<vmem_shared>>
        tpu.wait_indirect_dma semaphore(%run_scoped3A_139 : memref<!tpu.dma_semaphore, #tpu.memory_space<semaphore_mem>>) src(%arg12 : memref<80x128xf32, #tpu.memory_space<vmem>>) dst(%dma_wait3A_151 : memref<5120x128xf32, #tpu.memory_space<vmem_shared>>)
        tpu.yield
      }) : () -> ()
    }
    %scan3A_36 = arith.constant 62 : i32
    %dma_wait3A = arith.constant 124 : i32
    %dma_wait3A_37 = arith.constant 0 : i32
    %dma_wait3A_38 = tpu.memref_slice %arg8[%dma_wait3A, %dma_wait3A_37] : memref<125x80xi32, #tpu.memory_space<vmem>> -> memref<1x80xi32, #tpu.memory_space<vmem>>
    %dma_wait3A_39 = tpu.memref_squeeze %dma_wait3A_38 : memref<1x80xi32, #tpu.memory_space<vmem>> -> memref<80xi32, #tpu.memory_space<vmem>>
    %dma_wait3A_40 = arith.constant 0 : i32
    %dma_wait3A_41 = arith.constant 0 : i32
    %dma_wait3A_42 = tpu.memref_slice %arg2[%dma_wait3A_40, %dma_wait3A_41] : memref<10000x128xf32, #tpu.memory_space<hbm>> -> memref<10000x128xf32, #tpu.memory_space<hbm>>
    tpu.wait_indirect_dma semaphore(%arg15 : memref<!tpu.dma_semaphore, #tpu.memory_space<semaphore_mem>>) src(%dma_wait3A_42 : memref<10000x128xf32, #tpu.memory_space<hbm>>) dst(%arg11 : memref<80x128xf32, #tpu.memory_space<vmem>>)
    %run_scoped3A = arith.constant 124 : i32
    "tpu.region"() ({
      %run_scoped3A_104 = tpu.sem_alloc : memref<!tpu.dma_semaphore, #tpu.memory_space<semaphore_mem>>
      %dma_start3A_105 = arith.constant 0 : i32
      %dma_start3A_106 = tpu.memref_slice %arg10[%run_scoped3A, %dma_start3A_105] : memref<125x80xi32, #tpu.memory_space<vmem>> -> memref<1x80xi32, #tpu.memory_space<vmem>>
      %dma_start3A_107 = tpu.memref_squeeze %dma_start3A_106 : memref<1x80xi32, #tpu.memory_space<vmem>> -> memref<80xi32, #tpu.memory_space<vmem>>
      %dma_start3A_108 = arith.constant 0 : i32
      %dma_start3A_109 = arith.constant 0 : i32
      %dma_start3A_110 = tpu.memref_slice %arg14[%dma_start3A_108, %dma_start3A_109] : memref<5120x128xf32, #tpu.memory_space<vmem_shared>> -> memref<5120x128xf32, #tpu.memory_space<vmem_shared>>
      tpu.enqueue_indirect_dma source(%arg11 : memref<80x128xf32, #tpu.memory_space<vmem>>) target(%dma_start3A_110 : memref<5120x128xf32, #tpu.memory_space<vmem_shared>>) offsets(%dma_start3A_107 : memref<80xi32, #tpu.memory_space<vmem>>) semaphore(%run_scoped3A_104 : memref<!tpu.dma_semaphore, #tpu.memory_space<semaphore_mem>>) {add = true}
      %dma_wait3A_111 = arith.constant 0 : i32
      %dma_wait3A_112 = tpu.memref_slice %arg10[%run_scoped3A, %dma_wait3A_111] : memref<125x80xi32, #tpu.memory_space<vmem>> -> memref<1x80xi32, #tpu.memory_space<vmem>>
      %dma_wait3A_113 = tpu.memref_squeeze %dma_wait3A_112 : memref<1x80xi32, #tpu.memory_space<vmem>> -> memref<80xi32, #tpu.memory_space<vmem>>
      %dma_wait3A_114 = arith.constant 0 : i32
      %dma_wait3A_115 = arith.constant 0 : i32
      %dma_wait3A_116 = tpu.memref_slice %arg14[%dma_wait3A_114, %dma_wait3A_115] : memref<5120x128xf32, #tpu.memory_space<vmem_shared>> -> memref<5120x128xf32, #tpu.memory_space<vmem_shared>>
      tpu.wait_indirect_dma semaphore(%run_scoped3A_104 : memref<!tpu.dma_semaphore, #tpu.memory_space<semaphore_mem>>) src(%arg11 : memref<80x128xf32, #tpu.memory_space<vmem>>) dst(%dma_wait3A_116 : memref<5120x128xf32, #tpu.memory_space<vmem_shared>>)
      tpu.yield
    }) : () -> ()
    %barrier3A_43 = arith.constant 0 : index
    tpu.barrier barrier_id(%barrier3A_43)
    %mul3A_44 = arith.constant 312 : i32
    %mul3A_45 = arith.muli %arg1, %mul3A_44 : i32
    %mul3A_46 = arith.constant 5000 : i32
    %mul3A_47 = arith.muli %arg0, %mul3A_46 : i32
    %mul3A_48 = arith.constant 312 : i32
    %mul3A_49 = arith.muli %arg1, %mul3A_48 : i32
    %add3A_50 = arith.addi %mul3A_47, %mul3A_49 : i32
    "tpu.region"() ({
      %run_scoped3A_104 = tpu.sem_alloc : memref<!tpu.dma_semaphore, #tpu.memory_space<semaphore_mem>>
      %dma_start3A_105 = arith.constant 0 : i32
      %dma_start3A_106 = tpu.memref_slice %arg6[%add3A_50, %dma_start3A_105] : memref<10000x128xf32, #tpu.memory_space<hbm>> -> memref<312x128xf32, #tpu.memory_space<hbm>>
      %dma_start3A_107 = arith.constant 0 : i32
      %dma_start3A_108 = tpu.memref_slice %arg14[%mul3A_45, %dma_start3A_107] : memref<5120x128xf32, #tpu.memory_space<vmem_shared>> -> memref<312x128xf32, #tpu.memory_space<vmem_shared>>
      tpu.enqueue_dma source(%dma_start3A_108 : memref<312x128xf32, #tpu.memory_space<vmem_shared>>) target(%dma_start3A_106 : memref<312x128xf32, #tpu.memory_space<hbm>>) target_semaphore(%run_scoped3A_104 : memref<!tpu.dma_semaphore, #tpu.memory_space<semaphore_mem>>)
      %dma_wait3A_109 = arith.constant 0 : i32
      %dma_wait3A_110 = tpu.memref_slice %arg6[%add3A_50, %dma_wait3A_109] : memref<10000x128xf32, #tpu.memory_space<hbm>> -> memref<312x128xf32, #tpu.memory_space<hbm>>
      %dma_wait3A_111 = arith.constant 0 : i32
      %dma_wait3A_112 = tpu.memref_slice %arg14[%mul3A_45, %dma_wait3A_111] : memref<5120x128xf32, #tpu.memory_space<vmem_shared>> -> memref<312x128xf32, #tpu.memory_space<vmem_shared>>
      tpu.wait_dma2 semaphore(%run_scoped3A_104 : memref<!tpu.dma_semaphore, #tpu.memory_space<semaphore_mem>>) src(%dma_wait3A_112 : memref<312x128xf32, #tpu.memory_space<vmem_shared>>) dst(%dma_wait3A_110 : memref<312x128xf32, #tpu.memory_space<hbm>>)
      tpu.yield
    }) : () -> ()
    %eq3A = arith.constant 15 : i32
    %eq3A_51 = arith.cmpi eq, %arg1, %eq3A : i32
    %convert_element_type3A = arith.extui %eq3A_51 : i1 to i32
    %cond3A = arith.constant 0 : i32
    %cond3A_52 = arith.cmpi ne, %convert_element_type3A, %cond3A : i32
    scf.if %cond3A_52 {
      %mul3A_104 = arith.constant 5000 : i32
      %mul3A_105 = arith.muli %arg0, %mul3A_104 : i32
      %add3A_106 = arith.constant 4992 : i32
      %add3A_107 = arith.addi %mul3A_105, %add3A_106 : i32
      "tpu.region"() ({
        %run_scoped3A_108 = tpu.sem_alloc : memref<!tpu.dma_semaphore, #tpu.memory_space<semaphore_mem>>
        %dma_start3A_109 = arith.constant 0 : i32
        %dma_start3A_110 = tpu.memref_slice %arg6[%add3A_107, %dma_start3A_109] : memref<10000x128xf32, #tpu.memory_space<hbm>> -> memref<8x128xf32, #tpu.memory_space<hbm>>
        %dma_start3A_111 = arith.constant 4992 : i32
        %dma_start3A_112 = arith.constant 0 : i32
        %dma_start3A_113 = tpu.memref_slice %arg14[%dma_start3A_111, %dma_start3A_112] : memref<5120x128xf32, #tpu.memory_space<vmem_shared>> -> memref<8x128xf32, #tpu.memory_space<vmem_shared>>
        tpu.enqueue_dma source(%dma_start3A_113 : memref<8x128xf32, #tpu.memory_space<vmem_shared>>) target(%dma_start3A_110 : memref<8x128xf32, #tpu.memory_space<hbm>>) target_semaphore(%run_scoped3A_108 : memref<!tpu.dma_semaphore, #tpu.memory_space<semaphore_mem>>)
        %dma_wait3A_114 = arith.constant 0 : i32
        %dma_wait3A_115 = tpu.memref_slice %arg6[%add3A_107, %dma_wait3A_114] : memref<10000x128xf32, #tpu.memory_space<hbm>> -> memref<8x128xf32, #tpu.memory_space<hbm>>
        %dma_wait3A_116 = arith.constant 4992 : i32
        %dma_wait3A_117 = arith.constant 0 : i32
        %dma_wait3A_118 = tpu.memref_slice %arg14[%dma_wait3A_116, %dma_wait3A_117] : memref<5120x128xf32, #tpu.memory_space<vmem_shared>> -> memref<8x128xf32, #tpu.memory_space<vmem_shared>>
        tpu.wait_dma2 semaphore(%run_scoped3A_108 : memref<!tpu.dma_semaphore, #tpu.memory_space<semaphore_mem>>) src(%dma_wait3A_118 : memref<8x128xf32, #tpu.memory_space<vmem_shared>>) dst(%dma_wait3A_115 : memref<8x128xf32, #tpu.memory_space<hbm>>)
        tpu.yield
      }) : () -> ()
    } else {
    }
    %barrier3A_53 = arith.constant 0 : index
    tpu.barrier barrier_id(%barrier3A_53)
    %mul3A_54 = arith.constant 320 : i32
    %mul3A_55 = arith.muli %arg1, %mul3A_54 : i32
    %add3A_56 = arith.constant 0 : i32
    %add3A_57 = arith.addi %mul3A_55, %add3A_56 : i32
    "tpu.region"() ({
      %run_scoped3A_104 = tpu.sem_alloc : memref<!tpu.dma_semaphore, #tpu.memory_space<semaphore_mem>>
      %dma_start3A_105 = arith.constant 0 : i32
      %dma_start3A_106 = tpu.memref_slice %arg14[%add3A_57, %dma_start3A_105] : memref<5120x128xf32, #tpu.memory_space<vmem_shared>> -> memref<80x128xf32, #tpu.memory_space<vmem_shared>>
      %dma_start3A_107 = arith.constant 0 : i32
      %dma_start3A_108 = tpu.memref_slice %arg14[%add3A_57, %dma_start3A_107] : memref<5120x128xf32, #tpu.memory_space<vmem_shared>> -> memref<80x128xf32, #tpu.memory_space<vmem_shared>>
      tpu.enqueue_dma source(%arg13 : memref<80x128xf32, #tpu.memory_space<vmem>>) target(%dma_start3A_108 : memref<80x128xf32, #tpu.memory_space<vmem_shared>>) target_semaphore(%run_scoped3A_104 : memref<!tpu.dma_semaphore, #tpu.memory_space<semaphore_mem>>)
      %dma_wait3A_109 = arith.constant 0 : i32
      %dma_wait3A_110 = tpu.memref_slice %arg14[%add3A_57, %dma_wait3A_109] : memref<5120x128xf32, #tpu.memory_space<vmem_shared>> -> memref<80x128xf32, #tpu.memory_space<vmem_shared>>
      %dma_wait3A_111 = arith.constant 0 : i32
      %dma_wait3A_112 = tpu.memref_slice %arg14[%add3A_57, %dma_wait3A_111] : memref<5120x128xf32, #tpu.memory_space<vmem_shared>> -> memref<80x128xf32, #tpu.memory_space<vmem_shared>>
      tpu.wait_dma2 semaphore(%run_scoped3A_104 : memref<!tpu.dma_semaphore, #tpu.memory_space<semaphore_mem>>) src(%arg13 : memref<80x128xf32, #tpu.memory_space<vmem>>) dst(%dma_wait3A_112 : memref<80x128xf32, #tpu.memory_space<vmem_shared>>)
      tpu.yield
    }) : () -> ()
    %mul3A_58 = arith.constant 320 : i32
    %mul3A_59 = arith.muli %arg1, %mul3A_58 : i32
    %add3A_60 = arith.constant 80 : i32
    %add3A_61 = arith.addi %mul3A_59, %add3A_60 : i32
    "tpu.region"() ({
      %run_scoped3A_104 = tpu.sem_alloc : memref<!tpu.dma_semaphore, #tpu.memory_space<semaphore_mem>>
      %dma_start3A_105 = arith.constant 0 : i32
      %dma_start3A_106 = tpu.memref_slice %arg14[%add3A_61, %dma_start3A_105] : memref<5120x128xf32, #tpu.memory_space<vmem_shared>> -> memref<80x128xf32, #tpu.memory_space<vmem_shared>>
      %dma_start3A_107 = arith.constant 0 : i32
      %dma_start3A_108 = tpu.memref_slice %arg14[%add3A_61, %dma_start3A_107] : memref<5120x128xf32, #tpu.memory_space<vmem_shared>> -> memref<80x128xf32, #tpu.memory_space<vmem_shared>>
      tpu.enqueue_dma source(%arg13 : memref<80x128xf32, #tpu.memory_space<vmem>>) target(%dma_start3A_108 : memref<80x128xf32, #tpu.memory_space<vmem_shared>>) target_semaphore(%run_scoped3A_104 : memref<!tpu.dma_semaphore, #tpu.memory_space<semaphore_mem>>)
      %dma_wait3A_109 = arith.constant 0 : i32
      %dma_wait3A_110 = tpu.memref_slice %arg14[%add3A_61, %dma_wait3A_109] : memref<5120x128xf32, #tpu.memory_space<vmem_shared>> -> memref<80x128xf32, #tpu.memory_space<vmem_shared>>
      %dma_wait3A_111 = arith.constant 0 : i32
      %dma_wait3A_112 = tpu.memref_slice %arg14[%add3A_61, %dma_wait3A_111] : memref<5120x128xf32, #tpu.memory_space<vmem_shared>> -> memref<80x128xf32, #tpu.memory_space<vmem_shared>>
      tpu.wait_dma2 semaphore(%run_scoped3A_104 : memref<!tpu.dma_semaphore, #tpu.memory_space<semaphore_mem>>) src(%arg13 : memref<80x128xf32, #tpu.memory_space<vmem>>) dst(%dma_wait3A_112 : memref<80x128xf32, #tpu.memory_space<vmem_shared>>)
      tpu.yield
    }) : () -> ()
    %mul3A_62 = arith.constant 320 : i32
    %mul3A_63 = arith.muli %arg1, %mul3A_62 : i32
    %add3A_64 = arith.constant 160 : i32
    %add3A_65 = arith.addi %mul3A_63, %add3A_64 : i32
    "tpu.region"() ({
      %run_scoped3A_104 = tpu.sem_alloc : memref<!tpu.dma_semaphore, #tpu.memory_space<semaphore_mem>>
      %dma_start3A_105 = arith.constant 0 : i32
      %dma_start3A_106 = tpu.memref_slice %arg14[%add3A_65, %dma_start3A_105] : memref<5120x128xf32, #tpu.memory_space<vmem_shared>> -> memref<80x128xf32, #tpu.memory_space<vmem_shared>>
      %dma_start3A_107 = arith.constant 0 : i32
      %dma_start3A_108 = tpu.memref_slice %arg14[%add3A_65, %dma_start3A_107] : memref<5120x128xf32, #tpu.memory_space<vmem_shared>> -> memref<80x128xf32, #tpu.memory_space<vmem_shared>>
      tpu.enqueue_dma source(%arg13 : memref<80x128xf32, #tpu.memory_space<vmem>>) target(%dma_start3A_108 : memref<80x128xf32, #tpu.memory_space<vmem_shared>>) target_semaphore(%run_scoped3A_104 : memref<!tpu.dma_semaphore, #tpu.memory_space<semaphore_mem>>)
      %dma_wait3A_109 = arith.constant 0 : i32
      %dma_wait3A_110 = tpu.memref_slice %arg14[%add3A_65, %dma_wait3A_109] : memref<5120x128xf32, #tpu.memory_space<vmem_shared>> -> memref<80x128xf32, #tpu.memory_space<vmem_shared>>
      %dma_wait3A_111 = arith.constant 0 : i32
      %dma_wait3A_112 = tpu.memref_slice %arg14[%add3A_65, %dma_wait3A_111] : memref<5120x128xf32, #tpu.memory_space<vmem_shared>> -> memref<80x128xf32, #tpu.memory_space<vmem_shared>>
      tpu.wait_dma2 semaphore(%run_scoped3A_104 : memref<!tpu.dma_semaphore, #tpu.memory_space<semaphore_mem>>) src(%arg13 : memref<80x128xf32, #tpu.memory_space<vmem>>) dst(%dma_wait3A_112 : memref<80x128xf32, #tpu.memory_space<vmem_shared>>)
      tpu.yield
    }) : () -> ()
    %mul3A_66 = arith.constant 320 : i32
    %mul3A_67 = arith.muli %arg1, %mul3A_66 : i32
    %add3A_68 = arith.constant 240 : i32
    %add3A_69 = arith.addi %mul3A_67, %add3A_68 : i32
    "tpu.region"() ({
      %run_scoped3A_104 = tpu.sem_alloc : memref<!tpu.dma_semaphore, #tpu.memory_space<semaphore_mem>>
      %dma_start3A_105 = arith.constant 0 : i32
      %dma_start3A_106 = tpu.memref_slice %arg14[%add3A_69, %dma_start3A_105] : memref<5120x128xf32, #tpu.memory_space<vmem_shared>> -> memref<80x128xf32, #tpu.memory_space<vmem_shared>>
      %dma_start3A_107 = arith.constant 0 : i32
      %dma_start3A_108 = tpu.memref_slice %arg14[%add3A_69, %dma_start3A_107] : memref<5120x128xf32, #tpu.memory_space<vmem_shared>> -> memref<80x128xf32, #tpu.memory_space<vmem_shared>>
      tpu.enqueue_dma source(%arg13 : memref<80x128xf32, #tpu.memory_space<vmem>>) target(%dma_start3A_108 : memref<80x128xf32, #tpu.memory_space<vmem_shared>>) target_semaphore(%run_scoped3A_104 : memref<!tpu.dma_semaphore, #tpu.memory_space<semaphore_mem>>)
      %dma_wait3A_109 = arith.constant 0 : i32
      %dma_wait3A_110 = tpu.memref_slice %arg14[%add3A_69, %dma_wait3A_109] : memref<5120x128xf32, #tpu.memory_space<vmem_shared>> -> memref<80x128xf32, #tpu.memory_space<vmem_shared>>
      %dma_wait3A_111 = arith.constant 0 : i32
      %dma_wait3A_112 = tpu.memref_slice %arg14[%add3A_69, %dma_wait3A_111] : memref<5120x128xf32, #tpu.memory_space<vmem_shared>> -> memref<80x128xf32, #tpu.memory_space<vmem_shared>>
      tpu.wait_dma2 semaphore(%run_scoped3A_104 : memref<!tpu.dma_semaphore, #tpu.memory_space<semaphore_mem>>) src(%arg13 : memref<80x128xf32, #tpu.memory_space<vmem>>) dst(%dma_wait3A_112 : memref<80x128xf32, #tpu.memory_space<vmem_shared>>)
      tpu.yield
    }) : () -> ()
    %barrier3A_70 = arith.constant 0 : index
    tpu.barrier barrier_id(%barrier3A_70)
    %dma_start3A_71 = arith.constant 0 : i32
    %dma_start3A_72 = arith.constant 0 : i32
    %dma_start3A_73 = tpu.memref_slice %arg8[%dma_start3A_71, %dma_start3A_72] : memref<125x80xi32, #tpu.memory_space<vmem>> -> memref<1x80xi32, #tpu.memory_space<vmem>>
    %dma_start3A_74 = tpu.memref_squeeze %dma_start3A_73 : memref<1x80xi32, #tpu.memory_space<vmem>> -> memref<80xi32, #tpu.memory_space<vmem>>
    %dma_start3A_75 = arith.constant 0 : i32
    %dma_start3A_76 = arith.constant 0 : i32
    %dma_start3A_77 = tpu.memref_slice %arg3[%dma_start3A_75, %dma_start3A_76] : memref<10000x128xf32, #tpu.memory_space<hbm>> -> memref<10000x128xf32, #tpu.memory_space<hbm>>
    tpu.enqueue_indirect_dma source(%dma_start3A_77 : memref<10000x128xf32, #tpu.memory_space<hbm>>) target(%arg11 : memref<80x128xf32, #tpu.memory_space<vmem>>) offsets(%dma_start3A_74 : memref<80xi32, #tpu.memory_space<vmem>>) semaphore(%arg15 : memref<!tpu.dma_semaphore, #tpu.memory_space<semaphore_mem>>)
    %scan3A_78 = arith.constant 0 : i32
    %scan3A_79 = arith.constant 62 : i32
    %scan3A_80 = arith.addi %scan3A_78, %scan3A_79 : i32
    %scan3A_81 = arith.constant 1 : i32
    scf.for %scan3A_104 = %scan3A_78 to %scan3A_80 step %scan3A_81  : i32 {
      %mul3A_105 = arith.constant 2 : i32
      %mul3A_106 = arith.muli %scan3A_104, %mul3A_105 : i32
      %dma_wait3A_107 = arith.constant 0 : i32
      %dma_wait3A_108 = tpu.memref_slice %arg8[%mul3A_106, %dma_wait3A_107] : memref<125x80xi32, #tpu.memory_space<vmem>> -> memref<1x80xi32, #tpu.memory_space<vmem>>
      %dma_wait3A_109 = tpu.memref_squeeze %dma_wait3A_108 : memref<1x80xi32, #tpu.memory_space<vmem>> -> memref<80xi32, #tpu.memory_space<vmem>>
      %dma_wait3A_110 = arith.constant 0 : i32
      %dma_wait3A_111 = arith.constant 0 : i32
      %dma_wait3A_112 = tpu.memref_slice %arg3[%dma_wait3A_110, %dma_wait3A_111] : memref<10000x128xf32, #tpu.memory_space<hbm>> -> memref<10000x128xf32, #tpu.memory_space<hbm>>
      tpu.wait_indirect_dma semaphore(%arg15 : memref<!tpu.dma_semaphore, #tpu.memory_space<semaphore_mem>>) src(%dma_wait3A_112 : memref<10000x128xf32, #tpu.memory_space<hbm>>) dst(%arg11 : memref<80x128xf32, #tpu.memory_space<vmem>>)
      %add3A_113 = arith.constant 1 : i32
      %add3A_114 = arith.addi %mul3A_106, %add3A_113 : i32
      %dma_start3A_115 = arith.constant 0 : i32
      %dma_start3A_116 = tpu.memref_slice %arg8[%add3A_114, %dma_start3A_115] : memref<125x80xi32, #tpu.memory_space<vmem>> -> memref<1x80xi32, #tpu.memory_space<vmem>>
      %dma_start3A_117 = tpu.memref_squeeze %dma_start3A_116 : memref<1x80xi32, #tpu.memory_space<vmem>> -> memref<80xi32, #tpu.memory_space<vmem>>
      %dma_start3A_118 = arith.constant 0 : i32
      %dma_start3A_119 = arith.constant 0 : i32
      %dma_start3A_120 = tpu.memref_slice %arg3[%dma_start3A_118, %dma_start3A_119] : memref<10000x128xf32, #tpu.memory_space<hbm>> -> memref<10000x128xf32, #tpu.memory_space<hbm>>
      tpu.enqueue_indirect_dma source(%dma_start3A_120 : memref<10000x128xf32, #tpu.memory_space<hbm>>) target(%arg12 : memref<80x128xf32, #tpu.memory_space<vmem>>) offsets(%dma_start3A_117 : memref<80xi32, #tpu.memory_space<vmem>>) semaphore(%arg16 : memref<!tpu.dma_semaphore, #tpu.memory_space<semaphore_mem>>)
      "tpu.region"() ({
        %run_scoped3A_139 = tpu.sem_alloc : memref<!tpu.dma_semaphore, #tpu.memory_space<semaphore_mem>>
        %dma_start3A_140 = arith.constant 0 : i32
        %dma_start3A_141 = tpu.memref_slice %arg10[%mul3A_106, %dma_start3A_140] : memref<125x80xi32, #tpu.memory_space<vmem>> -> memref<1x80xi32, #tpu.memory_space<vmem>>
        %dma_start3A_142 = tpu.memref_squeeze %dma_start3A_141 : memref<1x80xi32, #tpu.memory_space<vmem>> -> memref<80xi32, #tpu.memory_space<vmem>>
        %dma_start3A_143 = arith.constant 0 : i32
        %dma_start3A_144 = arith.constant 0 : i32
        %dma_start3A_145 = tpu.memref_slice %arg14[%dma_start3A_143, %dma_start3A_144] : memref<5120x128xf32, #tpu.memory_space<vmem_shared>> -> memref<5120x128xf32, #tpu.memory_space<vmem_shared>>
        tpu.enqueue_indirect_dma source(%arg11 : memref<80x128xf32, #tpu.memory_space<vmem>>) target(%dma_start3A_145 : memref<5120x128xf32, #tpu.memory_space<vmem_shared>>) offsets(%dma_start3A_142 : memref<80xi32, #tpu.memory_space<vmem>>) semaphore(%run_scoped3A_139 : memref<!tpu.dma_semaphore, #tpu.memory_space<semaphore_mem>>) {add = true}
        %dma_wait3A_146 = arith.constant 0 : i32
        %dma_wait3A_147 = tpu.memref_slice %arg10[%mul3A_106, %dma_wait3A_146] : memref<125x80xi32, #tpu.memory_space<vmem>> -> memref<1x80xi32, #tpu.memory_space<vmem>>
        %dma_wait3A_148 = tpu.memref_squeeze %dma_wait3A_147 : memref<1x80xi32, #tpu.memory_space<vmem>> -> memref<80xi32, #tpu.memory_space<vmem>>
        %dma_wait3A_149 = arith.constant 0 : i32
        %dma_wait3A_150 = arith.constant 0 : i32
        %dma_wait3A_151 = tpu.memref_slice %arg14[%dma_wait3A_149, %dma_wait3A_150] : memref<5120x128xf32, #tpu.memory_space<vmem_shared>> -> memref<5120x128xf32, #tpu.memory_space<vmem_shared>>
        tpu.wait_indirect_dma semaphore(%run_scoped3A_139 : memref<!tpu.dma_semaphore, #tpu.memory_space<semaphore_mem>>) src(%arg11 : memref<80x128xf32, #tpu.memory_space<vmem>>) dst(%dma_wait3A_151 : memref<5120x128xf32, #tpu.memory_space<vmem_shared>>)
        tpu.yield
      }) : () -> ()
      %add3A_121 = arith.constant 1 : i32
      %add3A_122 = arith.addi %mul3A_106, %add3A_121 : i32
      %dma_wait3A_123 = arith.constant 0 : i32
      %dma_wait3A_124 = tpu.memref_slice %arg8[%add3A_122, %dma_wait3A_123] : memref<125x80xi32, #tpu.memory_space<vmem>> -> memref<1x80xi32, #tpu.memory_space<vmem>>
      %dma_wait3A_125 = tpu.memref_squeeze %dma_wait3A_124 : memref<1x80xi32, #tpu.memory_space<vmem>> -> memref<80xi32, #tpu.memory_space<vmem>>
      %dma_wait3A_126 = arith.constant 0 : i32
      %dma_wait3A_127 = arith.constant 0 : i32
      %dma_wait3A_128 = tpu.memref_slice %arg3[%dma_wait3A_126, %dma_wait3A_127] : memref<10000x128xf32, #tpu.memory_space<hbm>> -> memref<10000x128xf32, #tpu.memory_space<hbm>>
      tpu.wait_indirect_dma semaphore(%arg16 : memref<!tpu.dma_semaphore, #tpu.memory_space<semaphore_mem>>) src(%dma_wait3A_128 : memref<10000x128xf32, #tpu.memory_space<hbm>>) dst(%arg12 : memref<80x128xf32, #tpu.memory_space<vmem>>)
      %add3A_129 = arith.constant 2 : i32
      %add3A_130 = arith.addi %mul3A_106, %add3A_129 : i32
      %dma_start3A_131 = arith.constant 0 : i32
      %dma_start3A_132 = tpu.memref_slice %arg8[%add3A_130, %dma_start3A_131] : memref<125x80xi32, #tpu.memory_space<vmem>> -> memref<1x80xi32, #tpu.memory_space<vmem>>
      %dma_start3A_133 = tpu.memref_squeeze %dma_start3A_132 : memref<1x80xi32, #tpu.memory_space<vmem>> -> memref<80xi32, #tpu.memory_space<vmem>>
      %dma_start3A_134 = arith.constant 0 : i32
      %dma_start3A_135 = arith.constant 0 : i32
      %dma_start3A_136 = tpu.memref_slice %arg3[%dma_start3A_134, %dma_start3A_135] : memref<10000x128xf32, #tpu.memory_space<hbm>> -> memref<10000x128xf32, #tpu.memory_space<hbm>>
      tpu.enqueue_indirect_dma source(%dma_start3A_136 : memref<10000x128xf32, #tpu.memory_space<hbm>>) target(%arg11 : memref<80x128xf32, #tpu.memory_space<vmem>>) offsets(%dma_start3A_133 : memref<80xi32, #tpu.memory_space<vmem>>) semaphore(%arg15 : memref<!tpu.dma_semaphore, #tpu.memory_space<semaphore_mem>>)
      %add3A_137 = arith.constant 1 : i32
      %add3A_138 = arith.addi %mul3A_106, %add3A_137 : i32
      "tpu.region"() ({
        %run_scoped3A_139 = tpu.sem_alloc : memref<!tpu.dma_semaphore, #tpu.memory_space<semaphore_mem>>
        %dma_start3A_140 = arith.constant 0 : i32
        %dma_start3A_141 = tpu.memref_slice %arg10[%add3A_138, %dma_start3A_140] : memref<125x80xi32, #tpu.memory_space<vmem>> -> memref<1x80xi32, #tpu.memory_space<vmem>>
        %dma_start3A_142 = tpu.memref_squeeze %dma_start3A_141 : memref<1x80xi32, #tpu.memory_space<vmem>> -> memref<80xi32, #tpu.memory_space<vmem>>
        %dma_start3A_143 = arith.constant 0 : i32
        %dma_start3A_144 = arith.constant 0 : i32
        %dma_start3A_145 = tpu.memref_slice %arg14[%dma_start3A_143, %dma_start3A_144] : memref<5120x128xf32, #tpu.memory_space<vmem_shared>> -> memref<5120x128xf32, #tpu.memory_space<vmem_shared>>
        tpu.enqueue_indirect_dma source(%arg12 : memref<80x128xf32, #tpu.memory_space<vmem>>) target(%dma_start3A_145 : memref<5120x128xf32, #tpu.memory_space<vmem_shared>>) offsets(%dma_start3A_142 : memref<80xi32, #tpu.memory_space<vmem>>) semaphore(%run_scoped3A_139 : memref<!tpu.dma_semaphore, #tpu.memory_space<semaphore_mem>>) {add = true}
        %dma_wait3A_146 = arith.constant 0 : i32
        %dma_wait3A_147 = tpu.memref_slice %arg10[%add3A_138, %dma_wait3A_146] : memref<125x80xi32, #tpu.memory_space<vmem>> -> memref<1x80xi32, #tpu.memory_space<vmem>>
        %dma_wait3A_148 = tpu.memref_squeeze %dma_wait3A_147 : memref<1x80xi32, #tpu.memory_space<vmem>> -> memref<80xi32, #tpu.memory_space<vmem>>
        %dma_wait3A_149 = arith.constant 0 : i32
        %dma_wait3A_150 = arith.constant 0 : i32
        %dma_wait3A_151 = tpu.memref_slice %arg14[%dma_wait3A_149, %dma_wait3A_150] : memref<5120x128xf32, #tpu.memory_space<vmem_shared>> -> memref<5120x128xf32, #tpu.memory_space<vmem_shared>>
        tpu.wait_indirect_dma semaphore(%run_scoped3A_139 : memref<!tpu.dma_semaphore, #tpu.memory_space<semaphore_mem>>) src(%arg12 : memref<80x128xf32, #tpu.memory_space<vmem>>) dst(%dma_wait3A_151 : memref<5120x128xf32, #tpu.memory_space<vmem_shared>>)
        tpu.yield
      }) : () -> ()
    }
    %scan3A_82 = arith.constant 62 : i32
    %dma_wait3A_83 = arith.constant 124 : i32
    %dma_wait3A_84 = arith.constant 0 : i32
    %dma_wait3A_85 = tpu.memref_slice %arg8[%dma_wait3A_83, %dma_wait3A_84] : memref<125x80xi32, #tpu.memory_space<vmem>> -> memref<1x80xi32, #tpu.memory_space<vmem>>
    %dma_wait3A_86 = tpu.memref_squeeze %dma_wait3A_85 : memref<1x80xi32, #tpu.memory_space<vmem>> -> memref<80xi32, #tpu.memory_space<vmem>>
    %dma_wait3A_87 = arith.constant 0 : i32
    %dma_wait3A_88 = arith.constant 0 : i32
    %dma_wait3A_89 = tpu.memref_slice %arg3[%dma_wait3A_87, %dma_wait3A_88] : memref<10000x128xf32, #tpu.memory_space<hbm>> -> memref<10000x128xf32, #tpu.memory_space<hbm>>
    tpu.wait_indirect_dma semaphore(%arg15 : memref<!tpu.dma_semaphore, #tpu.memory_space<semaphore_mem>>) src(%dma_wait3A_89 : memref<10000x128xf32, #tpu.memory_space<hbm>>) dst(%arg11 : memref<80x128xf32, #tpu.memory_space<vmem>>)
    %run_scoped3A_90 = arith.constant 124 : i32
    "tpu.region"() ({
      %run_scoped3A_104 = tpu.sem_alloc : memref<!tpu.dma_semaphore, #tpu.memory_space<semaphore_mem>>
      %dma_start3A_105 = arith.constant 0 : i32
      %dma_start3A_106 = tpu.memref_slice %arg10[%run_scoped3A_90, %dma_start3A_105] : memref<125x80xi32, #tpu.memory_space<vmem>> -> memref<1x80xi32, #tpu.memory_space<vmem>>
      %dma_start3A_107 = tpu.memref_squeeze %dma_start3A_106 : memref<1x80xi32, #tpu.memory_space<vmem>> -> memref<80xi32, #tpu.memory_space<vmem>>
      %dma_start3A_108 = arith.constant 0 : i32
      %dma_start3A_109 = arith.constant 0 : i32
      %dma_start3A_110 = tpu.memref_slice %arg14[%dma_start3A_108, %dma_start3A_109] : memref<5120x128xf32, #tpu.memory_space<vmem_shared>> -> memref<5120x128xf32, #tpu.memory_space<vmem_shared>>
      tpu.enqueue_indirect_dma source(%arg11 : memref<80x128xf32, #tpu.memory_space<vmem>>) target(%dma_start3A_110 : memref<5120x128xf32, #tpu.memory_space<vmem_shared>>) offsets(%dma_start3A_107 : memref<80xi32, #tpu.memory_space<vmem>>) semaphore(%run_scoped3A_104 : memref<!tpu.dma_semaphore, #tpu.memory_space<semaphore_mem>>) {add = true}
      %dma_wait3A_111 = arith.constant 0 : i32
      %dma_wait3A_112 = tpu.memref_slice %arg10[%run_scoped3A_90, %dma_wait3A_111] : memref<125x80xi32, #tpu.memory_space<vmem>> -> memref<1x80xi32, #tpu.memory_space<vmem>>
      %dma_wait3A_113 = tpu.memref_squeeze %dma_wait3A_112 : memref<1x80xi32, #tpu.memory_space<vmem>> -> memref<80xi32, #tpu.memory_space<vmem>>
      %dma_wait3A_114 = arith.constant 0 : i32
      %dma_wait3A_115 = arith.constant 0 : i32
      %dma_wait3A_116 = tpu.memref_slice %arg14[%dma_wait3A_114, %dma_wait3A_115] : memref<5120x128xf32, #tpu.memory_space<vmem_shared>> -> memref<5120x128xf32, #tpu.memory_space<vmem_shared>>
      tpu.wait_indirect_dma semaphore(%run_scoped3A_104 : memref<!tpu.dma_semaphore, #tpu.memory_space<semaphore_mem>>) src(%arg11 : memref<80x128xf32, #tpu.memory_space<vmem>>) dst(%dma_wait3A_116 : memref<5120x128xf32, #tpu.memory_space<vmem_shared>>)
      tpu.yield
    }) : () -> ()
    %barrier3A_91 = arith.constant 0 : index
    tpu.barrier barrier_id(%barrier3A_91)
    %mul3A_92 = arith.constant 312 : i32
    %mul3A_93 = arith.muli %arg1, %mul3A_92 : i32
    %mul3A_94 = arith.constant 5000 : i32
    %mul3A_95 = arith.muli %arg0, %mul3A_94 : i32
    %mul3A_96 = arith.constant 312 : i32
    %mul3A_97 = arith.muli %arg1, %mul3A_96 : i32
    %add3A_98 = arith.addi %mul3A_95, %mul3A_97 : i32
    "tpu.region"() ({
      %run_scoped3A_104 = tpu.sem_alloc : memref<!tpu.dma_semaphore, #tpu.memory_space<semaphore_mem>>
      %dma_start3A_105 = arith.constant 0 : i32
      %dma_start3A_106 = tpu.memref_slice %arg7[%add3A_98, %dma_start3A_105] : memref<10000x128xf32, #tpu.memory_space<hbm>> -> memref<312x128xf32, #tpu.memory_space<hbm>>
      %dma_start3A_107 = arith.constant 0 : i32
      %dma_start3A_108 = tpu.memref_slice %arg14[%mul3A_93, %dma_start3A_107] : memref<5120x128xf32, #tpu.memory_space<vmem_shared>> -> memref<312x128xf32, #tpu.memory_space<vmem_shared>>
      tpu.enqueue_dma source(%dma_start3A_108 : memref<312x128xf32, #tpu.memory_space<vmem_shared>>) target(%dma_start3A_106 : memref<312x128xf32, #tpu.memory_space<hbm>>) target_semaphore(%run_scoped3A_104 : memref<!tpu.dma_semaphore, #tpu.memory_space<semaphore_mem>>)
      %dma_wait3A_109 = arith.constant 0 : i32
      %dma_wait3A_110 = tpu.memref_slice %arg7[%add3A_98, %dma_wait3A_109] : memref<10000x128xf32, #tpu.memory_space<hbm>> -> memref<312x128xf32, #tpu.memory_space<hbm>>
      %dma_wait3A_111 = arith.constant 0 : i32
      %dma_wait3A_112 = tpu.memref_slice %arg14[%mul3A_93, %dma_wait3A_111] : memref<5120x128xf32, #tpu.memory_space<vmem_shared>> -> memref<312x128xf32, #tpu.memory_space<vmem_shared>>
      tpu.wait_dma2 semaphore(%run_scoped3A_104 : memref<!tpu.dma_semaphore, #tpu.memory_space<semaphore_mem>>) src(%dma_wait3A_112 : memref<312x128xf32, #tpu.memory_space<vmem_shared>>) dst(%dma_wait3A_110 : memref<312x128xf32, #tpu.memory_space<hbm>>)
      tpu.yield
    }) : () -> ()
    %eq3A_99 = arith.constant 15 : i32
    %eq3A_100 = arith.cmpi eq, %arg1, %eq3A_99 : i32
    %convert_element_type3A_101 = arith.extui %eq3A_100 : i1 to i32
    %cond3A_102 = arith.constant 0 : i32
    %cond3A_103 = arith.cmpi ne, %convert_element_type3A_101, %cond3A_102 : i32
    scf.if %cond3A_103 {
      %mul3A_104 = arith.constant 5000 : i32
      %mul3A_105 = arith.muli %arg0, %mul3A_104 : i32
      %add3A_106 = arith.constant 4992 : i32
      %add3A_107 = arith.addi %mul3A_105, %add3A_106 : i32
      "tpu.region"() ({
        %run_scoped3A_108 = tpu.sem_alloc : memref<!tpu.dma_semaphore, #tpu.memory_space<semaphore_mem>>
        %dma_start3A_109 = arith.constant 0 : i32
        %dma_start3A_110 = tpu.memref_slice %arg7[%add3A_107, %dma_start3A_109] : memref<10000x128xf32, #tpu.memory_space<hbm>> -> memref<8x128xf32, #tpu.memory_space<hbm>>
        %dma_start3A_111 = arith.constant 4992 : i32
        %dma_start3A_112 = arith.constant 0 : i32
        %dma_start3A_113 = tpu.memref_slice %arg14[%dma_start3A_111, %dma_start3A_112] : memref<5120x128xf32, #tpu.memory_space<vmem_shared>> -> memref<8x128xf32, #tpu.memory_space<vmem_shared>>
        tpu.enqueue_dma source(%dma_start3A_113 : memref<8x128xf32, #tpu.memory_space<vmem_shared>>) target(%dma_start3A_110 : memref<8x128xf32, #tpu.memory_space<hbm>>) target_semaphore(%run_scoped3A_108 : memref<!tpu.dma_semaphore, #tpu.memory_space<semaphore_mem>>)
        %dma_wait3A_114 = arith.constant 0 : i32
        %dma_wait3A_115 = tpu.memref_slice %arg7[%add3A_107, %dma_wait3A_114] : memref<10000x128xf32, #tpu.memory_space<hbm>> -> memref<8x128xf32, #tpu.memory_space<hbm>>
        %dma_wait3A_116 = arith.constant 4992 : i32
        %dma_wait3A_117 = arith.constant 0 : i32
        %dma_wait3A_118 = tpu.memref_slice %arg14[%dma_wait3A_116, %dma_wait3A_117] : memref<5120x128xf32, #tpu.memory_space<vmem_shared>> -> memref<8x128xf32, #tpu.memory_space<vmem_shared>>
        tpu.wait_dma2 semaphore(%run_scoped3A_108 : memref<!tpu.dma_semaphore, #tpu.memory_space<semaphore_mem>>) src(%dma_wait3A_118 : memref<8x128xf32, #tpu.memory_space<vmem_shared>>) dst(%dma_wait3A_115 : memref<8x128xf32, #tpu.memory_space<hbm>>)
        tpu.yield
      }) : () -> ()
    } else {
    }
    return
  }
}

#map = affine_map<(d0, d1) -> (0, 0)>
#map1 = affine_map<(d0, d1) -> (0, 0, 0)>
module attributes {stable_mosaic.version = 14 : i64} {
  func.func @smooth(%arg0: i32, %arg1: i32, %arg2: memref<10000x64xf32, #tpu.memory_space<hbm>>, %arg3: memref<16x125x80xi32, #tpu.memory_space<hbm>>, %arg4: memref<16x125x80xi32, #tpu.memory_space<hbm>>, %arg5: memref<10000x64xf32, #tpu.memory_space<hbm>>, %arg6: memref<125x80xi32, #tpu.memory_space<vmem>>, %arg7: memref<125x80xi32, #tpu.memory_space<vmem>>, %arg8: memref<125x80xi32, #tpu.memory_space<vmem>>, %arg9: memref<80x64xf32, #tpu.memory_space<vmem>>, %arg10: memref<80x64xf32, #tpu.memory_space<vmem>>, %arg11: memref<80x64xf32, #tpu.memory_space<vmem>>, %arg12: memref<5120x64xf32, #tpu.memory_space<vmem_shared>>, %arg13: memref<!tpu.dma_semaphore, #tpu.memory_space<semaphore_mem>>, %arg14: memref<!tpu.dma_semaphore, #tpu.memory_space<semaphore_mem>>) attributes {dimension_semantics = [#tpu.dimension_semantics<core_parallel>, #tpu.dimension_semantics<subcore_parallel>], iteration_bounds = array<i64: 2, 16>, scalar_prefetch = 0 : i64, scratch_operands = 9 : i64, tpu.core_type = #tpu.core_type<sc_vector_subcore>, window_params = [{transform_indices = #map}, {transform_indices = #map1}, {transform_indices = #map1}, {transform_indices = #map}]} {
    "tpu.region"() ({
      %run_scoped3A_53 = tpu.sem_alloc : memref<!tpu.dma_semaphore, #tpu.memory_space<semaphore_mem>>
      %dma_start3A_54 = arith.constant 0 : i32
      %dma_start3A_55 = arith.constant 0 : i32
      %dma_start3A_56 = tpu.memref_slice %arg3[%arg1, %dma_start3A_54, %dma_start3A_55] : memref<16x125x80xi32, #tpu.memory_space<hbm>> -> memref<1x125x80xi32, #tpu.memory_space<hbm>>
      %dma_start3A_57 = tpu.memref_squeeze %dma_start3A_56 : memref<1x125x80xi32, #tpu.memory_space<hbm>> -> memref<125x80xi32, #tpu.memory_space<hbm>>
      %dma_start3A_58 = arith.constant 0 : i32
      %dma_start3A_59 = arith.constant 0 : i32
      %dma_start3A_60 = tpu.memref_slice %arg3[%arg1, %dma_start3A_58, %dma_start3A_59] : memref<16x125x80xi32, #tpu.memory_space<hbm>> -> memref<1x125x80xi32, #tpu.memory_space<hbm>>
      %dma_start3A_61 = tpu.memref_squeeze %dma_start3A_60 : memref<1x125x80xi32, #tpu.memory_space<hbm>> -> memref<125x80xi32, #tpu.memory_space<hbm>>
      tpu.enqueue_dma source(%dma_start3A_61 : memref<125x80xi32, #tpu.memory_space<hbm>>) target(%arg6 : memref<125x80xi32, #tpu.memory_space<vmem>>) target_semaphore(%run_scoped3A_53 : memref<!tpu.dma_semaphore, #tpu.memory_space<semaphore_mem>>)
      %dma_wait3A_62 = arith.constant 0 : i32
      %dma_wait3A_63 = arith.constant 0 : i32
      %dma_wait3A_64 = tpu.memref_slice %arg3[%arg1, %dma_wait3A_62, %dma_wait3A_63] : memref<16x125x80xi32, #tpu.memory_space<hbm>> -> memref<1x125x80xi32, #tpu.memory_space<hbm>>
      %dma_wait3A_65 = tpu.memref_squeeze %dma_wait3A_64 : memref<1x125x80xi32, #tpu.memory_space<hbm>> -> memref<125x80xi32, #tpu.memory_space<hbm>>
      %dma_wait3A_66 = arith.constant 0 : i32
      %dma_wait3A_67 = arith.constant 0 : i32
      %dma_wait3A_68 = tpu.memref_slice %arg3[%arg1, %dma_wait3A_66, %dma_wait3A_67] : memref<16x125x80xi32, #tpu.memory_space<hbm>> -> memref<1x125x80xi32, #tpu.memory_space<hbm>>
      %dma_wait3A_69 = tpu.memref_squeeze %dma_wait3A_68 : memref<1x125x80xi32, #tpu.memory_space<hbm>> -> memref<125x80xi32, #tpu.memory_space<hbm>>
      tpu.wait_dma2 semaphore(%run_scoped3A_53 : memref<!tpu.dma_semaphore, #tpu.memory_space<semaphore_mem>>) src(%dma_wait3A_69 : memref<125x80xi32, #tpu.memory_space<hbm>>) dst(%arg6 : memref<125x80xi32, #tpu.memory_space<vmem>>)
      tpu.yield
    }) : () -> ()
    "tpu.region"() ({
      %run_scoped3A_53 = tpu.sem_alloc : memref<!tpu.dma_semaphore, #tpu.memory_space<semaphore_mem>>
      %dma_start3A_54 = arith.constant 0 : i32
      %dma_start3A_55 = arith.constant 0 : i32
      %dma_start3A_56 = tpu.memref_slice %arg4[%arg1, %dma_start3A_54, %dma_start3A_55] : memref<16x125x80xi32, #tpu.memory_space<hbm>> -> memref<1x125x80xi32, #tpu.memory_space<hbm>>
      %dma_start3A_57 = tpu.memref_squeeze %dma_start3A_56 : memref<1x125x80xi32, #tpu.memory_space<hbm>> -> memref<125x80xi32, #tpu.memory_space<hbm>>
      %dma_start3A_58 = arith.constant 0 : i32
      %dma_start3A_59 = arith.constant 0 : i32
      %dma_start3A_60 = tpu.memref_slice %arg4[%arg1, %dma_start3A_58, %dma_start3A_59] : memref<16x125x80xi32, #tpu.memory_space<hbm>> -> memref<1x125x80xi32, #tpu.memory_space<hbm>>
      %dma_start3A_61 = tpu.memref_squeeze %dma_start3A_60 : memref<1x125x80xi32, #tpu.memory_space<hbm>> -> memref<125x80xi32, #tpu.memory_space<hbm>>
      tpu.enqueue_dma source(%dma_start3A_61 : memref<125x80xi32, #tpu.memory_space<hbm>>) target(%arg7 : memref<125x80xi32, #tpu.memory_space<vmem>>) target_semaphore(%run_scoped3A_53 : memref<!tpu.dma_semaphore, #tpu.memory_space<semaphore_mem>>)
      %dma_wait3A_62 = arith.constant 0 : i32
      %dma_wait3A_63 = arith.constant 0 : i32
      %dma_wait3A_64 = tpu.memref_slice %arg4[%arg1, %dma_wait3A_62, %dma_wait3A_63] : memref<16x125x80xi32, #tpu.memory_space<hbm>> -> memref<1x125x80xi32, #tpu.memory_space<hbm>>
      %dma_wait3A_65 = tpu.memref_squeeze %dma_wait3A_64 : memref<1x125x80xi32, #tpu.memory_space<hbm>> -> memref<125x80xi32, #tpu.memory_space<hbm>>
      %dma_wait3A_66 = arith.constant 0 : i32
      %dma_wait3A_67 = arith.constant 0 : i32
      %dma_wait3A_68 = tpu.memref_slice %arg4[%arg1, %dma_wait3A_66, %dma_wait3A_67] : memref<16x125x80xi32, #tpu.memory_space<hbm>> -> memref<1x125x80xi32, #tpu.memory_space<hbm>>
      %dma_wait3A_69 = tpu.memref_squeeze %dma_wait3A_68 : memref<1x125x80xi32, #tpu.memory_space<hbm>> -> memref<125x80xi32, #tpu.memory_space<hbm>>
      tpu.wait_dma2 semaphore(%run_scoped3A_53 : memref<!tpu.dma_semaphore, #tpu.memory_space<semaphore_mem>>) src(%dma_wait3A_69 : memref<125x80xi32, #tpu.memory_space<hbm>>) dst(%arg7 : memref<125x80xi32, #tpu.memory_space<vmem>>)
      tpu.yield
    }) : () -> ()
    %mul3A = arith.constant 5000 : i32
    %mul3A_0 = arith.muli %arg0, %mul3A : i32
    %scan3A = arith.constant 0 : i32
    %scan3A_1 = arith.constant 125 : i32
    %scan3A_2 = arith.addi %scan3A, %scan3A_1 : i32
    %scan3A_3 = arith.constant 1 : i32
    scf.for %scan3A_53 = %scan3A to %scan3A_2 step %scan3A_3  : i32 {
      %get3A = arith.index_cast %scan3A_53 : i32 to index
      %get3A_54 = arith.constant 0 : index
      %get3A_55 = tpu.vector_load %arg7[%get3A, %get3A_54] {strides = array<i32>} : memref<125x80xi32, #tpu.memory_space<vmem>>, vector<1x16xi32>,
      %get3A_56 = vector.shape_cast %get3A_55 : vector<1x16xi32> to vector<16xi32>
      %sub3A = vector.broadcast %mul3A_0 : i32 to vector<16xi32>
      %sub3A_57 = arith.subi %get3A_56, %sub3A : vector<16xi32>
      %ge3A = arith.constant 0 : i32
      %ge3A_58 = vector.broadcast %ge3A : i32 to vector<16xi32>
      %ge3A_59 = arith.cmpi sge, %sub3A_57, %ge3A_58 : vector<16xi32>
      %lt3A = arith.constant 5000 : i32
      %lt3A_60 = vector.broadcast %lt3A : i32 to vector<16xi32>
      %lt3A_61 = arith.cmpi slt, %sub3A_57, %lt3A_60 : vector<16xi32>
      %and3A = arith.andi %ge3A_59, %lt3A_61 : vector<16xi1>
      %jit3A = arith.constant 5000 : i32
      %broadcast_in_dim3A_62 = vector.broadcast %jit3A : i32 to vector<16xi32>
      %select_n3A = arith.select %and3A, %sub3A_57, %broadcast_in_dim3A_62 : vector<16xi1>, vector<16xi32>
      %swap3A = arith.index_cast %scan3A_53 : i32 to index
      %swap3A_63 = arith.constant 0 : index
      %swap3A_64 = tpu.vector_load %arg8[%swap3A, %swap3A_63] {strides = array<i32>} : memref<125x80xi32, #tpu.memory_space<vmem>>, vector<1x16xi32>,
      %swap3A_65 = vector.shape_cast %swap3A_64 : vector<1x16xi32> to vector<16xi32>
      %swap3A_66 = vector.shape_cast %select_n3A : vector<16xi32> to vector<1x16xi32>
      tpu.vector_store %arg8[%swap3A, %swap3A_63], %swap3A_66 {strides = array<i32>} : memref<125x80xi32, #tpu.memory_space<vmem>>, vector<1x16xi32>,
      %get3A_67 = arith.index_cast %scan3A_53 : i32 to index
      %get3A_68 = arith.constant 16 : index
      %get3A_69 = tpu.vector_load %arg7[%get3A_67, %get3A_68] {strides = array<i32>} : memref<125x80xi32, #tpu.memory_space<vmem>>, vector<1x16xi32>,
      %get3A_70 = vector.shape_cast %get3A_69 : vector<1x16xi32> to vector<16xi32>
      %sub3A_71 = vector.broadcast %mul3A_0 : i32 to vector<16xi32>
      %sub3A_72 = arith.subi %get3A_70, %sub3A_71 : vector<16xi32>
      %ge3A_73 = arith.constant 0 : i32
      %ge3A_74 = vector.broadcast %ge3A_73 : i32 to vector<16xi32>
      %ge3A_75 = arith.cmpi sge, %sub3A_72, %ge3A_74 : vector<16xi32>
      %lt3A_76 = arith.constant 5000 : i32
      %lt3A_77 = vector.broadcast %lt3A_76 : i32 to vector<16xi32>
      %lt3A_78 = arith.cmpi slt, %sub3A_72, %lt3A_77 : vector<16xi32>
      %and3A_79 = arith.andi %ge3A_75, %lt3A_78 : vector<16xi1>
      %jit3A_80 = arith.constant 5000 : i32
      %broadcast_in_dim3A_81 = vector.broadcast %jit3A_80 : i32 to vector<16xi32>
      %select_n3A_82 = arith.select %and3A_79, %sub3A_72, %broadcast_in_dim3A_81 : vector<16xi1>, vector<16xi32>
      %swap3A_83 = arith.index_cast %scan3A_53 : i32 to index
      %swap3A_84 = arith.constant 16 : index
      %swap3A_85 = tpu.vector_load %arg8[%swap3A_83, %swap3A_84] {strides = array<i32>} : memref<125x80xi32, #tpu.memory_space<vmem>>, vector<1x16xi32>,
      %swap3A_86 = vector.shape_cast %swap3A_85 : vector<1x16xi32> to vector<16xi32>
      %swap3A_87 = vector.shape_cast %select_n3A_82 : vector<16xi32> to vector<1x16xi32>
      tpu.vector_store %arg8[%swap3A_83, %swap3A_84], %swap3A_87 {strides = array<i32>} : memref<125x80xi32, #tpu.memory_space<vmem>>, vector<1x16xi32>,
      %get3A_88 = arith.index_cast %scan3A_53 : i32 to index
      %get3A_89 = arith.constant 32 : index
      %get3A_90 = tpu.vector_load %arg7[%get3A_88, %get3A_89] {strides = array<i32>} : memref<125x80xi32, #tpu.memory_space<vmem>>, vector<1x16xi32>,
      %get3A_91 = vector.shape_cast %get3A_90 : vector<1x16xi32> to vector<16xi32>
      %sub3A_92 = vector.broadcast %mul3A_0 : i32 to vector<16xi32>
      %sub3A_93 = arith.subi %get3A_91, %sub3A_92 : vector<16xi32>
      %ge3A_94 = arith.constant 0 : i32
      %ge3A_95 = vector.broadcast %ge3A_94 : i32 to vector<16xi32>
      %ge3A_96 = arith.cmpi sge, %sub3A_93, %ge3A_95 : vector<16xi32>
      %lt3A_97 = arith.constant 5000 : i32
      %lt3A_98 = vector.broadcast %lt3A_97 : i32 to vector<16xi32>
      %lt3A_99 = arith.cmpi slt, %sub3A_93, %lt3A_98 : vector<16xi32>
      %and3A_100 = arith.andi %ge3A_96, %lt3A_99 : vector<16xi1>
      %jit3A_101 = arith.constant 5000 : i32
      %broadcast_in_dim3A_102 = vector.broadcast %jit3A_101 : i32 to vector<16xi32>
      %select_n3A_103 = arith.select %and3A_100, %sub3A_93, %broadcast_in_dim3A_102 : vector<16xi1>, vector<16xi32>
      %swap3A_104 = arith.index_cast %scan3A_53 : i32 to index
      %swap3A_105 = arith.constant 32 : index
      %swap3A_106 = tpu.vector_load %arg8[%swap3A_104, %swap3A_105] {strides = array<i32>} : memref<125x80xi32, #tpu.memory_space<vmem>>, vector<1x16xi32>,
      %swap3A_107 = vector.shape_cast %swap3A_106 : vector<1x16xi32> to vector<16xi32>
      %swap3A_108 = vector.shape_cast %select_n3A_103 : vector<16xi32> to vector<1x16xi32>
      tpu.vector_store %arg8[%swap3A_104, %swap3A_105], %swap3A_108 {strides = array<i32>} : memref<125x80xi32, #tpu.memory_space<vmem>>, vector<1x16xi32>,
      %get3A_109 = arith.index_cast %scan3A_53 : i32 to index
      %get3A_110 = arith.constant 48 : index
      %get3A_111 = tpu.vector_load %arg7[%get3A_109, %get3A_110] {strides = array<i32>} : memref<125x80xi32, #tpu.memory_space<vmem>>, vector<1x16xi32>,
      %get3A_112 = vector.shape_cast %get3A_111 : vector<1x16xi32> to vector<16xi32>
      %sub3A_113 = vector.broadcast %mul3A_0 : i32 to vector<16xi32>
      %sub3A_114 = arith.subi %get3A_112, %sub3A_113 : vector<16xi32>
      %ge3A_115 = arith.constant 0 : i32
      %ge3A_116 = vector.broadcast %ge3A_115 : i32 to vector<16xi32>
      %ge3A_117 = arith.cmpi sge, %sub3A_114, %ge3A_116 : vector<16xi32>
      %lt3A_118 = arith.constant 5000 : i32
      %lt3A_119 = vector.broadcast %lt3A_118 : i32 to vector<16xi32>
      %lt3A_120 = arith.cmpi slt, %sub3A_114, %lt3A_119 : vector<16xi32>
      %and3A_121 = arith.andi %ge3A_117, %lt3A_120 : vector<16xi1>
      %jit3A_122 = arith.constant 5000 : i32
      %broadcast_in_dim3A_123 = vector.broadcast %jit3A_122 : i32 to vector<16xi32>
      %select_n3A_124 = arith.select %and3A_121, %sub3A_114, %broadcast_in_dim3A_123 : vector<16xi1>, vector<16xi32>
      %swap3A_125 = arith.index_cast %scan3A_53 : i32 to index
      %swap3A_126 = arith.constant 48 : index
      %swap3A_127 = tpu.vector_load %arg8[%swap3A_125, %swap3A_126] {strides = array<i32>} : memref<125x80xi32, #tpu.memory_space<vmem>>, vector<1x16xi32>,
      %swap3A_128 = vector.shape_cast %swap3A_127 : vector<1x16xi32> to vector<16xi32>
      %swap3A_129 = vector.shape_cast %select_n3A_124 : vector<16xi32> to vector<1x16xi32>
      tpu.vector_store %arg8[%swap3A_125, %swap3A_126], %swap3A_129 {strides = array<i32>} : memref<125x80xi32, #tpu.memory_space<vmem>>, vector<1x16xi32>,
      %get3A_130 = arith.index_cast %scan3A_53 : i32 to index
      %get3A_131 = arith.constant 64 : index
      %get3A_132 = tpu.vector_load %arg7[%get3A_130, %get3A_131] {strides = array<i32>} : memref<125x80xi32, #tpu.memory_space<vmem>>, vector<1x16xi32>,
      %get3A_133 = vector.shape_cast %get3A_132 : vector<1x16xi32> to vector<16xi32>
      %sub3A_134 = vector.broadcast %mul3A_0 : i32 to vector<16xi32>
      %sub3A_135 = arith.subi %get3A_133, %sub3A_134 : vector<16xi32>
      %ge3A_136 = arith.constant 0 : i32
      %ge3A_137 = vector.broadcast %ge3A_136 : i32 to vector<16xi32>
      %ge3A_138 = arith.cmpi sge, %sub3A_135, %ge3A_137 : vector<16xi32>
      %lt3A_139 = arith.constant 5000 : i32
      %lt3A_140 = vector.broadcast %lt3A_139 : i32 to vector<16xi32>
      %lt3A_141 = arith.cmpi slt, %sub3A_135, %lt3A_140 : vector<16xi32>
      %and3A_142 = arith.andi %ge3A_138, %lt3A_141 : vector<16xi1>
      %jit3A_143 = arith.constant 5000 : i32
      %broadcast_in_dim3A_144 = vector.broadcast %jit3A_143 : i32 to vector<16xi32>
      %select_n3A_145 = arith.select %and3A_142, %sub3A_135, %broadcast_in_dim3A_144 : vector<16xi1>, vector<16xi32>
      %swap3A_146 = arith.index_cast %scan3A_53 : i32 to index
      %swap3A_147 = arith.constant 64 : index
      %swap3A_148 = tpu.vector_load %arg8[%swap3A_146, %swap3A_147] {strides = array<i32>} : memref<125x80xi32, #tpu.memory_space<vmem>>, vector<1x16xi32>,
      %swap3A_149 = vector.shape_cast %swap3A_148 : vector<1x16xi32> to vector<16xi32>
      %swap3A_150 = vector.shape_cast %select_n3A_145 : vector<16xi32> to vector<1x16xi32>
      tpu.vector_store %arg8[%swap3A_146, %swap3A_147], %swap3A_150 {strides = array<i32>} : memref<125x80xi32, #tpu.memory_space<vmem>>, vector<1x16xi32>,
    }
    %scan3A_4 = arith.constant 125 : i32
    %broadcast_in_dim3A = arith.constant 0.000000e+00 : f32
    %broadcast_in_dim3A_5 = vector.broadcast %broadcast_in_dim3A : f32 to vector<16xf32>
    %scan3A_6 = arith.constant 0 : i32
    %scan3A_7 = arith.constant 80 : i32
    %scan3A_8 = arith.addi %scan3A_6, %scan3A_7 : i32
    %scan3A_9 = arith.constant 1 : i32
    scf.for %scan3A_53 = %scan3A_6 to %scan3A_8 step %scan3A_9  : i32 {
      %swap3A = arith.index_cast %scan3A_53 : i32 to index
      %swap3A_54 = arith.constant 0 : index
      %swap3A_55 = tpu.vector_load %arg11[%swap3A, %swap3A_54] {strides = array<i32>} : memref<80x64xf32, #tpu.memory_space<vmem>>, vector<1x16xf32>,
      %swap3A_56 = vector.shape_cast %swap3A_55 : vector<1x16xf32> to vector<16xf32>
      %swap3A_57 = vector.shape_cast %broadcast_in_dim3A_5 : vector<16xf32> to vector<1x16xf32>
      tpu.vector_store %arg11[%swap3A, %swap3A_54], %swap3A_57 {strides = array<i32>} : memref<80x64xf32, #tpu.memory_space<vmem>>, vector<1x16xf32>,
      %swap3A_58 = arith.index_cast %scan3A_53 : i32 to index
      %swap3A_59 = arith.constant 16 : index
      %swap3A_60 = tpu.vector_load %arg11[%swap3A_58, %swap3A_59] {strides = array<i32>} : memref<80x64xf32, #tpu.memory_space<vmem>>, vector<1x16xf32>,
      %swap3A_61 = vector.shape_cast %swap3A_60 : vector<1x16xf32> to vector<16xf32>
      %swap3A_62 = vector.shape_cast %broadcast_in_dim3A_5 : vector<16xf32> to vector<1x16xf32>
      tpu.vector_store %arg11[%swap3A_58, %swap3A_59], %swap3A_62 {strides = array<i32>} : memref<80x64xf32, #tpu.memory_space<vmem>>, vector<1x16xf32>,
      %swap3A_63 = arith.index_cast %scan3A_53 : i32 to index
      %swap3A_64 = arith.constant 32 : index
      %swap3A_65 = tpu.vector_load %arg11[%swap3A_63, %swap3A_64] {strides = array<i32>} : memref<80x64xf32, #tpu.memory_space<vmem>>, vector<1x16xf32>,
      %swap3A_66 = vector.shape_cast %swap3A_65 : vector<1x16xf32> to vector<16xf32>
      %swap3A_67 = vector.shape_cast %broadcast_in_dim3A_5 : vector<16xf32> to vector<1x16xf32>
      tpu.vector_store %arg11[%swap3A_63, %swap3A_64], %swap3A_67 {strides = array<i32>} : memref<80x64xf32, #tpu.memory_space<vmem>>, vector<1x16xf32>,
      %swap3A_68 = arith.index_cast %scan3A_53 : i32 to index
      %swap3A_69 = arith.constant 48 : index
      %swap3A_70 = tpu.vector_load %arg11[%swap3A_68, %swap3A_69] {strides = array<i32>} : memref<80x64xf32, #tpu.memory_space<vmem>>, vector<1x16xf32>,
      %swap3A_71 = vector.shape_cast %swap3A_70 : vector<1x16xf32> to vector<16xf32>
      %swap3A_72 = vector.shape_cast %broadcast_in_dim3A_5 : vector<16xf32> to vector<1x16xf32>
      tpu.vector_store %arg11[%swap3A_68, %swap3A_69], %swap3A_72 {strides = array<i32>} : memref<80x64xf32, #tpu.memory_space<vmem>>, vector<1x16xf32>,
    }
    %scan3A_10 = arith.constant 80 : i32
    %mul3A_11 = arith.constant 320 : i32
    %mul3A_12 = arith.muli %arg1, %mul3A_11 : i32
    %add3A = arith.constant 0 : i32
    %add3A_13 = arith.addi %mul3A_12, %add3A : i32
    "tpu.region"() ({
      %run_scoped3A_53 = tpu.sem_alloc : memref<!tpu.dma_semaphore, #tpu.memory_space<semaphore_mem>>
      %dma_start3A_54 = arith.constant 0 : i32
      %dma_start3A_55 = tpu.memref_slice %arg12[%add3A_13, %dma_start3A_54] : memref<5120x64xf32, #tpu.memory_space<vmem_shared>> -> memref<80x64xf32, #tpu.memory_space<vmem_shared>>
      %dma_start3A_56 = arith.constant 0 : i32
      %dma_start3A_57 = tpu.memref_slice %arg12[%add3A_13, %dma_start3A_56] : memref<5120x64xf32, #tpu.memory_space<vmem_shared>> -> memref<80x64xf32, #tpu.memory_space<vmem_shared>>
      tpu.enqueue_dma source(%arg11 : memref<80x64xf32, #tpu.memory_space<vmem>>) target(%dma_start3A_57 : memref<80x64xf32, #tpu.memory_space<vmem_shared>>) target_semaphore(%run_scoped3A_53 : memref<!tpu.dma_semaphore, #tpu.memory_space<semaphore_mem>>)
      %dma_wait3A_58 = arith.constant 0 : i32
      %dma_wait3A_59 = tpu.memref_slice %arg12[%add3A_13, %dma_wait3A_58] : memref<5120x64xf32, #tpu.memory_space<vmem_shared>> -> memref<80x64xf32, #tpu.memory_space<vmem_shared>>
      %dma_wait3A_60 = arith.constant 0 : i32
      %dma_wait3A_61 = tpu.memref_slice %arg12[%add3A_13, %dma_wait3A_60] : memref<5120x64xf32, #tpu.memory_space<vmem_shared>> -> memref<80x64xf32, #tpu.memory_space<vmem_shared>>
      tpu.wait_dma2 semaphore(%run_scoped3A_53 : memref<!tpu.dma_semaphore, #tpu.memory_space<semaphore_mem>>) src(%arg11 : memref<80x64xf32, #tpu.memory_space<vmem>>) dst(%dma_wait3A_61 : memref<80x64xf32, #tpu.memory_space<vmem_shared>>)
      tpu.yield
    }) : () -> ()
    %mul3A_14 = arith.constant 320 : i32
    %mul3A_15 = arith.muli %arg1, %mul3A_14 : i32
    %add3A_16 = arith.constant 80 : i32
    %add3A_17 = arith.addi %mul3A_15, %add3A_16 : i32
    "tpu.region"() ({
      %run_scoped3A_53 = tpu.sem_alloc : memref<!tpu.dma_semaphore, #tpu.memory_space<semaphore_mem>>
      %dma_start3A_54 = arith.constant 0 : i32
      %dma_start3A_55 = tpu.memref_slice %arg12[%add3A_17, %dma_start3A_54] : memref<5120x64xf32, #tpu.memory_space<vmem_shared>> -> memref<80x64xf32, #tpu.memory_space<vmem_shared>>
      %dma_start3A_56 = arith.constant 0 : i32
      %dma_start3A_57 = tpu.memref_slice %arg12[%add3A_17, %dma_start3A_56] : memref<5120x64xf32, #tpu.memory_space<vmem_shared>> -> memref<80x64xf32, #tpu.memory_space<vmem_shared>>
      tpu.enqueue_dma source(%arg11 : memref<80x64xf32, #tpu.memory_space<vmem>>) target(%dma_start3A_57 : memref<80x64xf32, #tpu.memory_space<vmem_shared>>) target_semaphore(%run_scoped3A_53 : memref<!tpu.dma_semaphore, #tpu.memory_space<semaphore_mem>>)
      %dma_wait3A_58 = arith.constant 0 : i32
      %dma_wait3A_59 = tpu.memref_slice %arg12[%add3A_17, %dma_wait3A_58] : memref<5120x64xf32, #tpu.memory_space<vmem_shared>> -> memref<80x64xf32, #tpu.memory_space<vmem_shared>>
      %dma_wait3A_60 = arith.constant 0 : i32
      %dma_wait3A_61 = tpu.memref_slice %arg12[%add3A_17, %dma_wait3A_60] : memref<5120x64xf32, #tpu.memory_space<vmem_shared>> -> memref<80x64xf32, #tpu.memory_space<vmem_shared>>
      tpu.wait_dma2 semaphore(%run_scoped3A_53 : memref<!tpu.dma_semaphore, #tpu.memory_space<semaphore_mem>>) src(%arg11 : memref<80x64xf32, #tpu.memory_space<vmem>>) dst(%dma_wait3A_61 : memref<80x64xf32, #tpu.memory_space<vmem_shared>>)
      tpu.yield
    }) : () -> ()
    %mul3A_18 = arith.constant 320 : i32
    %mul3A_19 = arith.muli %arg1, %mul3A_18 : i32
    %add3A_20 = arith.constant 160 : i32
    %add3A_21 = arith.addi %mul3A_19, %add3A_20 : i32
    "tpu.region"() ({
      %run_scoped3A_53 = tpu.sem_alloc : memref<!tpu.dma_semaphore, #tpu.memory_space<semaphore_mem>>
      %dma_start3A_54 = arith.constant 0 : i32
      %dma_start3A_55 = tpu.memref_slice %arg12[%add3A_21, %dma_start3A_54] : memref<5120x64xf32, #tpu.memory_space<vmem_shared>> -> memref<80x64xf32, #tpu.memory_space<vmem_shared>>
      %dma_start3A_56 = arith.constant 0 : i32
      %dma_start3A_57 = tpu.memref_slice %arg12[%add3A_21, %dma_start3A_56] : memref<5120x64xf32, #tpu.memory_space<vmem_shared>> -> memref<80x64xf32, #tpu.memory_space<vmem_shared>>
      tpu.enqueue_dma source(%arg11 : memref<80x64xf32, #tpu.memory_space<vmem>>) target(%dma_start3A_57 : memref<80x64xf32, #tpu.memory_space<vmem_shared>>) target_semaphore(%run_scoped3A_53 : memref<!tpu.dma_semaphore, #tpu.memory_space<semaphore_mem>>)
      %dma_wait3A_58 = arith.constant 0 : i32
      %dma_wait3A_59 = tpu.memref_slice %arg12[%add3A_21, %dma_wait3A_58] : memref<5120x64xf32, #tpu.memory_space<vmem_shared>> -> memref<80x64xf32, #tpu.memory_space<vmem_shared>>
      %dma_wait3A_60 = arith.constant 0 : i32
      %dma_wait3A_61 = tpu.memref_slice %arg12[%add3A_21, %dma_wait3A_60] : memref<5120x64xf32, #tpu.memory_space<vmem_shared>> -> memref<80x64xf32, #tpu.memory_space<vmem_shared>>
      tpu.wait_dma2 semaphore(%run_scoped3A_53 : memref<!tpu.dma_semaphore, #tpu.memory_space<semaphore_mem>>) src(%arg11 : memref<80x64xf32, #tpu.memory_space<vmem>>) dst(%dma_wait3A_61 : memref<80x64xf32, #tpu.memory_space<vmem_shared>>)
      tpu.yield
    }) : () -> ()
    %mul3A_22 = arith.constant 320 : i32
    %mul3A_23 = arith.muli %arg1, %mul3A_22 : i32
    %add3A_24 = arith.constant 240 : i32
    %add3A_25 = arith.addi %mul3A_23, %add3A_24 : i32
    "tpu.region"() ({
      %run_scoped3A_53 = tpu.sem_alloc : memref<!tpu.dma_semaphore, #tpu.memory_space<semaphore_mem>>
      %dma_start3A_54 = arith.constant 0 : i32
      %dma_start3A_55 = tpu.memref_slice %arg12[%add3A_25, %dma_start3A_54] : memref<5120x64xf32, #tpu.memory_space<vmem_shared>> -> memref<80x64xf32, #tpu.memory_space<vmem_shared>>
      %dma_start3A_56 = arith.constant 0 : i32
      %dma_start3A_57 = tpu.memref_slice %arg12[%add3A_25, %dma_start3A_56] : memref<5120x64xf32, #tpu.memory_space<vmem_shared>> -> memref<80x64xf32, #tpu.memory_space<vmem_shared>>
      tpu.enqueue_dma source(%arg11 : memref<80x64xf32, #tpu.memory_space<vmem>>) target(%dma_start3A_57 : memref<80x64xf32, #tpu.memory_space<vmem_shared>>) target_semaphore(%run_scoped3A_53 : memref<!tpu.dma_semaphore, #tpu.memory_space<semaphore_mem>>)
      %dma_wait3A_58 = arith.constant 0 : i32
      %dma_wait3A_59 = tpu.memref_slice %arg12[%add3A_25, %dma_wait3A_58] : memref<5120x64xf32, #tpu.memory_space<vmem_shared>> -> memref<80x64xf32, #tpu.memory_space<vmem_shared>>
      %dma_wait3A_60 = arith.constant 0 : i32
      %dma_wait3A_61 = tpu.memref_slice %arg12[%add3A_25, %dma_wait3A_60] : memref<5120x64xf32, #tpu.memory_space<vmem_shared>> -> memref<80x64xf32, #tpu.memory_space<vmem_shared>>
      tpu.wait_dma2 semaphore(%run_scoped3A_53 : memref<!tpu.dma_semaphore, #tpu.memory_space<semaphore_mem>>) src(%arg11 : memref<80x64xf32, #tpu.memory_space<vmem>>) dst(%dma_wait3A_61 : memref<80x64xf32, #tpu.memory_space<vmem_shared>>)
      tpu.yield
    }) : () -> ()
    %barrier3A = arith.constant 0 : index
    tpu.barrier barrier_id(%barrier3A)
    %dma_start3A = arith.constant 0 : i32
    %dma_start3A_26 = arith.constant 0 : i32
    %dma_start3A_27 = tpu.memref_slice %arg6[%dma_start3A, %dma_start3A_26] : memref<125x80xi32, #tpu.memory_space<vmem>> -> memref<1x80xi32, #tpu.memory_space<vmem>>
    %dma_start3A_28 = tpu.memref_squeeze %dma_start3A_27 : memref<1x80xi32, #tpu.memory_space<vmem>> -> memref<80xi32, #tpu.memory_space<vmem>>
    %dma_start3A_29 = arith.constant 0 : i32
    %dma_start3A_30 = arith.constant 0 : i32
    %dma_start3A_31 = tpu.memref_slice %arg2[%dma_start3A_29, %dma_start3A_30] : memref<10000x64xf32, #tpu.memory_space<hbm>> -> memref<10000x64xf32, #tpu.memory_space<hbm>>
    tpu.enqueue_indirect_dma source(%dma_start3A_31 : memref<10000x64xf32, #tpu.memory_space<hbm>>) target(%arg9 : memref<80x64xf32, #tpu.memory_space<vmem>>) offsets(%dma_start3A_28 : memref<80xi32, #tpu.memory_space<vmem>>) semaphore(%arg13 : memref<!tpu.dma_semaphore, #tpu.memory_space<semaphore_mem>>)
    %scan3A_32 = arith.constant 0 : i32
    %scan3A_33 = arith.constant 62 : i32
    %scan3A_34 = arith.addi %scan3A_32, %scan3A_33 : i32
    %scan3A_35 = arith.constant 1 : i32
    scf.for %scan3A_53 = %scan3A_32 to %scan3A_34 step %scan3A_35  : i32 {
      %mul3A_54 = arith.constant 2 : i32
      %mul3A_55 = arith.muli %scan3A_53, %mul3A_54 : i32
      %dma_wait3A_56 = arith.constant 0 : i32
      %dma_wait3A_57 = tpu.memref_slice %arg6[%mul3A_55, %dma_wait3A_56] : memref<125x80xi32, #tpu.memory_space<vmem>> -> memref<1x80xi32, #tpu.memory_space<vmem>>
      %dma_wait3A_58 = tpu.memref_squeeze %dma_wait3A_57 : memref<1x80xi32, #tpu.memory_space<vmem>> -> memref<80xi32, #tpu.memory_space<vmem>>
      %dma_wait3A_59 = arith.constant 0 : i32
      %dma_wait3A_60 = arith.constant 0 : i32
      %dma_wait3A_61 = tpu.memref_slice %arg2[%dma_wait3A_59, %dma_wait3A_60] : memref<10000x64xf32, #tpu.memory_space<hbm>> -> memref<10000x64xf32, #tpu.memory_space<hbm>>
      tpu.wait_indirect_dma semaphore(%arg13 : memref<!tpu.dma_semaphore, #tpu.memory_space<semaphore_mem>>) src(%dma_wait3A_61 : memref<10000x64xf32, #tpu.memory_space<hbm>>) dst(%arg9 : memref<80x64xf32, #tpu.memory_space<vmem>>)
      %add3A_62 = arith.constant 1 : i32
      %add3A_63 = arith.addi %mul3A_55, %add3A_62 : i32
      %dma_start3A_64 = arith.constant 0 : i32
      %dma_start3A_65 = tpu.memref_slice %arg6[%add3A_63, %dma_start3A_64] : memref<125x80xi32, #tpu.memory_space<vmem>> -> memref<1x80xi32, #tpu.memory_space<vmem>>
      %dma_start3A_66 = tpu.memref_squeeze %dma_start3A_65 : memref<1x80xi32, #tpu.memory_space<vmem>> -> memref<80xi32, #tpu.memory_space<vmem>>
      %dma_start3A_67 = arith.constant 0 : i32
      %dma_start3A_68 = arith.constant 0 : i32
      %dma_start3A_69 = tpu.memref_slice %arg2[%dma_start3A_67, %dma_start3A_68] : memref<10000x64xf32, #tpu.memory_space<hbm>> -> memref<10000x64xf32, #tpu.memory_space<hbm>>
      tpu.enqueue_indirect_dma source(%dma_start3A_69 : memref<10000x64xf32, #tpu.memory_space<hbm>>) target(%arg10 : memref<80x64xf32, #tpu.memory_space<vmem>>) offsets(%dma_start3A_66 : memref<80xi32, #tpu.memory_space<vmem>>) semaphore(%arg14 : memref<!tpu.dma_semaphore, #tpu.memory_space<semaphore_mem>>)
      "tpu.region"() ({
        %run_scoped3A_88 = tpu.sem_alloc : memref<!tpu.dma_semaphore, #tpu.memory_space<semaphore_mem>>
        %dma_start3A_89 = arith.constant 0 : i32
        %dma_start3A_90 = tpu.memref_slice %arg8[%mul3A_55, %dma_start3A_89] : memref<125x80xi32, #tpu.memory_space<vmem>> -> memref<1x80xi32, #tpu.memory_space<vmem>>
        %dma_start3A_91 = tpu.memref_squeeze %dma_start3A_90 : memref<1x80xi32, #tpu.memory_space<vmem>> -> memref<80xi32, #tpu.memory_space<vmem>>
        %dma_start3A_92 = arith.constant 0 : i32
        %dma_start3A_93 = arith.constant 0 : i32
        %dma_start3A_94 = tpu.memref_slice %arg12[%dma_start3A_92, %dma_start3A_93] : memref<5120x64xf32, #tpu.memory_space<vmem_shared>> -> memref<5120x64xf32, #tpu.memory_space<vmem_shared>>
        tpu.enqueue_indirect_dma source(%arg9 : memref<80x64xf32, #tpu.memory_space<vmem>>) target(%dma_start3A_94 : memref<5120x64xf32, #tpu.memory_space<vmem_shared>>) offsets(%dma_start3A_91 : memref<80xi32, #tpu.memory_space<vmem>>) semaphore(%run_scoped3A_88 : memref<!tpu.dma_semaphore, #tpu.memory_space<semaphore_mem>>) {add = true}
        %dma_wait3A_95 = arith.constant 0 : i32
        %dma_wait3A_96 = tpu.memref_slice %arg8[%mul3A_55, %dma_wait3A_95] : memref<125x80xi32, #tpu.memory_space<vmem>> -> memref<1x80xi32, #tpu.memory_space<vmem>>
        %dma_wait3A_97 = tpu.memref_squeeze %dma_wait3A_96 : memref<1x80xi32, #tpu.memory_space<vmem>> -> memref<80xi32, #tpu.memory_space<vmem>>
        %dma_wait3A_98 = arith.constant 0 : i32
        %dma_wait3A_99 = arith.constant 0 : i32
        %dma_wait3A_100 = tpu.memref_slice %arg12[%dma_wait3A_98, %dma_wait3A_99] : memref<5120x64xf32, #tpu.memory_space<vmem_shared>> -> memref<5120x64xf32, #tpu.memory_space<vmem_shared>>
        tpu.wait_indirect_dma semaphore(%run_scoped3A_88 : memref<!tpu.dma_semaphore, #tpu.memory_space<semaphore_mem>>) src(%arg9 : memref<80x64xf32, #tpu.memory_space<vmem>>) dst(%dma_wait3A_100 : memref<5120x64xf32, #tpu.memory_space<vmem_shared>>)
        tpu.yield
      }) : () -> ()
      %add3A_70 = arith.constant 1 : i32
      %add3A_71 = arith.addi %mul3A_55, %add3A_70 : i32
      %dma_wait3A_72 = arith.constant 0 : i32
      %dma_wait3A_73 = tpu.memref_slice %arg6[%add3A_71, %dma_wait3A_72] : memref<125x80xi32, #tpu.memory_space<vmem>> -> memref<1x80xi32, #tpu.memory_space<vmem>>
      %dma_wait3A_74 = tpu.memref_squeeze %dma_wait3A_73 : memref<1x80xi32, #tpu.memory_space<vmem>> -> memref<80xi32, #tpu.memory_space<vmem>>
      %dma_wait3A_75 = arith.constant 0 : i32
      %dma_wait3A_76 = arith.constant 0 : i32
      %dma_wait3A_77 = tpu.memref_slice %arg2[%dma_wait3A_75, %dma_wait3A_76] : memref<10000x64xf32, #tpu.memory_space<hbm>> -> memref<10000x64xf32, #tpu.memory_space<hbm>>
      tpu.wait_indirect_dma semaphore(%arg14 : memref<!tpu.dma_semaphore, #tpu.memory_space<semaphore_mem>>) src(%dma_wait3A_77 : memref<10000x64xf32, #tpu.memory_space<hbm>>) dst(%arg10 : memref<80x64xf32, #tpu.memory_space<vmem>>)
      %add3A_78 = arith.constant 2 : i32
      %add3A_79 = arith.addi %mul3A_55, %add3A_78 : i32
      %dma_start3A_80 = arith.constant 0 : i32
      %dma_start3A_81 = tpu.memref_slice %arg6[%add3A_79, %dma_start3A_80] : memref<125x80xi32, #tpu.memory_space<vmem>> -> memref<1x80xi32, #tpu.memory_space<vmem>>
      %dma_start3A_82 = tpu.memref_squeeze %dma_start3A_81 : memref<1x80xi32, #tpu.memory_space<vmem>> -> memref<80xi32, #tpu.memory_space<vmem>>
      %dma_start3A_83 = arith.constant 0 : i32
      %dma_start3A_84 = arith.constant 0 : i32
      %dma_start3A_85 = tpu.memref_slice %arg2[%dma_start3A_83, %dma_start3A_84] : memref<10000x64xf32, #tpu.memory_space<hbm>> -> memref<10000x64xf32, #tpu.memory_space<hbm>>
      tpu.enqueue_indirect_dma source(%dma_start3A_85 : memref<10000x64xf32, #tpu.memory_space<hbm>>) target(%arg9 : memref<80x64xf32, #tpu.memory_space<vmem>>) offsets(%dma_start3A_82 : memref<80xi32, #tpu.memory_space<vmem>>) semaphore(%arg13 : memref<!tpu.dma_semaphore, #tpu.memory_space<semaphore_mem>>)
      %add3A_86 = arith.constant 1 : i32
      %add3A_87 = arith.addi %mul3A_55, %add3A_86 : i32
      "tpu.region"() ({
        %run_scoped3A_88 = tpu.sem_alloc : memref<!tpu.dma_semaphore, #tpu.memory_space<semaphore_mem>>
        %dma_start3A_89 = arith.constant 0 : i32
        %dma_start3A_90 = tpu.memref_slice %arg8[%add3A_87, %dma_start3A_89] : memref<125x80xi32, #tpu.memory_space<vmem>> -> memref<1x80xi32, #tpu.memory_space<vmem>>
        %dma_start3A_91 = tpu.memref_squeeze %dma_start3A_90 : memref<1x80xi32, #tpu.memory_space<vmem>> -> memref<80xi32, #tpu.memory_space<vmem>>
        %dma_start3A_92 = arith.constant 0 : i32
        %dma_start3A_93 = arith.constant 0 : i32
        %dma_start3A_94 = tpu.memref_slice %arg12[%dma_start3A_92, %dma_start3A_93] : memref<5120x64xf32, #tpu.memory_space<vmem_shared>> -> memref<5120x64xf32, #tpu.memory_space<vmem_shared>>
        tpu.enqueue_indirect_dma source(%arg10 : memref<80x64xf32, #tpu.memory_space<vmem>>) target(%dma_start3A_94 : memref<5120x64xf32, #tpu.memory_space<vmem_shared>>) offsets(%dma_start3A_91 : memref<80xi32, #tpu.memory_space<vmem>>) semaphore(%run_scoped3A_88 : memref<!tpu.dma_semaphore, #tpu.memory_space<semaphore_mem>>) {add = true}
        %dma_wait3A_95 = arith.constant 0 : i32
        %dma_wait3A_96 = tpu.memref_slice %arg8[%add3A_87, %dma_wait3A_95] : memref<125x80xi32, #tpu.memory_space<vmem>> -> memref<1x80xi32, #tpu.memory_space<vmem>>
        %dma_wait3A_97 = tpu.memref_squeeze %dma_wait3A_96 : memref<1x80xi32, #tpu.memory_space<vmem>> -> memref<80xi32, #tpu.memory_space<vmem>>
        %dma_wait3A_98 = arith.constant 0 : i32
        %dma_wait3A_99 = arith.constant 0 : i32
        %dma_wait3A_100 = tpu.memref_slice %arg12[%dma_wait3A_98, %dma_wait3A_99] : memref<5120x64xf32, #tpu.memory_space<vmem_shared>> -> memref<5120x64xf32, #tpu.memory_space<vmem_shared>>
        tpu.wait_indirect_dma semaphore(%run_scoped3A_88 : memref<!tpu.dma_semaphore, #tpu.memory_space<semaphore_mem>>) src(%arg10 : memref<80x64xf32, #tpu.memory_space<vmem>>) dst(%dma_wait3A_100 : memref<5120x64xf32, #tpu.memory_space<vmem_shared>>)
        tpu.yield
      }) : () -> ()
    }
    %scan3A_36 = arith.constant 62 : i32
    %dma_wait3A = arith.constant 124 : i32
    %dma_wait3A_37 = arith.constant 0 : i32
    %dma_wait3A_38 = tpu.memref_slice %arg6[%dma_wait3A, %dma_wait3A_37] : memref<125x80xi32, #tpu.memory_space<vmem>> -> memref<1x80xi32, #tpu.memory_space<vmem>>
    %dma_wait3A_39 = tpu.memref_squeeze %dma_wait3A_38 : memref<1x80xi32, #tpu.memory_space<vmem>> -> memref<80xi32, #tpu.memory_space<vmem>>
    %dma_wait3A_40 = arith.constant 0 : i32
    %dma_wait3A_41 = arith.constant 0 : i32
    %dma_wait3A_42 = tpu.memref_slice %arg2[%dma_wait3A_40, %dma_wait3A_41] : memref<10000x64xf32, #tpu.memory_space<hbm>> -> memref<10000x64xf32, #tpu.memory_space<hbm>>
    tpu.wait_indirect_dma semaphore(%arg13 : memref<!tpu.dma_semaphore, #tpu.memory_space<semaphore_mem>>) src(%dma_wait3A_42 : memref<10000x64xf32, #tpu.memory_space<hbm>>) dst(%arg9 : memref<80x64xf32, #tpu.memory_space<vmem>>)
    %run_scoped3A = arith.constant 124 : i32
    "tpu.region"() ({
      %run_scoped3A_53 = tpu.sem_alloc : memref<!tpu.dma_semaphore, #tpu.memory_space<semaphore_mem>>
      %dma_start3A_54 = arith.constant 0 : i32
      %dma_start3A_55 = tpu.memref_slice %arg8[%run_scoped3A, %dma_start3A_54] : memref<125x80xi32, #tpu.memory_space<vmem>> -> memref<1x80xi32, #tpu.memory_space<vmem>>
      %dma_start3A_56 = tpu.memref_squeeze %dma_start3A_55 : memref<1x80xi32, #tpu.memory_space<vmem>> -> memref<80xi32, #tpu.memory_space<vmem>>
      %dma_start3A_57 = arith.constant 0 : i32
      %dma_start3A_58 = arith.constant 0 : i32
      %dma_start3A_59 = tpu.memref_slice %arg12[%dma_start3A_57, %dma_start3A_58] : memref<5120x64xf32, #tpu.memory_space<vmem_shared>> -> memref<5120x64xf32, #tpu.memory_space<vmem_shared>>
      tpu.enqueue_indirect_dma source(%arg9 : memref<80x64xf32, #tpu.memory_space<vmem>>) target(%dma_start3A_59 : memref<5120x64xf32, #tpu.memory_space<vmem_shared>>) offsets(%dma_start3A_56 : memref<80xi32, #tpu.memory_space<vmem>>) semaphore(%run_scoped3A_53 : memref<!tpu.dma_semaphore, #tpu.memory_space<semaphore_mem>>) {add = true}
      %dma_wait3A_60 = arith.constant 0 : i32
      %dma_wait3A_61 = tpu.memref_slice %arg8[%run_scoped3A, %dma_wait3A_60] : memref<125x80xi32, #tpu.memory_space<vmem>> -> memref<1x80xi32, #tpu.memory_space<vmem>>
      %dma_wait3A_62 = tpu.memref_squeeze %dma_wait3A_61 : memref<1x80xi32, #tpu.memory_space<vmem>> -> memref<80xi32, #tpu.memory_space<vmem>>
      %dma_wait3A_63 = arith.constant 0 : i32
      %dma_wait3A_64 = arith.constant 0 : i32
      %dma_wait3A_65 = tpu.memref_slice %arg12[%dma_wait3A_63, %dma_wait3A_64] : memref<5120x64xf32, #tpu.memory_space<vmem_shared>> -> memref<5120x64xf32, #tpu.memory_space<vmem_shared>>
      tpu.wait_indirect_dma semaphore(%run_scoped3A_53 : memref<!tpu.dma_semaphore, #tpu.memory_space<semaphore_mem>>) src(%arg9 : memref<80x64xf32, #tpu.memory_space<vmem>>) dst(%dma_wait3A_65 : memref<5120x64xf32, #tpu.memory_space<vmem_shared>>)
      tpu.yield
    }) : () -> ()
    %barrier3A_43 = arith.constant 0 : index
    tpu.barrier barrier_id(%barrier3A_43)
    %mul3A_44 = arith.constant 312 : i32
    %mul3A_45 = arith.muli %arg1, %mul3A_44 : i32
    %mul3A_46 = arith.constant 5000 : i32
    %mul3A_47 = arith.muli %arg0, %mul3A_46 : i32
    %mul3A_48 = arith.constant 312 : i32
    %mul3A_49 = arith.muli %arg1, %mul3A_48 : i32
    %add3A_50 = arith.addi %mul3A_47, %mul3A_49 : i32
    "tpu.region"() ({
      %run_scoped3A_53 = tpu.sem_alloc : memref<!tpu.dma_semaphore, #tpu.memory_space<semaphore_mem>>
      %dma_start3A_54 = arith.constant 0 : i32
      %dma_start3A_55 = tpu.memref_slice %arg5[%add3A_50, %dma_start3A_54] : memref<10000x64xf32, #tpu.memory_space<hbm>> -> memref<312x64xf32, #tpu.memory_space<hbm>>
      %dma_start3A_56 = arith.constant 0 : i32
      %dma_start3A_57 = tpu.memref_slice %arg12[%mul3A_45, %dma_start3A_56] : memref<5120x64xf32, #tpu.memory_space<vmem_shared>> -> memref<312x64xf32, #tpu.memory_space<vmem_shared>>
      tpu.enqueue_dma source(%dma_start3A_57 : memref<312x64xf32, #tpu.memory_space<vmem_shared>>) target(%dma_start3A_55 : memref<312x64xf32, #tpu.memory_space<hbm>>) target_semaphore(%run_scoped3A_53 : memref<!tpu.dma_semaphore, #tpu.memory_space<semaphore_mem>>)
      %dma_wait3A_58 = arith.constant 0 : i32
      %dma_wait3A_59 = tpu.memref_slice %arg5[%add3A_50, %dma_wait3A_58] : memref<10000x64xf32, #tpu.memory_space<hbm>> -> memref<312x64xf32, #tpu.memory_space<hbm>>
      %dma_wait3A_60 = arith.constant 0 : i32
      %dma_wait3A_61 = tpu.memref_slice %arg12[%mul3A_45, %dma_wait3A_60] : memref<5120x64xf32, #tpu.memory_space<vmem_shared>> -> memref<312x64xf32, #tpu.memory_space<vmem_shared>>
      tpu.wait_dma2 semaphore(%run_scoped3A_53 : memref<!tpu.dma_semaphore, #tpu.memory_space<semaphore_mem>>) src(%dma_wait3A_61 : memref<312x64xf32, #tpu.memory_space<vmem_shared>>) dst(%dma_wait3A_59 : memref<312x64xf32, #tpu.memory_space<hbm>>)
      tpu.yield
    }) : () -> ()
    %eq3A = arith.constant 15 : i32
    %eq3A_51 = arith.cmpi eq, %arg1, %eq3A : i32
    %convert_element_type3A = arith.extui %eq3A_51 : i1 to i32
    %cond3A = arith.constant 0 : i32
    %cond3A_52 = arith.cmpi ne, %convert_element_type3A, %cond3A : i32
    scf.if %cond3A_52 {
      %mul3A_53 = arith.constant 5000 : i32
      %mul3A_54 = arith.muli %arg0, %mul3A_53 : i32
      %add3A_55 = arith.constant 4992 : i32
      %add3A_56 = arith.addi %mul3A_54, %add3A_55 : i32
      "tpu.region"() ({
        %run_scoped3A_57 = tpu.sem_alloc : memref<!tpu.dma_semaphore, #tpu.memory_space<semaphore_mem>>
        %dma_start3A_58 = arith.constant 0 : i32
        %dma_start3A_59 = tpu.memref_slice %arg5[%add3A_56, %dma_start3A_58] : memref<10000x64xf32, #tpu.memory_space<hbm>> -> memref<8x64xf32, #tpu.memory_space<hbm>>
        %dma_start3A_60 = arith.constant 4992 : i32
        %dma_start3A_61 = arith.constant 0 : i32
        %dma_start3A_62 = tpu.memref_slice %arg12[%dma_start3A_60, %dma_start3A_61] : memref<5120x64xf32, #tpu.memory_space<vmem_shared>> -> memref<8x64xf32, #tpu.memory_space<vmem_shared>>
        tpu.enqueue_dma source(%dma_start3A_62 : memref<8x64xf32, #tpu.memory_space<vmem_shared>>) target(%dma_start3A_59 : memref<8x64xf32, #tpu.memory_space<hbm>>) target_semaphore(%run_scoped3A_57 : memref<!tpu.dma_semaphore, #tpu.memory_space<semaphore_mem>>)
        %dma_wait3A_63 = arith.constant 0 : i32
        %dma_wait3A_64 = tpu.memref_slice %arg5[%add3A_56, %dma_wait3A_63] : memref<10000x64xf32, #tpu.memory_space<hbm>> -> memref<8x64xf32, #tpu.memory_space<hbm>>
        %dma_wait3A_65 = arith.constant 4992 : i32
        %dma_wait3A_66 = arith.constant 0 : i32
        %dma_wait3A_67 = tpu.memref_slice %arg12[%dma_wait3A_65, %dma_wait3A_66] : memref<5120x64xf32, #tpu.memory_space<vmem_shared>> -> memref<8x64xf32, #tpu.memory_space<vmem_shared>>
        tpu.wait_dma2 semaphore(%run_scoped3A_57 : memref<!tpu.dma_semaphore, #tpu.memory_space<semaphore_mem>>) src(%dma_wait3A_67 : memref<8x64xf32, #tpu.memory_space<vmem_shared>>) dst(%dma_wait3A_64 : memref<8x64xf32, #tpu.memory_space<hbm>>)
        tpu.yield
      }) : () -> ()
    } else {
    }
    return
  }
}

module attributes {stable_mosaic.version = 14 : i64} {
  func.func @body(%arg0: i32, %arg1: memref<1000x256xf32, #tpu.memory_space<vmem>>, %arg2: memref<256x256xf32, #tpu.memory_space<vmem>>, %arg3: memref<1x256xf32, #tpu.memory_space<vmem>>, %arg4: memref<1000x1xf32, #tpu.memory_space<vmem>>, %arg5: memref<1000x1xf32, #tpu.memory_space<vmem>>, %arg6: memref<1000x256xf32, #tpu.memory_space<vmem>>, %arg7: memref<1000x128xf32, #tpu.memory_space<vmem>>, %arg8: memref<1000x128xf32, #tpu.memory_space<vmem>>, %arg9: memref<1000x1xf32, #tpu.memory_space<vmem>>, %arg10: memref<1000x1xf32, #tpu.memory_space<vmem>>) attributes {dimension_semantics = [#tpu.dimension_semantics<arbitrary>], iteration_bounds = array<i64: 10>, scalar_prefetch = 0 : i64, scratch_operands = 0 : i64, tpu.core_type = #tpu.core_type<tc>, window_params = [{transform_indices = @transform_0, window_bounds = array<i64: 1000, 256>}, {pipeline_mode = #tpu.pipeline_mode<synchronous>, transform_indices = @transform_1, window_bounds = array<i64: 256, 256>}, {pipeline_mode = #tpu.pipeline_mode<synchronous>, transform_indices = @transform_2, window_bounds = array<i64: 1, 256>}, {transform_indices = @transform_3, window_bounds = array<i64: 1000, 1>}, {transform_indices = @transform_4, window_bounds = array<i64: 1000, 1>}, {transform_indices = @transform_5, window_bounds = array<i64: 1000, 256>}, {transform_indices = @transform_6, window_bounds = array<i64: 1000, 128>}, {transform_indices = @transform_7, window_bounds = array<i64: 1000, 128>}, {transform_indices = @transform_8, window_bounds = array<i64: 1000, 1>}, {transform_indices = @transform_9, window_bounds = array<i64: 1000, 1>}]} {
    %get3A = arith.constant 0 : index
    %get3A_0 = arith.constant 0 : index
    %get3A_1 = vector.load %arg4[%get3A, %get3A_0] : memref<1000x1xf32, #tpu.memory_space<vmem>>, vector<1000x1xf32>
    %get3A_2 = arith.constant 0 : index
    %get3A_3 = arith.constant 0 : index
    %get3A_4 = vector.load %arg5[%get3A_2, %get3A_3] : memref<1000x1xf32, #tpu.memory_space<vmem>>, vector<1000x1xf32>
    %add3A = arith.addf %get3A_1, %get3A_4 : vector<1000x1xf32>
    %add3A_5 = arith.constant 1.000000e+00 : f32
    %add3A_6 = vector.broadcast %add3A_5 : f32 to vector<1000x1xf32>
    %add3A_7 = arith.addf %add3A, %add3A_6 : vector<1000x1xf32>
    %rsqrt3A = math.rsqrt %add3A_7 : vector<1000x1xf32>
    %get3A_8 = arith.constant 0 : index
    %get3A_9 = arith.constant 0 : index
    %get3A_10 = vector.load %arg1[%get3A_8, %get3A_9] : memref<1000x256xf32, #tpu.memory_space<vmem>>, vector<1000x256xf32>
    %get3A_11 = arith.constant 0 : index
    %get3A_12 = arith.constant 0 : index
    %get3A_13 = vector.load %arg2[%get3A_11, %get3A_12] : memref<256x256xf32, #tpu.memory_space<vmem>>, vector<256x256xf32>
    %dot_general3A = arith.constant dense<0.000000e+00> : vector<1000x256xf32>
    %dot_general3A_14 = tpu.matmul %get3A_10, %get3A_13, %dot_general3A {dimension_numbers = #tpu.dot_dimension_numbers<[1], [0], [0], [1], [0, 0, 1, 1], [], []>, transpose_lhs_hint = false} : vector<1000x256xf32>, vector<256x256xf32>, vector<1000x256xf32> -> vector<1000x256xf32>
    %get3A_15 = arith.constant 0 : index
    %get3A_16 = arith.constant 0 : index
    %get3A_17 = vector.load %arg3[%get3A_15, %get3A_16] : memref<1x256xf32, #tpu.memory_space<vmem>>, vector<1x256xf32>
    %add3A_18 = vector.broadcast %get3A_17 : vector<1x256xf32> to vector<1000x256xf32>
    %add3A_19 = arith.addf %dot_general3A_14, %add3A_18 : vector<1000x256xf32>
    %mul3A = vector.broadcast %rsqrt3A : vector<1000x1xf32> to vector<1000x256xf32>
    %mul3A_20 = arith.mulf %add3A_19, %mul3A : vector<1000x256xf32>
    %swap3A = arith.constant 0 : index
    %swap3A_21 = arith.constant 0 : index
    %swap3A_22 = vector.load %arg6[%swap3A, %swap3A_21] : memref<1000x256xf32, #tpu.memory_space<vmem>>, vector<1000x256xf32>
    tpu.vector_store %arg6[%swap3A, %swap3A_21], %add3A_19 {strides = array<i32>} : memref<1000x256xf32, #tpu.memory_space<vmem>>, vector<1000x256xf32>,
    %slice3A = vector.extract_strided_slice %mul3A_20 {offsets = [0, 0], sizes = [1000, 128], strides = [1, 1]} : vector<1000x256xf32> to vector<1000x128xf32>
    %swap3A_23 = arith.constant 0 : index
    %swap3A_24 = arith.constant 0 : index
    %swap3A_25 = vector.load %arg7[%swap3A_23, %swap3A_24] : memref<1000x128xf32, #tpu.memory_space<vmem>>, vector<1000x128xf32>
    tpu.vector_store %arg7[%swap3A_23, %swap3A_24], %slice3A {strides = array<i32>} : memref<1000x128xf32, #tpu.memory_space<vmem>>, vector<1000x128xf32>,
    %slice3A_26 = vector.extract_strided_slice %mul3A_20 {offsets = [0, 128], sizes = [1000, 128], strides = [1, 1]} : vector<1000x256xf32> to vector<1000x128xf32>
    %swap3A_27 = arith.constant 0 : index
    %swap3A_28 = arith.constant 0 : index
    %swap3A_29 = vector.load %arg8[%swap3A_27, %swap3A_28] : memref<1000x128xf32, #tpu.memory_space<vmem>>, vector<1000x128xf32>
    tpu.vector_store %arg8[%swap3A_27, %swap3A_28], %slice3A_26 {strides = array<i32>} : memref<1000x128xf32, #tpu.memory_space<vmem>>, vector<1000x128xf32>,
    %swap3A_30 = arith.constant 0 : index
    %swap3A_31 = arith.constant 0 : index
    %swap3A_32 = vector.load %arg9[%swap3A_30, %swap3A_31] : memref<1000x1xf32, #tpu.memory_space<vmem>>, vector<1000x1xf32>
    tpu.vector_store %arg9[%swap3A_30, %swap3A_31], %rsqrt3A {strides = array<i32>} : memref<1000x1xf32, #tpu.memory_space<vmem>>, vector<1000x1xf32>,
    %div3A = arith.constant 1.000000e+00 : f32
    %div3A_33 = vector.broadcast %div3A : f32 to vector<1000x1xf32>
    %div3A_34 = arith.divf %div3A_33, %add3A_7 : vector<1000x1xf32>
    %swap3A_35 = arith.constant 0 : index
    %swap3A_36 = arith.constant 0 : index
    %swap3A_37 = vector.load %arg10[%swap3A_35, %swap3A_36] : memref<1000x1xf32, #tpu.memory_space<vmem>>, vector<1000x1xf32>
    tpu.vector_store %arg10[%swap3A_35, %swap3A_36], %div3A_34 {strides = array<i32>} : memref<1000x1xf32, #tpu.memory_space<vmem>>, vector<1000x1xf32>,
    return
  }
  func.func @transform_0(%arg0: i32) -> (i32, i32) {
    %c0_i32 = arith.constant 0 : i32
    %c0_i32_0 = arith.constant 0 : i32
    return %arg0, %c0_i32 : i32, i32
  }
  func.func @transform_1(%arg0: i32) -> (i32, i32) {
    %c0_i32 = arith.constant 0 : i32
    %c0_i32_0 = arith.constant 0 : i32
    %c0_i32_1 = arith.constant 0 : i32
    return %c0_i32, %c0_i32_0 : i32, i32
  }
  func.func @transform_2(%arg0: i32) -> (i32, i32) {
    %c0_i32 = arith.constant 0 : i32
    %c0_i32_0 = arith.constant 0 : i32
    %c0_i32_1 = arith.constant 0 : i32
    return %c0_i32, %c0_i32_0 : i32, i32
  }
  func.func @transform_3(%arg0: i32) -> (i32, i32) {
    %c0_i32 = arith.constant 0 : i32
    %c0_i32_0 = arith.constant 0 : i32
    return %arg0, %c0_i32 : i32, i32
  }
  func.func @transform_4(%arg0: i32) -> (i32, i32) {
    %c0_i32 = arith.constant 0 : i32
    %c0_i32_0 = arith.constant 0 : i32
    return %arg0, %c0_i32 : i32, i32
  }
  func.func @transform_5(%arg0: i32) -> (i32, i32) {
    %c0_i32 = arith.constant 0 : i32
    %c0_i32_0 = arith.constant 0 : i32
    return %arg0, %c0_i32 : i32, i32
  }
  func.func @transform_6(%arg0: i32) -> (i32, i32) {
    %c0_i32 = arith.constant 0 : i32
    %c0_i32_0 = arith.constant 0 : i32
    return %arg0, %c0_i32 : i32, i32
  }
  func.func @transform_7(%arg0: i32) -> (i32, i32) {
    %c0_i32 = arith.constant 0 : i32
    %c0_i32_0 = arith.constant 0 : i32
    return %arg0, %c0_i32 : i32, i32
  }
  func.func @transform_8(%arg0: i32) -> (i32, i32) {
    %c0_i32 = arith.constant 0 : i32
    %c0_i32_0 = arith.constant 0 : i32
    return %arg0, %c0_i32 : i32, i32
  }
  func.func @transform_9(%arg0: i32) -> (i32, i32) {
    %c0_i32 = arith.constant 0 : i32
    %c0_i32_0 = arith.constant 0 : i32
    return %arg0, %c0_i32 : i32, i32
  }
}

module attributes {stable_mosaic.version = 14 : i64} {
  func.func @body(%arg0: i32, %arg1: memref<1000x128xf32, #tpu.memory_space<vmem>>, %arg2: memref<1000x128xf32, #tpu.memory_space<vmem>>, %arg3: memref<1000x256xf32, #tpu.memory_space<vmem>>, %arg4: memref<1000x1xf32, #tpu.memory_space<vmem>>, %arg5: memref<1000x1xf32, #tpu.memory_space<vmem>>, %arg6: memref<256x64xf32, #tpu.memory_space<vmem>>, %arg7: memref<1x64xf32, #tpu.memory_space<vmem>>, %arg8: memref<1000x256xf32, #tpu.memory_space<vmem>>, %arg9: memref<1000x64xf32, #tpu.memory_space<vmem>>, %arg10: memref<1000x64xf32, #tpu.memory_space<vmem>>) attributes {dimension_semantics = [#tpu.dimension_semantics<arbitrary>], iteration_bounds = array<i64: 10>, scalar_prefetch = 0 : i64, scratch_operands = 0 : i64, tpu.core_type = #tpu.core_type<tc>, window_params = [{transform_indices = @transform_0, window_bounds = array<i64: 1000, 128>}, {transform_indices = @transform_1, window_bounds = array<i64: 1000, 128>}, {transform_indices = @transform_2, window_bounds = array<i64: 1000, 256>}, {transform_indices = @transform_3, window_bounds = array<i64: 1000, 1>}, {transform_indices = @transform_4, window_bounds = array<i64: 1000, 1>}, {pipeline_mode = #tpu.pipeline_mode<synchronous>, transform_indices = @transform_5, window_bounds = array<i64: 256, 64>}, {pipeline_mode = #tpu.pipeline_mode<synchronous>, transform_indices = @transform_6, window_bounds = array<i64: 1, 64>}, {transform_indices = @transform_7, window_bounds = array<i64: 1000, 256>}, {transform_indices = @transform_8, window_bounds = array<i64: 1000, 64>}, {transform_indices = @transform_9, window_bounds = array<i64: 1000, 64>}]} {
    %get3A = arith.constant 0 : index
    %get3A_0 = arith.constant 0 : index
    %get3A_1 = vector.load %arg4[%get3A, %get3A_0] : memref<1000x1xf32, #tpu.memory_space<vmem>>, vector<1000x1xf32>
    %get3A_2 = arith.constant 0 : index
    %get3A_3 = arith.constant 0 : index
    %get3A_4 = vector.load %arg1[%get3A_2, %get3A_3] : memref<1000x128xf32, #tpu.memory_space<vmem>>, vector<1000x128xf32>
    %get3A_5 = arith.constant 0 : index
    %get3A_6 = arith.constant 0 : index
    %get3A_7 = vector.load %arg2[%get3A_5, %get3A_6] : memref<1000x128xf32, #tpu.memory_space<vmem>>, vector<1000x128xf32>
    %concatenate3A = tpu.concatenate %get3A_4, %get3A_7 in 1 : vector<1000x128xf32>, vector<1000x128xf32> -> vector<1000x256xf32>
    %mul3A = vector.broadcast %get3A_1 : vector<1000x1xf32> to vector<1000x256xf32>
    %mul3A_8 = arith.mulf %mul3A, %concatenate3A : vector<1000x256xf32>
    %get3A_9 = arith.constant 0 : index
    %get3A_10 = arith.constant 0 : index
    %get3A_11 = vector.load %arg5[%get3A_9, %get3A_10] : memref<1000x1xf32, #tpu.memory_space<vmem>>, vector<1000x1xf32>
    %get3A_12 = arith.constant 0 : index
    %get3A_13 = arith.constant 0 : index
    %get3A_14 = vector.load %arg3[%get3A_12, %get3A_13] : memref<1000x256xf32, #tpu.memory_space<vmem>>, vector<1000x256xf32>
    %mul3A_15 = vector.broadcast %get3A_11 : vector<1000x1xf32> to vector<1000x256xf32>
    %mul3A_16 = arith.mulf %mul3A_15, %get3A_14 : vector<1000x256xf32>
    %add3A = arith.addf %mul3A_8, %mul3A_16 : vector<1000x256xf32>
    %max3A = arith.constant 0.000000e+00 : f32
    %max3A_17 = vector.broadcast %max3A : f32 to vector<1000x256xf32>
    %max3A_18 = arith.maximumf %add3A, %max3A_17 : vector<1000x256xf32>
    %get3A_19 = arith.constant 0 : index
    %get3A_20 = arith.constant 0 : index
    %get3A_21 = vector.load %arg6[%get3A_19, %get3A_20] : memref<256x64xf32, #tpu.memory_space<vmem>>, vector<256x64xf32>
    %dot_general3A = arith.constant dense<0.000000e+00> : vector<1000x64xf32>
    %dot_general3A_22 = tpu.matmul %max3A_18, %get3A_21, %dot_general3A {dimension_numbers = #tpu.dot_dimension_numbers<[1], [0], [0], [1], [0, 0, 1, 1], [], []>, transpose_lhs_hint = false} : vector<1000x256xf32>, vector<256x64xf32>, vector<1000x64xf32> -> vector<1000x64xf32>
    %get3A_23 = arith.constant 0 : index
    %get3A_24 = arith.constant 0 : index
    %get3A_25 = vector.load %arg7[%get3A_23, %get3A_24] : memref<1x64xf32, #tpu.memory_space<vmem>>, vector<1x64xf32>
    %add3A_26 = vector.broadcast %get3A_25 : vector<1x64xf32> to vector<1000x64xf32>
    %add3A_27 = arith.addf %dot_general3A_22, %add3A_26 : vector<1000x64xf32>
    %swap3A = arith.constant 0 : index
    %swap3A_28 = arith.constant 0 : index
    %swap3A_29 = vector.load %arg8[%swap3A, %swap3A_28] : memref<1000x256xf32, #tpu.memory_space<vmem>>, vector<1000x256xf32>
    tpu.vector_store %arg8[%swap3A, %swap3A_28], %max3A_18 {strides = array<i32>} : memref<1000x256xf32, #tpu.memory_space<vmem>>, vector<1000x256xf32>,
    %swap3A_30 = arith.constant 0 : index
    %swap3A_31 = arith.constant 0 : index
    %swap3A_32 = vector.load %arg9[%swap3A_30, %swap3A_31] : memref<1000x64xf32, #tpu.memory_space<vmem>>, vector<1000x64xf32>
    tpu.vector_store %arg9[%swap3A_30, %swap3A_31], %add3A_27 {strides = array<i32>} : memref<1000x64xf32, #tpu.memory_space<vmem>>, vector<1000x64xf32>,
    %mul3A_33 = vector.broadcast %get3A_1 : vector<1000x1xf32> to vector<1000x64xf32>
    %mul3A_34 = arith.mulf %add3A_27, %mul3A_33 : vector<1000x64xf32>
    %swap3A_35 = arith.constant 0 : index
    %swap3A_36 = arith.constant 0 : index
    %swap3A_37 = vector.load %arg10[%swap3A_35, %swap3A_36] : memref<1000x64xf32, #tpu.memory_space<vmem>>, vector<1000x64xf32>
    tpu.vector_store %arg10[%swap3A_35, %swap3A_36], %mul3A_34 {strides = array<i32>} : memref<1000x64xf32, #tpu.memory_space<vmem>>, vector<1000x64xf32>,
    return
  }
  func.func @transform_0(%arg0: i32) -> (i32, i32) {
    %c0_i32 = arith.constant 0 : i32
    %c0_i32_0 = arith.constant 0 : i32
    return %arg0, %c0_i32 : i32, i32
  }
  func.func @transform_1(%arg0: i32) -> (i32, i32) {
    %c0_i32 = arith.constant 0 : i32
    %c0_i32_0 = arith.constant 0 : i32
    return %arg0, %c0_i32 : i32, i32
  }
  func.func @transform_2(%arg0: i32) -> (i32, i32) {
    %c0_i32 = arith.constant 0 : i32
    %c0_i32_0 = arith.constant 0 : i32
    return %arg0, %c0_i32 : i32, i32
  }
  func.func @transform_3(%arg0: i32) -> (i32, i32) {
    %c0_i32 = arith.constant 0 : i32
    %c0_i32_0 = arith.constant 0 : i32
    return %arg0, %c0_i32 : i32, i32
  }
  func.func @transform_4(%arg0: i32) -> (i32, i32) {
    %c0_i32 = arith.constant 0 : i32
    %c0_i32_0 = arith.constant 0 : i32
    return %arg0, %c0_i32 : i32, i32
  }
  func.func @transform_5(%arg0: i32) -> (i32, i32) {
    %c0_i32 = arith.constant 0 : i32
    %c0_i32_0 = arith.constant 0 : i32
    %c0_i32_1 = arith.constant 0 : i32
    return %c0_i32, %c0_i32_0 : i32, i32
  }
  func.func @transform_6(%arg0: i32) -> (i32, i32) {
    %c0_i32 = arith.constant 0 : i32
    %c0_i32_0 = arith.constant 0 : i32
    %c0_i32_1 = arith.constant 0 : i32
    return %c0_i32, %c0_i32_0 : i32, i32
  }
  func.func @transform_7(%arg0: i32) -> (i32, i32) {
    %c0_i32 = arith.constant 0 : i32
    %c0_i32_0 = arith.constant 0 : i32
    return %arg0, %c0_i32 : i32, i32
  }
  func.func @transform_8(%arg0: i32) -> (i32, i32) {
    %c0_i32 = arith.constant 0 : i32
    %c0_i32_0 = arith.constant 0 : i32
    return %arg0, %c0_i32 : i32, i32
  }
  func.func @transform_9(%arg0: i32) -> (i32, i32) {
    %c0_i32 = arith.constant 0 : i32
    %c0_i32_0 = arith.constant 0 : i32
    return %arg0, %c0_i32 : i32, i32
  }
}

module attributes {stable_mosaic.version = 14 : i64} {
  func.func @body(%arg0: i32, %arg1: memref<1000x64xf32, #tpu.memory_space<vmem>>, %arg2: memref<1000x64xf32, #tpu.memory_space<vmem>>, %arg3: memref<1000x1xf32, #tpu.memory_space<vmem>>, %arg4: memref<1000x1xf32, #tpu.memory_space<vmem>>, %arg5: memref<1000x64xf32, #tpu.memory_space<vmem>>) attributes {dimension_semantics = [#tpu.dimension_semantics<arbitrary>], iteration_bounds = array<i64: 10>, scalar_prefetch = 0 : i64, scratch_operands = 0 : i64, tpu.core_type = #tpu.core_type<tc>, window_params = [{transform_indices = @transform_0, window_bounds = array<i64: 1000, 64>}, {transform_indices = @transform_1, window_bounds = array<i64: 1000, 64>}, {transform_indices = @transform_2, window_bounds = array<i64: 1000, 1>}, {transform_indices = @transform_3, window_bounds = array<i64: 1000, 1>}, {transform_indices = @transform_4, window_bounds = array<i64: 1000, 64>}]} {
    %get3A = arith.constant 0 : index
    %get3A_0 = arith.constant 0 : index
    %get3A_1 = vector.load %arg3[%get3A, %get3A_0] : memref<1000x1xf32, #tpu.memory_space<vmem>>, vector<1000x1xf32>
    %get3A_2 = arith.constant 0 : index
    %get3A_3 = arith.constant 0 : index
    %get3A_4 = vector.load %arg1[%get3A_2, %get3A_3] : memref<1000x64xf32, #tpu.memory_space<vmem>>, vector<1000x64xf32>
    %mul3A = vector.broadcast %get3A_1 : vector<1000x1xf32> to vector<1000x64xf32>
    %mul3A_5 = arith.mulf %mul3A, %get3A_4 : vector<1000x64xf32>
    %get3A_6 = arith.constant 0 : index
    %get3A_7 = arith.constant 0 : index
    %get3A_8 = vector.load %arg4[%get3A_6, %get3A_7] : memref<1000x1xf32, #tpu.memory_space<vmem>>, vector<1000x1xf32>
    %get3A_9 = arith.constant 0 : index
    %get3A_10 = arith.constant 0 : index
    %get3A_11 = vector.load %arg2[%get3A_9, %get3A_10] : memref<1000x64xf32, #tpu.memory_space<vmem>>, vector<1000x64xf32>
    %mul3A_12 = vector.broadcast %get3A_8 : vector<1000x1xf32> to vector<1000x64xf32>
    %mul3A_13 = arith.mulf %mul3A_12, %get3A_11 : vector<1000x64xf32>
    %add3A = arith.addf %mul3A_5, %mul3A_13 : vector<1000x64xf32>
    %swap3A = arith.constant 0 : index
    %swap3A_14 = arith.constant 0 : index
    %swap3A_15 = vector.load %arg5[%swap3A, %swap3A_14] : memref<1000x64xf32, #tpu.memory_space<vmem>>, vector<1000x64xf32>
    tpu.vector_store %arg5[%swap3A, %swap3A_14], %add3A {strides = array<i32>} : memref<1000x64xf32, #tpu.memory_space<vmem>>, vector<1000x64xf32>,
    return
  }
  func.func @transform_0(%arg0: i32) -> (i32, i32) {
    %c0_i32 = arith.constant 0 : i32
    %c0_i32_0 = arith.constant 0 : i32
    return %arg0, %c0_i32 : i32, i32
  }
  func.func @transform_1(%arg0: i32) -> (i32, i32) {
    %c0_i32 = arith.constant 0 : i32
    %c0_i32_0 = arith.constant 0 : i32
    return %arg0, %c0_i32 : i32, i32
  }
  func.func @transform_2(%arg0: i32) -> (i32, i32) {
    %c0_i32 = arith.constant 0 : i32
    %c0_i32_0 = arith.constant 0 : i32
    return %arg0, %c0_i32 : i32, i32
  }
  func.func @transform_3(%arg0: i32) -> (i32, i32) {
    %c0_i32 = arith.constant 0 : i32
    %c0_i32_0 = arith.constant 0 : i32
    return %arg0, %c0_i32 : i32, i32
  }
  func.func @transform_4(%arg0: i32) -> (i32, i32) {
    %c0_i32 = arith.constant 0 : i32
    %c0_i32_0 = arith.constant 0 : i32
    return %arg0, %c0_i32 : i32, i32
  }
}

</mosaic_0001>

<sc_bundles>
// kernel: kernel.11.cloned.1.call-start
scs
__scs_entry_jumppad:
0x0: {  	(pc) =	sbr.rel $0x88, $3  }
0x1: {  	(tag) =	ssettag $0x0;
	lr =	simm.s32 $0x1  }
0x2: {  	[smem:$0x3F9B] =	sst lr;
	_ =	strace $0xD0000000  }
0x3: {  	_ = 	snop  }
0x4: {  	_ = 	snop  }
0x5: {  	_ = 	snop  }
0x6: {  	_ = 	snop  }
0x7: {  	_ = 	snop  }
__scs_overlays_trampoline_lowered:
0x8: {  	[smem:$0x3FAA] =	sst s0  }
0x9: {  	[smem:$0x3FAB] =	sst s1  }
0xa: {  	[smem:$0x3FAC] =	sst s2  }
0xb: {  	[smem:$0x3FAD] =	sst s3  }
0xc: {  	[smem:$0x3FAE] =	sst s4  }
0xd: {  	[smem:$0x3FAF] =	sst s5  }
0xe: {  	[smem:$0x3FB0] =	sst s6  }
0xf: {  	[smem:$0x3FB1] =	sst s7  }
0x10: {  	[smem:$0x3FB2] =	sst s8  }
0x11: {  	[smem:$0x3FB3] =	sst s9;
	s0 =	simm.s32 @!p0 $0x0  }
0x12: {  	s1 =	sld [smem:$0x3F99];
	s0 =	simm.s32 @p0 $0x1  }
0x13: {  	[smem:$0x3FB4] =	sst s0;
	s0 =	simm.s32 @!p1 $0x0  }
0x14: {  	s2 =	sld [smem:$0x3F98];
	s0 =	simm.s32 @p1 $0x1  }
0x15: {  	[smem:$0x3FB5] =	sst s0;
	s0 =	simm.s32 @!p2 $0x0  }
0x16: {  	s3 =	sld [smem:$0x3FDB];
	s0 =	simm.s32 @p2 $0x1  }
0x17: {  	s4 =	simm.s32 $0x1BF5;
	[smem:$0x3FB7] =	sst s0  }
0x18: {  	s0 =	sld [smem:$0x3F9A];
	_ =	swait.ge [sflag:s4], $0x0  }
0x19: {  	s7 =	sld [smem:$0x3F9B]  }
0x1a: {  	s8 =	sadd.s32 $0xFFFFE003, lr  }
0x1b: {  	s9 =	sadd.s32 $0xFFFFFEF7, lr;
	s5 =	simm.s32 $0xFFFFFFFF;
	p2 =	slt.u32 s8, $0xFFFFF086  }
0x1c: {  	p1 =	slt.u32 s9, $0xF7A;
	s5 =	simm.s32 @!p2 $0x0  }
0x1d: {  	s5 =	simm.s32 @p1 $0x1;
	p0 =	seq.s32 s7, s2  }
0x1e: {  	s7 =	smul.u32 @!p0 $0xF7A, s2;
	p2 =	seq.s32 @!p0 s5, $0x0  }
0x1f: {  	s9 =	smul.u32 $0xF7A, s1;
	s8 =	simm.s32 @!p0 $0x1BF5;
	p2 =	por !p2, p0  }
0x20: {  	[sflag:s8] =	ssyncset.s32 @!p0 $0xFFFFF086;
	s6 =	sadd.s32 @!p0 s3, s7;
	s7 =	simm.s32 @!p0 $0x108  }
0x21: {  	s3 =	sadd.s32 s3, s9;
	s6 =	sadd.s32 @!p0 $0x88, s6;
	s7 =	simm.s32 @p2 $0x1082  }
0x22: {  	[simem:s7], [sflag:s8] =	dma.local @!p0 [hbm:s6], $0xF7A  }
0x23: {  	s9 =	sor.u32 $0xD0000000, s2;
	s6 =	simm.s32 $0x108;
	_ =	swait.ge @!p0 [sflag:s8], $0x0  }
0x24: {  	s3 =	sadd.s32 $0x88, s3;
	s6 =	simm.s32 @!p1 $0x1082;
	[sflag:s4] =	ssyncset.s32 $0xFFFFF086  }
0x25: {  	[simem:s6], [sflag:s4] =	dma.local [hbm:s3], $0xF7A  }
0x26: {  	[smem:$0x3F9B] =	sst s1;
	(tag) =	ssettag s2;
	_ =	strace s9  }
0x27: {  	s1 =	sld [smem:$0x3FAB]  }
0x28: {  	s2 =	sld [smem:$0x3FAC]  }
0x29: {  	s4 =	sld [smem:$0x3FAE]  }
0x2a: {  	p0 =	seq.s32 s5, $0x0;
	s5 =	sld [smem:$0x3FAF]  }
0x2b: {  	s6 =	sld [smem:$0x3FB0]  }
0x2c: {  	s7 =	sld [smem:$0x3FB1]  }
0x2d: {  	s3 =	simm.s32 $0x108;
	s8 =	sld [smem:$0x3FB2]  }
0x2e: {  	s3 =	simm.s32 @!p0 $0x1082;
	s9 =	sld [smem:$0x3FB3]  }
0x2f: {  	lr =	sadd.s32 s0, s3;
	s0 =	sld [smem:$0x3FAA]  }
0x30: {  	s3 =	sld [smem:$0x3FAD]  }
0x31: {  	[smem:$0x3FB6] =	sst s10  }
0x32: {  	s10 =	sld [smem:$0x3FB4];
	_ =	sdelay $0x3  }
0x33: {  	p0 =	seq.s32 s10, $0x1;
	s10 =	sld [smem:$0x3FB6];
	_ =	sdelay $0x3  }
0x34: {  	[smem:$0x3FB6] =	sst s10  }
0x35: {  	s10 =	sld [smem:$0x3FB5];
	_ =	sdelay $0x3  }
0x36: {  	p1 =	seq.s32 s10, $0x1;
	s10 =	sld [smem:$0x3FB6];
	_ =	sdelay $0x3  }
0x37: {  	[smem:$0x3FB6] =	sst s10  }
0x38: {  	s10 =	sld [smem:$0x3FB7]  }
0x39: {  	_ = 	snop;
	(pc) =	sbr.ind lr, $3  }
0x3a: {  	_ = 	snop  }
0x3b: {  	_ = 	snop  }
0x3c: {  	p2 =	seq.s32 s10, $0x1;
	s10 =	sld [smem:$0x3FB6]  }
0x3d: {  	_ =	shalt  }
0x3e: {  	_ =	shalt  }
0x3f: {  	_ =	shalt  }
0x40: {  	_ =	shalt  }
0x41: {  	_ =	shalt  }
0x42: {  	_ =	shalt  }
0x43: {  	_ =	shalt  }
0x44: {  	_ =	shalt  }
0x45: {  	_ =	shalt  }
0x46: {  	_ =	shalt  }
0x47: {  	_ =	shalt  }
0x48: {  	_ =	shalt  }
0x49: {  	_ =	shalt  }
0x4a: {  	_ =	shalt  }
0x4b: {  	_ =	shalt  }
0x4c: {  	_ =	shalt  }
0x4d: {  	_ =	shalt  }
0x4e: {  	_ =	shalt  }
0x4f: {  	_ =	shalt  }
0x50: {  	_ =	shalt  }
0x51: {  	_ =	shalt  }
0x52: {  	_ =	shalt  }
0x53: {  	_ =	shalt  }
0x54: {  	_ =	shalt  }
0x55: {  	_ =	shalt  }
0x56: {  	_ =	shalt  }
0x57: {  	_ =	shalt  }
0x58: {  	_ =	shalt  }
0x59: {  	_ =	shalt  }
0x5a: {  	_ =	shalt  }
0x5b: {  	_ =	shalt  }
0x5c: {  	_ =	shalt  }
0x5d: {  	_ =	shalt  }
0x5e: {  	_ =	shalt  }
0x5f: {  	_ =	shalt  }
0x60: {  	_ =	shalt  }
0x61: {  	_ =	shalt  }
0x62: {  	_ =	shalt  }
0x63: {  	_ =	shalt  }
0x64: {  	_ =	shalt  }
0x65: {  	_ =	shalt  }
0x66: {  	_ =	shalt  }
0x67: {  	_ =	shalt  }
0x68: {  	_ =	shalt  }
0x69: {  	_ =	shalt  }
0x6a: {  	_ =	shalt  }
0x6b: {  	_ =	shalt  }
0x6c: {  	_ =	shalt  }
0x6d: {  	_ =	shalt  }
0x6e: {  	_ =	shalt  }
0x6f: {  	_ =	shalt  }
0x70: {  	_ =	shalt  }
0x71: {  	_ =	shalt  }
0x72: {  	_ =	shalt  }
0x73: {  	_ =	shalt  }
0x74: {  	_ =	shalt  }
0x75: {  	_ =	shalt  }
0x76: {  	_ =	shalt  }
0x77: {  	_ =	shalt  }
0x78: {  	_ =	shalt  }
0x79: {  	_ =	shalt  }
0x7a: {  	_ =	shalt  }
0x7b: {  	_ =	shalt  }
0x7c: {  	_ =	shalt  }
0x7d: {  	_ =	shalt  }
0x7e: {  	_ =	shalt  }
0x7f: {  	_ =	shalt  }
0x80: {  	_ =	shalt  }
0x81: {  	_ =	shalt  }
0x82: {  	_ =	shalt  }
0x83: {  	_ =	shalt  }
0x84: {  	_ =	shalt  }
0x85: {  	_ =	shalt  }
0x86: {  	_ =	shalt  }
0x87: {  	_ =	shalt  }
.Lfunc_end0:
.L_simem_size_0:
called_computation.1_lowered:
.L_overlay_start_0:
0x88: {  	s2 =	sld [smem:$0x3FD9]  }
0x89: {  	s3 =	sld [smem:$0x3FFE];
	_ =	sdelay $0x1  }
0x8a: {  	s1 =	srdreg.scid  }
0x8b: {  	s0 =	sand.u32 $0x1, s1  }
0x8c: {  	s14 =	sshll.u32 s0, $0xA;
	s2 =	sadd.s32 s3, s2  }
0x8d: {  	s2 =	sadd.s32 s2, s14  }
0x8e: {  	[smem:$0x3FC2] =	sst s2  }
0x8f: {  	_ = 	snop  }
0x90: {  	s2 =	sld [smem:$0x3FD0];
	_ =	sdelay $0x2  }
0x91: {  	s15 =	simm.s32 $0xA;
	s4 =	simm.s32 $0x10  }
0x92: {  	[smem:s4], [sflag:s15] =	dma.local [hbm:s2], $0x1  }
0x93: {  	_ =	swait.eq [sflag:s15], $0x1  }
0x94: {  	[sflag:s15] =	ssyncset.done $0x0  }
0x95: {  	[sflag:s15] =	ssyncadd.s32 $0xFFFFFFFF  }
0x96: {  	s16 =	sld [smem:$0x10];
	(tm) =	ssettm $0x1  }
0x97: {  	s17 =	sld [smem:$0x3FFB];
	_ =	sdelay $0x3  }
0x98: {  	_ =	strace s17  }
0x99: {  	s3 =	sld [smem:$0x3FFC];
	_ =	sdelay $0x3  }
0x9a: {  	_ =	strace s3  }
0x9b: {  	s3 =	sld [smem:$0x3FFD];
	_ =	sdelay $0x3  }
0x9c: {  	_ =	strace s3  }
0x9d: {  	_ =	strace $0x8FFFFFFF  }
0x9e: {  	s18 =	sld [smem:$0x3FDB];
	_ =	sdelay $0x1  }
0x9f: {  	s19 =	simm.s32 $_scs_section_size  }
0xa0: {  	s5 =	simm.s32 $_size__tile_overlayer_lowered;
	s6 =	simm.s32 $_tile_overlayer_lowered  }
0xa1: {  	s22 =	simm.s32 $0x1BFF;
	s21 =	sshll.u32 s6, $0x1;
	s3 =	sadd.s32 s19, s18  }
0xa2: {  	s7 =	simm.s32 $0x0;
	s20 =	sshll.u32 s5, $0x1;
	s5 =	sadd.s32 s21, s3  }
0xa3: {  	[timem:s7], [sflag:s22] =	dma.local [hbm:s5], s20  }
0xa4: {  	_ =	swait.ge [sflag:s22], s20  }
0xa5: {  	s4 =	ssub.s32 $0x0, s20;
	[sflag:s22] =	ssyncset.done $0x0  }
0xa6: {  	[sflag:s22] =	ssyncadd.s32 s4;
	_ =	sdelay $0x1  }
0xa7: {  	s23 =	simm.s32 $0x1B8B  }
0xa8: {  	_ =	swait.ge [sflag:s23], $0x1  }
0xa9: {  	[sflag:s23] =	ssyncset.done $0x0  }
0xaa: {  	s25 =	simm.s32 $0x1B8E;
	s24 =	sld [smem:$0x3FFE];
	[sflag:s23] =	ssyncadd.s32 $0xFFFFFFFF  }
0xab: {  	s26 =	simm.s32 $execute0_lowered;
	[smem:$0x3FD2] =	sst s25  }
0xac: {  	s5 =	sshll.u32 s26, $0x1;
	_ =	strace $0x80000049;
	[dreg:$0x1] =	wrdreg $0xFFFFFFFF  }
0xad: {  	s28 =	simm.s32 $_size_execute0_lowered;
	s3 =	sadd.s32 s3, s5;
	[dreg:$0x0] =	wrdreg $0x0  }
0xae: {  	s5 =	sshll.u32 s28, $0x1;
	[dreg:$0x2] =	wrdreg s3  }
0xaf: {  	[dreg:$0x3] =	wrdreg s5  }
0xb0: {  	[dreg:$0x4] =	wrdreg $0xC0  }
0xb1: {  	_ =	task [dreg:s7], $0x5FFFF  }
0xb2: {  	[dreg:$0x1] =	wrdreg $0xFFFFFFFF  }
0xb3: {  	[dreg:$0x0] =	wrdreg $0x60  }
0xb4: {  	[dreg:$0x2] =	wrdreg s16  }
0xb5: {  	[dreg:$0x3] =	wrdreg s24  }
0xb6: {  	[dreg:$0x4] =	wrdreg $0xED300  }
0xb7: {  	[dreg:$0x5] =	wrdreg $0x9  }
0xb8: {  	_ =	task.clear_ibuf [dreg:s7], $0x6FFFF;
	_ =	strace $0x90000049  }
0xb9: {  	s29 =	simm.s32 $0x9;
	_ =	strace $0x8000004B  }
0xba: {  	_ =	swait.ge [sflag:s29], $0x1  }
0xbb: {  	[sflag:s29] =	ssyncadd.s32 $0xFFFFFFFF  }
0xbc: {  	_ =	strace $0x9000004B  }
0xbd: {  	_ =	sfence  }
0xbe: {  	s30 =	sld [smem:$0x0];
	_ =	sdelay $0x2  }
0xbf: {  	s31 =	sshll.u32 s1, $0xD;
	s1 =	sshrl.u32 s1, $0x2  }
0xc0: {  	s3 =	sand.u32 $0x4000, s31;
	s1 =	sadd.s32 s1, s30  }
0xc1: {  	s0 =	sor.u32 s3, s0;
	s1 =	sshll.u32 s1, $0x11  }
0xc2: {  	s0 =	sor.u32 s1, s0  }
0xc3: {  	s0 =	sadd.s32 $0x8F2B, s0  }
0xc4: {  	[sflag:s0] =	ssyncadd.remote.s32 $0x1  }
0xc5: {  	_ =	sfence.sel $0xFFFF  }
0xc6: {  	[dreg:$0x0] =	wrdreg $0xFFFFFFFF;
	(pc) =	sbr.abs _section_cstart, $3  }
0xc7: {  	[dreg:$0x1] =	wrdreg $0xFFFFFFFF  }
0xc8: {  	_ =	task.clear_ibuf [dreg:s7], $0x2FFFF;
	_ =	strace $0x9FFFFFFF  }
0xc9: {  	(tm) =	ssettm $0x7FFFFFFF  }
tec
execute0_lowered:
.L_overlay_start_1:
0x0: {  	(tag) =	ssettag $0x1  }
0x1: {  	s1 =	rddreg [dreg:$0x0]  }
0x2: {  	s0 =	rddreg [dreg:$0x1]  }
0x3: {  	s3 =	rddreg [dreg:$0x2]  }
0x4: {  	s2 =	simm.s32 $0x0;
	s26 =	stileid.u32;
	s5 =	srdreg.scid  }
0x5: {  	s19 =	simm.s32 $0x3;
	s21 =	simm.s32 $0xC530;
	s22 =	simm.s32 $0x50  }
0x6: {  	s23 =	simm.s32 $0x7530;
	s24 =	simm.s32 $0x1;
	s25 =	simm.s32 $0x9D30  }
0x7: {  	s28 =	simm.s32 $0x74E0;
	s29 =	simm.s32 $0x0;
	s6 =	smul.u32 $0x4E2, s26  }
0x8: {  	[smem:$0x7FF] =	sst s2;
	s9 =	sand.u32 $0x1, s5;
	s10 =	smul.u32 $0x28000, s26  }
0x9: {  	s5 =	sadd.s32 $0xCC00, s0;
	s14 =	sadd.s32 $0xD0400, s0;
	s12 =	smul.u32 $0x138, s26  }
0xa: {  	s15 =	smul.u32 $0x27000, s26;
	p0 =	sne.s32 s26, $0xF;
	s26 =	simm.s32 $0x2  }
0xb: {  	_ =	strace $0x8000004A;
	s30 =	ssub.s32 $0x2, s9;
	s20 =	smul.u32 $0x1388, s9  }
0xc: {  	s13 =	smul.u32 $0x9C400, s9;
	s7 =	sadd.s32 s6, s0;
	s8 =	sshrl.u32 s30, $0x1  }
0xd: {  	s0 =	sadd.s32 $0xF7600, s0;
	s31 =	sshrl.u32 s10, $0x2;
	s15 =	sshrl.u32 s15, $0x2  }
0xe: {  	s18 =	ssub.s32 s30, s8;
	s6 =	sadd.s32 $0x2C00, s7;
	s7 =	sadd.s32 $0x7C00, s7  }
0xf: {  	s8 =	sadd.s32 s31, s3;
	s12 =	sadd.s32 s12, s20;
	s13 =	sshrl.u32 s13, $0x3  }
0x10: {  	s9 =	sadd.s32 $0x2800, s8;
	s10 =	sadd.s32 $0x5000, s8;
	s11 =	sadd.s32 $0x7800, s8  }
0x11: {  	s16 =	sshll.u32 s12, $0x4;
	s17 =	sadd.s32 $0x13800, s13;
	s13 =	sadd.s32 s15, s3  }
0x12: {  	s15 =	sadd.s32 $0x9C000, s3;
	s18 =	smax.u32 s18, $0x1;
	s12 =	sadd.s32 s14, s16  }
0x13: {  	v1 =	vimm.f32 $0.0e+00;
	v0 =	vmov s20;
	s14 =	sadd.s32 s14, s17;
	s16 =	sadd.s32 s0, s16;
	s17 =	sadd.s32 s0, s17  }
.LBB2_1:
0x14: {  	s0 =	simm.s32 $0x0  }
0x15: {  	[tilespmem:s0], [sflag:$0x3] =	stream.linear.gather [hbm4b:s6+s0], $0x2710, $0x38;
	[tilespmem:$0x18D30] =	vst v63  }
0x16: {  	_ =	swait.ge [sflag:s19], $0x2710  }
0x17: {  	[sflag:s19] =	ssyncset.done $0x0  }
0x18: {  	s2 =	simm.s32 $0x2710;
	[sflag:s19] =	ssyncadd.s32 $0xFFFFD8F0  }
0x19: {  	[tilespmem:s2], [sflag:$0x3] =	stream.linear.gather [hbm4b:s7+s0], $0x2710, $0x38;
	[tilespmem:$0x18D30] =	vst v63  }
0x1a: {  	_ =	swait.ge [sflag:s19], $0x2710  }
0x1b: {  	[sflag:s19] =	ssyncset.done $0x0  }
0x1c: {  	s30 =	simm.s32 $0x0;
	[sflag:s19] =	ssyncadd.s32 $0xFFFFD8F0  }
0x1d: {  	v2 =	vld [tilespmem:s30+$0x2750]  }
0x1e: {  	v3 =	vld [tilespmem:s30+$0x2710]  }
0x1f: {  	v6 =	vld [tilespmem:s30+$0x2720]  }
0x20: {  	v7 =	vld [tilespmem:s30+$0x2730]  }
0x21: {  	v8 =	vld [tilespmem:s30+$0x2740]  }
0x22: {  	s0 =	simm.s32 $0x50;
	v4 =	vsub.s32 v2, v0  }
0x23: {  	v2 =	vld [tilespmem:s0+$0x2750];
	v3 =	vsub.s32 v3, v0;
	v4 =	vmin.u32 v4, $0x1388  }
0x24: {  	v5 =	vld [tilespmem:s0+$0x2710];
	v6 =	vsub.s32 v6, v0;
	v3 =	vmin.u32 v3, $0x1388;
	[tilespmem:s30+$0x4E60] =	vst v4  }
0x25: {  	v7 =	vsub.s32 v7, v0;
	v6 =	vmin.u32 v6, $0x1388;
	v4 =	vld [tilespmem:s0+$0x2720];
	[tilespmem:s30+$0x4E20] =	vst v3  }
0x26: {  	v8 =	vsub.s32 v8, v0;
	v7 =	vmin.u32 v7, $0x1388;
	v3 =	vld [tilespmem:s0+$0x2730];
	[tilespmem:s30+$0x4E30] =	vst v6  }
0x27: {  	s20 =	simm.s32 $0x280;
	v6 =	vld [tilespmem:s0+$0x2740];
	[tilespmem:s30+$0x4E40] =	vst v7;
	v7 =	vmin.u32 v8, $0x1388  }
.LBB2_2:
0x28: {  	s31 =	sshra.s32 s20, $0x2;
	p1 =	sne.s32 s20, $0x9B00;
	s20 =	sadd.s32 $0x140, s20;
	v8 =	vsub.s32 v2, v0;
	[tilespmem:s30+$0x4E50] =	vst v7  }
.Ltmp0:
0x29: {  	s30 =	smov.u32 s0;
	v2 =	vld [tilespmem:s31+$0x2750];
	v7 =	vsub.s32 v5, v0;
	v8 =	vmin.u32 v8, $0x1388;
	s0 =	smov.u32 s31;
	(pc) =	sbr.rel @p1 .LBB2_2-.Ltmp0, $4  }
0x2a: {  	v5 =	vld [tilespmem:s0+$0x2710];
	v7 =	vmin.u32 v7, $0x1388;
	v9 =	vsub.s32 v4, v0;
	[tilespmem:s30+$0x4E60] =	vst v8  }
0x2b: {  	v4 =	vld [tilespmem:s0+$0x2720];
	[tilespmem:s30+$0x4E20] =	vst v7;
	v7 =	vmin.u32 v9, $0x1388;
	v8 =	vsub.s32 v3, v0  }
0x2c: {  	v3 =	vld [tilespmem:s0+$0x2730];
	[tilespmem:s30+$0x4E30] =	vst v7;
	v7 =	vmin.u32 v8, $0x1388;
	v8 =	vsub.s32 v6, v0  }
0x2d: {  	v6 =	vld [tilespmem:s0+$0x2740];
	[tilespmem:s30+$0x4E40] =	vst v7;
	v7 =	vmin.u32 v8, $0x1388  }
0x2e: {  	v2 =	vsub.s32 v2, v0  }
0x2f: {  	[tilespmem:s30+$0x4E50] =	vst v7;
	v5 =	vsub.s32 v5, v0;
	v2 =	vmin.u32 v2, $0x1388  }
0x30: {  	v5 =	vmin.u32 v5, $0x1388;
	v4 =	vsub.s32 v4, v0;
	[tilespmem:s0+$0x4E60] =	vst v2  }
0x31: {  	[tilespmem:s0+$0x4E20] =	vst v5;
	v2 =	vmin.u32 v4, $0x1388;
	v3 =	vsub.s32 v3, v0  }
0x32: {  	[tilespmem:s0+$0x4E30] =	vst v2;
	v2 =	vmin.u32 v3, $0x1388;
	v3 =	vsub.s32 v6, v0  }
0x33: {  	[tilespmem:s0+$0x4E40] =	vst v2;
	v2 =	vmin.u32 v3, $0x1388  }
0x34: {  	s20 =	simm.s32 $0x200;
	[tilespmem:s0+$0x4E50] =	vst v2;
	s0 =	simm.s32 $0x0  }
.LBB2_4:
0x35: {  	p1 =	sne.s32 s20, $0x9E00;
	[tilespmem:s0+$0xC5A0] =	vst v1  }
0x36: {  	[tilespmem:s0+$0xC530] =	vst v1  }
0x37: {  	[tilespmem:s0+$0xC540] =	vst v1  }
.Ltmp1:
0x38: {  	[tilespmem:s0+$0xC550] =	vst v1;
	(pc) =	sbr.rel @p1 .LBB2_4-.Ltmp1, $4  }
0x39: {  	[tilespmem:s0+$0xC560] =	vst v1  }
0x3a: {  	[tilespmem:s0+$0xC570] =	vst v1  }
0x3b: {  	[tilespmem:s0+$0xC580] =	vst v1  }
0x3c: {  	[tilespmem:s0+$0xC590] =	vst v1;
	s0 =	sshra.s32 s20, $0x2;
	s20 =	sadd.s32 $0x200, s20  }
0x3d: {  	[tilespmem:s0+$0xC5A0] =	vst v1  }
0x3e: {  	[tilespmem:s0+$0xC530] =	vst v1  }
0x3f: {  	[tilespmem:s0+$0xC540] =	vst v1  }
0x40: {  	[tilespmem:s0+$0xC550] =	vst v1  }
0x41: {  	[tilespmem:s0+$0xC560] =	vst v1  }
0x42: {  	[tilespmem:s0+$0xC570] =	vst v1  }
0x43: {  	[tilespmem:s0+$0xC580] =	vst v1  }
0x44: {  	[tilespmem:s0+$0xC590] =	vst v1  }
0x45: {  	[spmem:s8] =	stream.linear.scatter [tilespmem:s21], [sflag:$0x3], $0x2800, $0x38;
	[tilespmem:$0x18D30] =	vst v63  }
0x46: {  	_ =	swait.ge [sflag:s19], $0x2800  }
0x47: {  	[sflag:s19] =	ssyncset.done $0x0  }
0x48: {  	[sflag:s19] =	ssyncadd.s32 $0xFFFFD800  }
0x49: {  	[spmem:s9] =	stream.linear.scatter [tilespmem:s21], [sflag:$0x3], $0x2800, $0x38;
	[tilespmem:$0x18D30] =	vst v63  }
0x4a: {  	_ =	swait.ge [sflag:s19], $0x2800  }
0x4b: {  	[sflag:s19] =	ssyncset.done $0x0  }
0x4c: {  	[sflag:s19] =	ssyncadd.s32 $0xFFFFD800  }
0x4d: {  	[spmem:s10] =	stream.linear.scatter [tilespmem:s21], [sflag:$0x3], $0x2800, $0x38;
	[tilespmem:$0x18D30] =	vst v63  }
0x4e: {  	_ =	swait.ge [sflag:s19], $0x2800  }
0x4f: {  	[sflag:s19] =	ssyncset.done $0x0  }
0x50: {  	[sflag:s19] =	ssyncadd.s32 $0xFFFFD800  }
0x51: {  	[spmem:s11] =	stream.linear.scatter [tilespmem:s21], [sflag:$0x3], $0x2800, $0x38;
	[tilespmem:$0x18D30] =	vst v63  }
0x52: {  	_ =	swait.ge [sflag:s19], $0x2800  }
0x53: {  	[sflag:s19] =	ssyncset.done $0x0  }
0x54: {  	[sflag:s19] =	ssyncadd.s32 $0xFFFFD800  }
0x55: {  	s2 =	simm.s32 $0x0;
	[bflag:$0x0] =	sbarrier.arrive $0xFFFF  }
0x56: {  	[tilespmem:s23], [sflag:$0x1] =	stream.indirect.gather [hbm4b:s1+s22], $0x80, s2, s22, $0xb8;
	[tilespmem:$0x18D30] =	vst v63  }
0x57: {  	_ =	swait.ge [sflag:s24], $0x2800  }
0x58: {  	[sflag:s24] =	ssyncset.done $0x0  }
0x59: {  	s4 =	simm.s32 $0x50;
	[sflag:s24] =	ssyncadd.s32 $0xFFFFD800  }
0x5a: {  	[tilespmem:s25], [sflag:$0x2] =	stream.indirect.gather [hbm4b:s1+s22], $0x80, s4, s22, $0xb8;
	[tilespmem:$0x18D30] =	vst v63  }
0x5b: {  	s20 =	simm.s32 $0x4E20  }
0x5c: {  	[spmem:s3] =	stream.indirect.scatter.add.f32 [tilespmem:s23], [sflag:$0x3], $0x80, s20, s22, $0xb8;
	[tilespmem:$0x18D30] =	vst v63  }
0x5d: {  	_ =	swait.ge [sflag:s19], $0x2800  }
0x5e: {  	[sflag:s19] =	ssyncset.done $0x0  }
0x5f: {  	[sflag:s19] =	ssyncadd.s32 $0xFFFFD800  }
0x60: {  	_ =	swait.ge [sflag:s26], $0x2800  }
0x61: {  	[sflag:s26] =	ssyncset.done $0x0  }
0x62: {  	s30 =	simm.s32 $0xA0;
	[sflag:s26] =	ssyncadd.s32 $0xFFFFD800  }
0x63: {  	[tilespmem:s23], [sflag:$0x1] =	stream.indirect.gather [hbm4b:s1+s22], $0x80, s30, s22, $0xb8;
	[tilespmem:$0x18D30] =	vst v63  }
0x64: {  	s31 =	simm.s32 $0x4E70  }
0x65: {  	[spmem:s3] =	stream.indirect.scatter.add.f32 [tilespmem:s25], [sflag:$0x3], $0x80, s31, s22, $0xb8;
	[tilespmem:$0x18D30] =	vst v63  }
0x66: {  	_ =	swait.ge [sflag:s19], $0x2800  }
0x67: {  	s0 =	simm.s32 $0x280;
	[sflag:s19] =	ssyncset.done $0x0  }
.LBB2_6:
0x68: {  	p1 =	sne.s32 s0, $0x9880  }
0x69: {  	[sflag:s19] =	ssyncadd.s32 $0xFFFFD800;
	s20 =	smov.u32 s0;
	s0 =	sadd.s32 $0x280, s0  }
0x6a: {  	_ = 	snop  }
0x6b: {  	_ =	swait.ge [sflag:s24], $0x2800  }
0x6c: {  	s20 =	sshra.s32 s20, $0x2;
	[sflag:s24] =	ssyncset.done $0x0  }
0x6d: {  	s30 =	sadd.s32 $0x50, s20;
	[sflag:s24] =	ssyncadd.s32 $0xFFFFD800  }
0x6e: {  	[tilespmem:s25], [sflag:$0x2] =	stream.indirect.gather [hbm4b:s1+s22], $0x80, s30, s22, $0xb8;
	[tilespmem:$0x18D30] =	vst v63  }
0x6f: {  	s30 =	sadd.s32 $0x4E20, s20  }
0x70: {  	[spmem:s3] =	stream.indirect.scatter.add.f32 [tilespmem:s23], [sflag:$0x3], $0x80, s30, s22, $0xb8;
	[tilespmem:$0x18D30] =	vst v63  }
0x71: {  	_ =	swait.ge [sflag:s19], $0x2800  }
0x72: {  	[sflag:s19] =	ssyncset.done $0x0  }
0x73: {  	[sflag:s19] =	ssyncadd.s32 $0xFFFFD800  }
0x74: {  	_ =	swait.ge [sflag:s26], $0x2800  }
0x75: {  	[sflag:s26] =	ssyncset.done $0x0  }
0x76: {  	s30 =	sadd.s32 $0xA0, s20;
	[sflag:s26] =	ssyncadd.s32 $0xFFFFD800  }
0x77: {  	[tilespmem:s23], [sflag:$0x1] =	stream.indirect.gather [hbm4b:s1+s22], $0x80, s30, s22, $0xb8;
	[tilespmem:$0x18D30] =	vst v63  }
.Ltmp2:
0x78: {  	_ = 	snop;
	(pc) =	sbr.rel @p1 .LBB2_6-.Ltmp2, $4  }
0x79: {  	s20 =	sadd.s32 $0x4E70, s20  }
0x7a: {  	[spmem:s3] =	stream.indirect.scatter.add.f32 [tilespmem:s25], [sflag:$0x3], $0x80, s20, s22, $0xb8;
	[tilespmem:$0x18D30] =	vst v63  }
0x7b: {  	_ =	swait.ge [sflag:s19], $0x2800  }
0x7c: {  	[sflag:s19] =	ssyncset.done $0x0  }
0x7d: {  	[sflag:s19] =	ssyncadd.s32 $0xFFFFD800  }
0x7e: {  	_ =	swait.ge [sflag:s24], $0x2800  }
0x7f: {  	[sflag:s24] =	ssyncset.done $0x0  }
0x80: {  	[sflag:s24] =	ssyncadd.s32 $0xFFFFD800  }
0x81: {  	[spmem:s3] =	stream.indirect.scatter.add.f32 [tilespmem:s23], [sflag:$0x3], $0x80, s28, s22, $0xb8;
	[tilespmem:$0x18D30] =	vst v63  }
0x82: {  	_ =	swait.ge [sflag:s19], $0x2800  }
0x83: {  	s0 =	stileid.u32;
	[sflag:s19] =	ssyncset.done $0x0  }
0x84: {  	s0 =	sshll.u32 s0, $0x6;
	[sflag:s19] =	ssyncadd.s32 $0xFFFFD800  }
0x85: {  	s31 =	sshrl.u32 s13, $0x3;
	s30 =	sor.u32 $0x1C03, s0;
	[bflag:$0x0] =	sbarrier.arrive $0xFFFF  }
0x86: {  	[hbm:s12], [sflag:s30] =	dma.local [spmem:s31], $0x1380  }
0x87: {  	_ =	swait.ge [sflag:s19], $0x1380  }
0x88: {  	[sflag:s19] =	ssyncset.done $0x0  }
0x89: {  	s20 =	simm.s32 @!p0 $0x3;
	s0 =	sshrl.u32 @!p0 s15, $0x3;
	[sflag:s19] =	ssyncadd.s32 $0xFFFFEC80  }
0x8a: {  	[hbm:s14], [sflag:s30] =	dma.local @!p0 [spmem:s0], $0x80  }
0x8b: {  	_ =	swait.ge @!p0 [sflag:s20], $0x80  }
0x8c: {  	[sflag:s20] =	ssyncset.done @!p0 $0x0  }
0x8d: {  	[sflag:s20] =	ssyncadd.s32 @!p0 $0xFFFFFF80  }
0x8e: {  	[bflag:$0x0] =	sbarrier.arrive $0xFFFF  }
0x8f: {  	[spmem:s8] =	stream.linear.scatter [tilespmem:s21], [sflag:$0x3], $0x2800, $0x38;
	[tilespmem:$0x18D30] =	vst v63  }
0x90: {  	_ =	swait.ge [sflag:s19], $0x2800  }
0x91: {  	[sflag:s19] =	ssyncset.done $0x0  }
0x92: {  	[sflag:s19] =	ssyncadd.s32 $0xFFFFD800  }
0x93: {  	[spmem:s9] =	stream.linear.scatter [tilespmem:s21], [sflag:$0x3], $0x2800, $0x38;
	[tilespmem:$0x18D30] =	vst v63  }
0x94: {  	_ =	swait.ge [sflag:s19], $0x2800  }
0x95: {  	[sflag:s19] =	ssyncset.done $0x0  }
0x96: {  	[sflag:s19] =	ssyncadd.s32 $0xFFFFD800  }
0x97: {  	[spmem:s10] =	stream.linear.scatter [tilespmem:s21], [sflag:$0x3], $0x2800, $0x38;
	[tilespmem:$0x18D30] =	vst v63  }
0x98: {  	_ =	swait.ge [sflag:s19], $0x2800  }
0x99: {  	[sflag:s19] =	ssyncset.done $0x0  }
0x9a: {  	[sflag:s19] =	ssyncadd.s32 $0xFFFFD800  }
0x9b: {  	[spmem:s11] =	stream.linear.scatter [tilespmem:s21], [sflag:$0x3], $0x2800, $0x38;
	[tilespmem:$0x18D30] =	vst v63  }
0x9c: {  	_ =	swait.ge [sflag:s19], $0x2800  }
0x9d: {  	[sflag:s19] =	ssyncset.done $0x0  }
0x9e: {  	[sflag:s19] =	ssyncadd.s32 $0xFFFFD800  }
0x9f: {  	s4 =	simm.s32 $0x0;
	[bflag:$0x0] =	sbarrier.arrive $0xFFFF  }
0xa0: {  	[tilespmem:s23], [sflag:$0x1] =	stream.indirect.gather [hbm4b:s5+s22], $0x80, s4, s22, $0xb8;
	[tilespmem:$0x18D30] =	vst v63  }
0xa1: {  	_ =	swait.ge [sflag:s24], $0x2800  }
0xa2: {  	[sflag:s24] =	ssyncset.done $0x0  }
0xa3: {  	s2 =	simm.s32 $0x50;
	[sflag:s24] =	ssyncadd.s32 $0xFFFFD800  }
0xa4: {  	[tilespmem:s25], [sflag:$0x2] =	stream.indirect.gather [hbm4b:s5+s22], $0x80, s2, s22, $0xb8;
	[tilespmem:$0x18D30] =	vst v63  }
0xa5: {  	s4 =	simm.s32 $0x4E20  }
0xa6: {  	[spmem:s3] =	stream.indirect.scatter.add.f32 [tilespmem:s23], [sflag:$0x3], $0x80, s4, s22, $0xb8;
	[tilespmem:$0x18D30] =	vst v63  }
0xa7: {  	_ =	swait.ge [sflag:s19], $0x2800  }
0xa8: {  	[sflag:s19] =	ssyncset.done $0x0  }
0xa9: {  	[sflag:s19] =	ssyncadd.s32 $0xFFFFD800  }
0xaa: {  	_ =	swait.ge [sflag:s26], $0x2800  }
0xab: {  	[sflag:s26] =	ssyncset.done $0x0  }
0xac: {  	s2 =	simm.s32 $0xA0;
	[sflag:s26] =	ssyncadd.s32 $0xFFFFD800  }
0xad: {  	[tilespmem:s23], [sflag:$0x1] =	stream.indirect.gather [hbm4b:s5+s22], $0x80, s2, s22, $0xb8;
	[tilespmem:$0x18D30] =	vst v63  }
0xae: {  	s4 =	simm.s32 $0x4E70  }
0xaf: {  	[spmem:s3] =	stream.indirect.scatter.add.f32 [tilespmem:s25], [sflag:$0x3], $0x80, s4, s22, $0xb8;
	[tilespmem:$0x18D30] =	vst v63  }
0xb0: {  	_ =	swait.ge [sflag:s19], $0x2800  }
0xb1: {  	s20 =	simm.s32 $0x280;
	[sflag:s19] =	ssyncset.done $0x0  }
.LBB2_8:
0xb2: {  	p1 =	sne.s32 s20, $0x9880  }
0xb3: {  	[sflag:s19] =	ssyncadd.s32 $0xFFFFD800;
	s2 =	smov.u32 s20;
	s20 =	sadd.s32 $0x280, s20  }
0xb4: {  	_ = 	snop  }
0xb5: {  	_ =	swait.ge [sflag:s24], $0x2800  }
0xb6: {  	s2 =	sshra.s32 s2, $0x2;
	[sflag:s24] =	ssyncset.done $0x0  }
0xb7: {  	s4 =	sadd.s32 $0x50, s2;
	[sflag:s24] =	ssyncadd.s32 $0xFFFFD800  }
0xb8: {  	[tilespmem:s25], [sflag:$0x2] =	stream.indirect.gather [hbm4b:s5+s22], $0x80, s4, s22, $0xb8;
	[tilespmem:$0x18D30] =	vst v63  }
0xb9: {  	s4 =	sadd.s32 $0x4E20, s2  }
0xba: {  	[spmem:s3] =	stream.indirect.scatter.add.f32 [tilespmem:s23], [sflag:$0x3], $0x80, s4, s22, $0xb8;
	[tilespmem:$0x18D30] =	vst v63  }
0xbb: {  	_ =	swait.ge [sflag:s19], $0x2800  }
0xbc: {  	[sflag:s19] =	ssyncset.done $0x0  }
0xbd: {  	[sflag:s19] =	ssyncadd.s32 $0xFFFFD800  }
0xbe: {  	_ =	swait.ge [sflag:s26], $0x2800  }
0xbf: {  	[sflag:s26] =	ssyncset.done $0x0  }
0xc0: {  	s4 =	sadd.s32 $0xA0, s2;
	[sflag:s26] =	ssyncadd.s32 $0xFFFFD800  }
0xc1: {  	[tilespmem:s23], [sflag:$0x1] =	stream.indirect.gather [hbm4b:s5+s22], $0x80, s4, s22, $0xb8;
	[tilespmem:$0x18D30] =	vst v63  }
.Ltmp3:
0xc2: {  	_ = 	snop;
	(pc) =	sbr.rel @p1 .LBB2_8-.Ltmp3, $4  }
0xc3: {  	s2 =	sadd.s32 $0x4E70, s2  }
0xc4: {  	[spmem:s3] =	stream.indirect.scatter.add.f32 [tilespmem:s25], [sflag:$0x3], $0x80, s2, s22, $0xb8;
	[tilespmem:$0x18D30] =	vst v63  }
0xc5: {  	_ =	swait.ge [sflag:s19], $0x2800  }
0xc6: {  	[sflag:s19] =	ssyncset.done $0x0  }
0xc7: {  	[sflag:s19] =	ssyncadd.s32 $0xFFFFD800  }
0xc8: {  	_ =	swait.ge [sflag:s24], $0x2800  }
0xc9: {  	[sflag:s24] =	ssyncset.done $0x0  }
0xca: {  	[sflag:s24] =	ssyncadd.s32 $0xFFFFD800  }
0xcb: {  	[spmem:s3] =	stream.indirect.scatter.add.f32 [tilespmem:s23], [sflag:$0x3], $0x80, s28, s22, $0xb8;
	[tilespmem:$0x18D30] =	vst v63  }
0xcc: {  	_ =	swait.ge [sflag:s19], $0x2800  }
0xcd: {  	[sflag:s19] =	ssyncset.done $0x0  }
0xce: {  	[sflag:s19] =	ssyncadd.s32 $0xFFFFD800  }
0xcf: {  	[bflag:$0x0] =	sbarrier.arrive $0xFFFF  }
0xd0: {  	[hbm:s16], [sflag:s30] =	dma.local [spmem:s31], $0x1380  }
0xd1: {  	_ =	swait.ge [sflag:s19], $0x1380  }
0xd2: {  	s29 =	sadd.s32 $0x1, s29;
	[sflag:s19] =	ssyncset.done $0x0  }
0xd3: {  	p1 =	sne.s32 s29, s18;
	[sflag:s19] =	ssyncadd.s32 $0xFFFFEC80  }
0xd4: {  	[hbm:s17], [sflag:s30] =	dma.local @!p0 [spmem:s0], $0x80  }
.Ltmp4:
0xd5: {  	_ = 	snop;
	(pc) =	sbr.rel @p1 .LBB2_1-.Ltmp4, $4  }
0xd6: {  	s0 =	simm.s32 @!p0 $0x3  }
0xd7: {  	_ =	swait.ge @!p0 [sflag:s0], $0x80  }
0xd8: {  	[sflag:s0] =	ssyncset.done @!p0 $0x0  }
0xd9: {  	[sflag:s0] =	ssyncadd.s32 @!p0 $0xFFFFFF80  }
0xda: {  	_ =	sfence.sel $0x180000  }
0xdb: {  	[bflag:$0x0] =	sbarrier.arrive $0xFFFF  }
0xdc: {  	_ =	strace $0x9000004A  }
0xdd: {  	s0 =	stileid.u32;
	[bflag:$0x2] =	sbarrier.arrive $0xFFFF  }
0xde: {  	p0 =	sne.s32 s0, $0x0;
	s0 =	rddreg [dreg:$0x3]  }
0xdf: {  	s0 =	sadd.s32 @!p0 $0x100000, s0  }
0xe0: {  	[sflag:s0] =	ssyncadd.tile.s32 @!p0 $0x1;
	_ =	shalt  }
.Lfunc_end2:
_tile_overlayer_lowered:
.L_overlay_start_2:
0xe1: {  	(tag) =	ssettag $0x2  }
0xe2: {  	s0 =	rddreg [dreg:$0x0];
	s2 =	stileid.u32  }
0xe3: {  	s1 =	rddreg [dreg:$0x1];
	p0 =	sne.s32 s2, $0x0  }
0xe4: {  	s3 =	rddreg [dreg:$0x2];
	[bflag:$0x3] =	sbarrier.arrive $0xFFFF;
	s2 =	simm.s32 @!p0 $0x1C03  }
0xe5: {  	[timem:s3], [sflag:s2] =	dma.local @!p0 [hbm:s0], s1  }
0xe6: {  	s0 =	simm.s32 @!p0 $0x3  }
0xe7: {  	_ =	swait.ge @!p0 [sflag:s0], s1  }
0xe8: {  	s1 =	ssub.s32 @!p0 $0x0, s1;
	[sflag:s0] =	ssyncset.done @!p0 $0x0  }
0xe9: {  	[sflag:s0] =	ssyncadd.s32 @!p0 s1  }
0xea: {  	[bflag:$0x3] =	sbarrier.arrive $0xFFFF  }
0xeb: {  	_ =	shalt  }

// kernel: kernel.14.cloned.1.call-start
scs
__scs_entry_jumppad:
0x0: {  	(pc) =	sbr.rel $0x88, $3  }
0x1: {  	(tag) =	ssettag $0x0;
	lr =	simm.s32 $0x1  }
0x2: {  	[smem:$0x3F9B] =	sst lr;
	_ =	strace $0xD0000000  }
0x3: {  	_ = 	snop  }
0x4: {  	_ = 	snop  }
0x5: {  	_ = 	snop  }
0x6: {  	_ = 	snop  }
0x7: {  	_ = 	snop  }
__scs_overlays_trampoline_lowered:
0x8: {  	[smem:$0x3FAA] =	sst s0  }
0x9: {  	[smem:$0x3FAB] =	sst s1  }
0xa: {  	[smem:$0x3FAC] =	sst s2  }
0xb: {  	[smem:$0x3FAD] =	sst s3  }
0xc: {  	[smem:$0x3FAE] =	sst s4  }
0xd: {  	[smem:$0x3FAF] =	sst s5  }
0xe: {  	[smem:$0x3FB0] =	sst s6  }
0xf: {  	[smem:$0x3FB1] =	sst s7  }
0x10: {  	[smem:$0x3FB2] =	sst s8  }
0x11: {  	[smem:$0x3FB3] =	sst s9;
	s0 =	simm.s32 @!p0 $0x0  }
0x12: {  	s1 =	sld [smem:$0x3F99];
	s0 =	simm.s32 @p0 $0x1  }
0x13: {  	[smem:$0x3FB4] =	sst s0;
	s0 =	simm.s32 @!p1 $0x0  }
0x14: {  	s2 =	sld [smem:$0x3F98];
	s0 =	simm.s32 @p1 $0x1  }
0x15: {  	[smem:$0x3FB5] =	sst s0;
	s0 =	simm.s32 @!p2 $0x0  }
0x16: {  	s3 =	sld [smem:$0x3FDB];
	s0 =	simm.s32 @p2 $0x1  }
0x17: {  	s4 =	simm.s32 $0x1BF5;
	[smem:$0x3FB7] =	sst s0  }
0x18: {  	s0 =	sld [smem:$0x3F9A];
	_ =	swait.ge [sflag:s4], $0x0  }
0x19: {  	s7 =	sld [smem:$0x3F9B]  }
0x1a: {  	s8 =	sadd.s32 $0xFFFFE003, lr  }
0x1b: {  	s9 =	sadd.s32 $0xFFFFFEF7, lr;
	s5 =	simm.s32 $0xFFFFFFFF;
	p2 =	slt.u32 s8, $0xFFFFF086  }
0x1c: {  	p1 =	slt.u32 s9, $0xF7A;
	s5 =	simm.s32 @!p2 $0x0  }
0x1d: {  	s5 =	simm.s32 @p1 $0x1;
	p0 =	seq.s32 s7, s2  }
0x1e: {  	s7 =	smul.u32 @!p0 $0xF7A, s2;
	p2 =	seq.s32 @!p0 s5, $0x0  }
0x1f: {  	s9 =	smul.u32 $0xF7A, s1;
	s8 =	simm.s32 @!p0 $0x1BF5;
	p2 =	por !p2, p0  }
0x20: {  	[sflag:s8] =	ssyncset.s32 @!p0 $0xFFFFF086;
	s6 =	sadd.s32 @!p0 s3, s7;
	s7 =	simm.s32 @!p0 $0x108  }
0x21: {  	s3 =	sadd.s32 s3, s9;
	s6 =	sadd.s32 @!p0 $0x88, s6;
	s7 =	simm.s32 @p2 $0x1082  }
0x22: {  	[simem:s7], [sflag:s8] =	dma.local @!p0 [hbm:s6], $0xF7A  }
0x23: {  	s9 =	sor.u32 $0xD0000000, s2;
	s6 =	simm.s32 $0x108;
	_ =	swait.ge @!p0 [sflag:s8], $0x0  }
0x24: {  	s3 =	sadd.s32 $0x88, s3;
	s6 =	simm.s32 @!p1 $0x1082;
	[sflag:s4] =	ssyncset.s32 $0xFFFFF086  }
0x25: {  	[simem:s6], [sflag:s4] =	dma.local [hbm:s3], $0xF7A  }
0x26: {  	[smem:$0x3F9B] =	sst s1;
	(tag) =	ssettag s2;
	_ =	strace s9  }
0x27: {  	s1 =	sld [smem:$0x3FAB]  }
0x28: {  	s2 =	sld [smem:$0x3FAC]  }
0x29: {  	s4 =	sld [smem:$0x3FAE]  }
0x2a: {  	p0 =	seq.s32 s5, $0x0;
	s5 =	sld [smem:$0x3FAF]  }
0x2b: {  	s6 =	sld [smem:$0x3FB0]  }
0x2c: {  	s7 =	sld [smem:$0x3FB1]  }
0x2d: {  	s3 =	simm.s32 $0x108;
	s8 =	sld [smem:$0x3FB2]  }
0x2e: {  	s3 =	simm.s32 @!p0 $0x1082;
	s9 =	sld [smem:$0x3FB3]  }
0x2f: {  	lr =	sadd.s32 s0, s3;
	s0 =	sld [smem:$0x3FAA]  }
0x30: {  	s3 =	sld [smem:$0x3FAD]  }
0x31: {  	[smem:$0x3FB6] =	sst s10  }
0x32: {  	s10 =	sld [smem:$0x3FB4];
	_ =	sdelay $0x3  }
0x33: {  	p0 =	seq.s32 s10, $0x1;
	s10 =	sld [smem:$0x3FB6];
	_ =	sdelay $0x3  }
0x34: {  	[smem:$0x3FB6] =	sst s10  }
0x35: {  	s10 =	sld [smem:$0x3FB5];
	_ =	sdelay $0x3  }
0x36: {  	p1 =	seq.s32 s10, $0x1;
	s10 =	sld [smem:$0x3FB6];
	_ =	sdelay $0x3  }
0x37: {  	[smem:$0x3FB6] =	sst s10  }
0x38: {  	s10 =	sld [smem:$0x3FB7]  }
0x39: {  	_ = 	snop;
	(pc) =	sbr.ind lr, $3  }
0x3a: {  	_ = 	snop  }
0x3b: {  	_ = 	snop  }
0x3c: {  	p2 =	seq.s32 s10, $0x1;
	s10 =	sld [smem:$0x3FB6]  }
0x3d: {  	_ =	shalt  }
0x3e: {  	_ =	shalt  }
0x3f: {  	_ =	shalt  }
0x40: {  	_ =	shalt  }
0x41: {  	_ =	shalt  }
0x42: {  	_ =	shalt  }
0x43: {  	_ =	shalt  }
0x44: {  	_ =	shalt  }
0x45: {  	_ =	shalt  }
0x46: {  	_ =	shalt  }
0x47: {  	_ =	shalt  }
0x48: {  	_ =	shalt  }
0x49: {  	_ =	shalt  }
0x4a: {  	_ =	shalt  }
0x4b: {  	_ =	shalt  }
0x4c: {  	_ =	shalt  }
0x4d: {  	_ =	shalt  }
0x4e: {  	_ =	shalt  }
0x4f: {  	_ =	shalt  }
0x50: {  	_ =	shalt  }
0x51: {  	_ =	shalt  }
0x52: {  	_ =	shalt  }
0x53: {  	_ =	shalt  }
0x54: {  	_ =	shalt  }
0x55: {  	_ =	shalt  }
0x56: {  	_ =	shalt  }
0x57: {  	_ =	shalt  }
0x58: {  	_ =	shalt  }
0x59: {  	_ =	shalt  }
0x5a: {  	_ =	shalt  }
0x5b: {  	_ =	shalt  }
0x5c: {  	_ =	shalt  }
0x5d: {  	_ =	shalt  }
0x5e: {  	_ =	shalt  }
0x5f: {  	_ =	shalt  }
0x60: {  	_ =	shalt  }
0x61: {  	_ =	shalt  }
0x62: {  	_ =	shalt  }
0x63: {  	_ =	shalt  }
0x64: {  	_ =	shalt  }
0x65: {  	_ =	shalt  }
0x66: {  	_ =	shalt  }
0x67: {  	_ =	shalt  }
0x68: {  	_ =	shalt  }
0x69: {  	_ =	shalt  }
0x6a: {  	_ =	shalt  }
0x6b: {  	_ =	shalt  }
0x6c: {  	_ =	shalt  }
0x6d: {  	_ =	shalt  }
0x6e: {  	_ =	shalt  }
0x6f: {  	_ =	shalt  }
0x70: {  	_ =	shalt  }
0x71: {  	_ =	shalt  }
0x72: {  	_ =	shalt  }
0x73: {  	_ =	shalt  }
0x74: {  	_ =	shalt  }
0x75: {  	_ =	shalt  }
0x76: {  	_ =	shalt  }
0x77: {  	_ =	shalt  }
0x78: {  	_ =	shalt  }
0x79: {  	_ =	shalt  }
0x7a: {  	_ =	shalt  }
0x7b: {  	_ =	shalt  }
0x7c: {  	_ =	shalt  }
0x7d: {  	_ =	shalt  }
0x7e: {  	_ =	shalt  }
0x7f: {  	_ =	shalt  }
0x80: {  	_ =	shalt  }
0x81: {  	_ =	shalt  }
0x82: {  	_ =	shalt  }
0x83: {  	_ =	shalt  }
0x84: {  	_ =	shalt  }
0x85: {  	_ =	shalt  }
0x86: {  	_ =	shalt  }
0x87: {  	_ =	shalt  }
.Lfunc_end0:
.L_simem_size_0:
called_computation.2_lowered:
.L_overlay_start_0:
0x88: {  	s2 =	sld [smem:$0x3FD9]  }
0x89: {  	s3 =	sld [smem:$0x3FFE];
	_ =	sdelay $0x1  }
0x8a: {  	s1 =	srdreg.scid  }
0x8b: {  	s0 =	sand.u32 $0x1, s1  }
0x8c: {  	s16 =	sshll.u32 s0, $0xA;
	s2 =	sadd.s32 s3, s2  }
0x8d: {  	s2 =	sadd.s32 s2, s16  }
0x8e: {  	[smem:$0x3FC2] =	sst s2  }
0x8f: {  	_ = 	snop  }
0x90: {  	(tm) =	ssettm $0x1  }
0x91: {  	s17 =	sld [smem:$0x3FFB];
	_ =	sdelay $0x3  }
0x92: {  	_ =	strace s17  }
0x93: {  	s2 =	sld [smem:$0x3FFC];
	_ =	sdelay $0x3  }
0x94: {  	_ =	strace s2  }
0x95: {  	s2 =	sld [smem:$0x3FFD];
	_ =	sdelay $0x3  }
0x96: {  	_ =	strace s2  }
0x97: {  	_ =	strace $0x8FFFFFFF  }
0x98: {  	s18 =	sld [smem:$0x3FDB];
	_ =	sdelay $0x1  }
0x99: {  	s19 =	simm.s32 $_scs_section_size  }
0x9a: {  	s4 =	simm.s32 $_size__tile_overlayer_lowered;
	s5 =	simm.s32 $_tile_overlayer_lowered  }
0x9b: {  	s22 =	simm.s32 $0x1BFF;
	s21 =	sshll.u32 s5, $0x1;
	s2 =	sadd.s32 s19, s18  }
0x9c: {  	s6 =	simm.s32 $0x0;
	s20 =	sshll.u32 s4, $0x1;
	s4 =	sadd.s32 s21, s2  }
0x9d: {  	[timem:s6], [sflag:s22] =	dma.local [hbm:s4], s20  }
0x9e: {  	_ =	swait.ge [sflag:s22], s20  }
0x9f: {  	s3 =	ssub.s32 $0x0, s20;
	[sflag:s22] =	ssyncset.done $0x0  }
0xa0: {  	[sflag:s22] =	ssyncadd.s32 s3;
	_ =	sdelay $0x1  }
0xa1: {  	s23 =	simm.s32 $0x1B8B  }
0xa2: {  	_ =	swait.ge [sflag:s23], $0x1  }
0xa3: {  	[sflag:s23] =	ssyncset.done $0x0  }
0xa4: {  	s25 =	simm.s32 $0x1B8E;
	s24 =	sld [smem:$0x3FFE];
	[sflag:s23] =	ssyncadd.s32 $0xFFFFFFFF  }
0xa5: {  	s26 =	simm.s32 $execute0_lowered;
	[smem:$0x3FD2] =	sst s25  }
0xa6: {  	s4 =	sshll.u32 s26, $0x1;
	_ =	strace $0x8000004C;
	[dreg:$0x1] =	wrdreg $0xFFFFFFFF  }
0xa7: {  	s28 =	simm.s32 $_size_execute0_lowered;
	s2 =	sadd.s32 s2, s4;
	[dreg:$0x0] =	wrdreg $0x0  }
0xa8: {  	s4 =	sshll.u32 s28, $0x1;
	[dreg:$0x2] =	wrdreg s2  }
0xa9: {  	[dreg:$0x3] =	wrdreg s4  }
0xaa: {  	[dreg:$0x4] =	wrdreg $0xC0  }
0xab: {  	_ =	task [dreg:s6], $0x5FFFF  }
0xac: {  	[dreg:$0x1] =	wrdreg $0xFFFFFFFF  }
0xad: {  	[dreg:$0x0] =	wrdreg $0x60  }
0xae: {  	[dreg:$0x2] =	wrdreg s24  }
0xaf: {  	[dreg:$0x3] =	wrdreg $0xB1300  }
0xb0: {  	[dreg:$0x4] =	wrdreg $0x9  }
0xb1: {  	_ =	task.clear_ibuf [dreg:s6], $0x5FFFF;
	_ =	strace $0x9000004C  }
0xb2: {  	s29 =	simm.s32 $0x9;
	_ =	strace $0x8000004E  }
0xb3: {  	_ =	swait.ge [sflag:s29], $0x1  }
0xb4: {  	[sflag:s29] =	ssyncadd.s32 $0xFFFFFFFF  }
0xb5: {  	_ =	strace $0x9000004E  }
0xb6: {  	_ =	sfence  }
0xb7: {  	s30 =	sld [smem:$0x0];
	_ =	sdelay $0x2  }
0xb8: {  	s31 =	sshll.u32 s1, $0xD;
	s1 =	sshrl.u32 s1, $0x2  }
0xb9: {  	s3 =	sand.u32 $0x4000, s31;
	s1 =	sadd.s32 s1, s30  }
0xba: {  	s0 =	sor.u32 s3, s0;
	s1 =	sshll.u32 s1, $0x11  }
0xbb: {  	s0 =	sor.u32 s1, s0  }
0xbc: {  	s0 =	sadd.s32 $0x8F2B, s0  }
0xbd: {  	[sflag:s0] =	ssyncadd.remote.s32 $0x1  }
0xbe: {  	_ =	sfence.sel $0xFFFF  }
0xbf: {  	[dreg:$0x0] =	wrdreg $0xFFFFFFFF;
	(pc) =	sbr.abs _section_cstart, $3  }
0xc0: {  	[dreg:$0x1] =	wrdreg $0xFFFFFFFF  }
0xc1: {  	_ =	task.clear_ibuf [dreg:s6], $0x2FFFF;
	_ =	strace $0x9FFFFFFF  }
0xc2: {  	(tm) =	ssettm $0x7FFFFFFF  }
0xc3: {  	_ =	shalt  }
tec
execute0_lowered:
.L_overlay_start_1:
0x0: {  	(tag) =	ssettag $0x1  }
0x1: {  	s5 =	rddreg [dreg:$0x0]  }
0x2: {  	s2 =	rddreg [dreg:$0x1]  }
0x3: {  	s0 =	rddreg [dreg:$0x2]  }
0x4: {  	s3 =	simm.s32 $0x0;
	s1 =	stileid.u32;
	s4 =	srdreg.scid  }
0x5: {  	s16 =	simm.s32 $0x9D30;
	s17 =	simm.s32 $0x50;
	s18 =	simm.s32 $0x7530  }
0x6: {  	s19 =	simm.s32 $0x1;
	s20 =	simm.s32 $0x8930;
	s6 =	smul.u32 $0x4E2, s1  }
0x7: {  	s21 =	simm.s32 $0x2;
	s22 =	simm.s32 $0x74E0;
	s10 =	smul.u32 $0x14000, s1  }
0x8: {  	[smem:$0x7FF] =	sst s3;
	s8 =	sand.u32 $0x1, s4;
	s12 =	smul.u32 $0x138, s1  }
0x9: {  	s4 =	sadd.s32 $0xCC00, s5;
	s11 =	sadd.s32 $0x20600, s5;
	s15 =	smul.u32 $0x13800, s1  }
0xa: {  	s25 =	sadd.s32 $0x4E000, s2;
	p0 =	sne.s32 s1, $0xF;
	s23 =	smul.u32 $0x1388, s8  }
0xb: {  	_ =	strace $0x8000004D;
	s7 =	ssub.s32 $0x2, s8;
	s14 =	smul.u32 $0x4E200, s8  }
0xc: {  	s6 =	sadd.s32 s6, s5;
	s9 =	sshrl.u32 s7, $0x1;
	s31 =	sshrl.u32 s10, $0x2  }
0xd: {  	s15 =	sshrl.u32 s15, $0x2;
	s13 =	ssub.s32 s7, s9;
	s5 =	sadd.s32 $0x2C00, s6  }
0xe: {  	s6 =	sadd.s32 $0x7C00, s6;
	s7 =	sadd.s32 s31, s2;
	s12 =	sadd.s32 s12, s23  }
0xf: {  	s14 =	sshrl.u32 s14, $0x3;
	s24 =	sadd.s32 s15, s2;
	s15 =	simm.s32 $0x2710  }
0x10: {  	s8 =	sadd.s32 $0x1400, s7;
	s9 =	sadd.s32 $0x2800, s7;
	s10 =	sadd.s32 $0x3C00, s7  }
0x11: {  	s12 =	sshll.u32 s12, $0x3;
	s14 =	sadd.s32 s11, s14;
	s13 =	smax.u32 s13, $0x1  }
0x12: {  	v0 =	vmov s23;
	s23 =	sshrl.u32 s24, $0x3;
	s24 =	sshrl.u32 @!p0 s25, $0x3;
	s25 =	simm.s32 $0x0  }
0x13: {  	v1 =	vimm.f32 $0.0e+00;
	s11 =	sadd.s32 s11, s12;
	s12 =	sadd.s32 $0x9C00, s14;
	s14 =	simm.s32 $0x3  }
.LBB2_1:
0x14: {  	[tilespmem:s3], [sflag:$0x3] =	stream.linear.gather [hbm4b:s5+s3], $0x2710, $0x38;
	[tilespmem:$0x10130] =	vst v63  }
0x15: {  	_ =	swait.ge [sflag:s14], $0x2710  }
0x16: {  	[sflag:s14] =	ssyncset.done $0x0  }
0x17: {  	[sflag:s14] =	ssyncadd.s32 $0xFFFFD8F0  }
0x18: {  	[tilespmem:s15], [sflag:$0x3] =	stream.linear.gather [hbm4b:s6+s3], $0x2710, $0x38;
	[tilespmem:$0x10130] =	vst v63  }
0x19: {  	_ =	swait.ge [sflag:s14], $0x2710  }
0x1a: {  	[sflag:s14] =	ssyncset.done $0x0  }
0x1b: {  	s28 =	simm.s32 $0x0;
	[sflag:s14] =	ssyncadd.s32 $0xFFFFD8F0  }
0x1c: {  	v2 =	vld [tilespmem:s28+$0x2750]  }
0x1d: {  	v3 =	vld [tilespmem:s28+$0x2710]  }
0x1e: {  	v6 =	vld [tilespmem:s28+$0x2720]  }
0x1f: {  	v7 =	vld [tilespmem:s28+$0x2730]  }
0x20: {  	v8 =	vld [tilespmem:s28+$0x2740]  }
0x21: {  	s26 =	simm.s32 $0x50;
	v4 =	vsub.s32 v2, v0  }
0x22: {  	v2 =	vld [tilespmem:s26+$0x2750];
	v3 =	vsub.s32 v3, v0;
	v4 =	vmin.u32 v4, $0x1388  }
0x23: {  	v5 =	vld [tilespmem:s26+$0x2710];
	v6 =	vsub.s32 v6, v0;
	v3 =	vmin.u32 v3, $0x1388;
	[tilespmem:s28+$0x4E60] =	vst v4  }
0x24: {  	v7 =	vsub.s32 v7, v0;
	v6 =	vmin.u32 v6, $0x1388;
	v4 =	vld [tilespmem:s26+$0x2720];
	[tilespmem:s28+$0x4E20] =	vst v3  }
0x25: {  	v8 =	vsub.s32 v8, v0;
	v7 =	vmin.u32 v7, $0x1388;
	v3 =	vld [tilespmem:s26+$0x2730];
	[tilespmem:s28+$0x4E30] =	vst v6  }
0x26: {  	s29 =	simm.s32 $0x280;
	v6 =	vld [tilespmem:s26+$0x2740];
	[tilespmem:s28+$0x4E40] =	vst v7;
	v7 =	vmin.u32 v8, $0x1388  }
.LBB2_2:
0x27: {  	s30 =	sshra.s32 s29, $0x2;
	p1 =	sne.s32 s29, $0x9B00;
	s29 =	sadd.s32 $0x140, s29;
	v8 =	vsub.s32 v2, v0;
	[tilespmem:s28+$0x4E50] =	vst v7  }
.Ltmp0:
0x28: {  	s28 =	smov.u32 s26;
	v2 =	vld [tilespmem:s30+$0x2750];
	v7 =	vsub.s32 v5, v0;
	v8 =	vmin.u32 v8, $0x1388;
	s26 =	smov.u32 s30;
	(pc) =	sbr.rel @p1 .LBB2_2-.Ltmp0, $4  }
0x29: {  	v5 =	vld [tilespmem:s26+$0x2710];
	v7 =	vmin.u32 v7, $0x1388;
	v9 =	vsub.s32 v4, v0;
	[tilespmem:s28+$0x4E60] =	vst v8  }
0x2a: {  	v4 =	vld [tilespmem:s26+$0x2720];
	[tilespmem:s28+$0x4E20] =	vst v7;
	v7 =	vmin.u32 v9, $0x1388;
	v8 =	vsub.s32 v3, v0  }
0x2b: {  	v3 =	vld [tilespmem:s26+$0x2730];
	[tilespmem:s28+$0x4E30] =	vst v7;
	v7 =	vmin.u32 v8, $0x1388;
	v8 =	vsub.s32 v6, v0  }
0x2c: {  	v6 =	vld [tilespmem:s26+$0x2740];
	[tilespmem:s28+$0x4E40] =	vst v7;
	v7 =	vmin.u32 v8, $0x1388  }
0x2d: {  	v2 =	vsub.s32 v2, v0  }
0x2e: {  	[tilespmem:s28+$0x4E50] =	vst v7;
	v5 =	vsub.s32 v5, v0;
	v2 =	vmin.u32 v2, $0x1388  }
0x2f: {  	v5 =	vmin.u32 v5, $0x1388;
	v4 =	vsub.s32 v4, v0;
	[tilespmem:s26+$0x4E60] =	vst v2  }
0x30: {  	[tilespmem:s26+$0x4E20] =	vst v5;
	v2 =	vmin.u32 v4, $0x1388;
	v3 =	vsub.s32 v3, v0  }
0x31: {  	[tilespmem:s26+$0x4E30] =	vst v2;
	v2 =	vmin.u32 v3, $0x1388;
	v3 =	vsub.s32 v6, v0  }
0x32: {  	[tilespmem:s26+$0x4E40] =	vst v2;
	v2 =	vmin.u32 v3, $0x1388  }
0x33: {  	s28 =	simm.s32 $0x100;
	[tilespmem:s26+$0x4E50] =	vst v2;
	s26 =	simm.s32 $0x0  }
.LBB2_4:
0x34: {  	p1 =	sne.s32 s28, $0x4F00;
	[tilespmem:s26+$0x9D60] =	vst v1;
	s29 =	smov.u32 s28;
	s28 =	sadd.s32 $0x100, s28  }
.Ltmp1:
0x35: {  	[tilespmem:s26+$0x9D50] =	vst v1;
	(pc) =	sbr.rel @p1 .LBB2_4-.Ltmp1, $3  }
0x36: {  	[tilespmem:s26+$0x9D30] =	vst v1  }
0x37: {  	[tilespmem:s26+$0x9D40] =	vst v1;
	_ =	sdelay $0x1  }
0x38: {  	s26 =	sshra.s32 s29, $0x2  }
0x39: {  	[tilespmem:s26+$0x9D60] =	vst v1  }
0x3a: {  	[tilespmem:s26+$0x9D50] =	vst v1  }
0x3b: {  	[tilespmem:s26+$0x9D30] =	vst v1  }
0x3c: {  	[tilespmem:s26+$0x9D40] =	vst v1  }
0x3d: {  	[spmem:s7] =	stream.linear.scatter [tilespmem:s16], [sflag:$0x3], $0x1400, $0x38;
	[tilespmem:$0x10130] =	vst v63  }
0x3e: {  	_ =	swait.ge [sflag:s14], $0x1400  }
0x3f: {  	[sflag:s14] =	ssyncset.done $0x0  }
0x40: {  	[sflag:s14] =	ssyncadd.s32 $0xFFFFEC00  }
0x41: {  	[spmem:s8] =	stream.linear.scatter [tilespmem:s16], [sflag:$0x3], $0x1400, $0x38;
	[tilespmem:$0x10130] =	vst v63  }
0x42: {  	_ =	swait.ge [sflag:s14], $0x1400  }
0x43: {  	[sflag:s14] =	ssyncset.done $0x0  }
0x44: {  	[sflag:s14] =	ssyncadd.s32 $0xFFFFEC00  }
0x45: {  	[spmem:s9] =	stream.linear.scatter [tilespmem:s16], [sflag:$0x3], $0x1400, $0x38;
	[tilespmem:$0x10130] =	vst v63  }
0x46: {  	_ =	swait.ge [sflag:s14], $0x1400  }
0x47: {  	[sflag:s14] =	ssyncset.done $0x0  }
0x48: {  	[sflag:s14] =	ssyncadd.s32 $0xFFFFEC00  }
0x49: {  	[spmem:s10] =	stream.linear.scatter [tilespmem:s16], [sflag:$0x3], $0x1400, $0x38;
	[tilespmem:$0x10130] =	vst v63  }
0x4a: {  	_ =	swait.ge [sflag:s14], $0x1400  }
0x4b: {  	[sflag:s14] =	ssyncset.done $0x0  }
0x4c: {  	[sflag:s14] =	ssyncadd.s32 $0xFFFFEC00  }
0x4d: {  	s31 =	simm.s32 $0x0;
	[bflag:$0x0] =	sbarrier.arrive $0xFFFF  }
0x4e: {  	[tilespmem:s18], [sflag:$0x1] =	stream.indirect.gather [hbm4b:s4+s17], $0x40, s31, s17, $0xb8;
	[tilespmem:$0x10130] =	vst v63  }
0x4f: {  	_ =	swait.ge [sflag:s19], $0x1400  }
0x50: {  	[sflag:s19] =	ssyncset.done $0x0  }
0x51: {  	s28 =	simm.s32 $0x50;
	[sflag:s19] =	ssyncadd.s32 $0xFFFFEC00  }
0x52: {  	[tilespmem:s20], [sflag:$0x2] =	stream.indirect.gather [hbm4b:s4+s17], $0x40, s28, s17, $0xb8;
	[tilespmem:$0x10130] =	vst v63  }
0x53: {  	s29 =	simm.s32 $0x4E20  }
0x54: {  	[spmem:s2] =	stream.indirect.scatter.add.f32 [tilespmem:s18], [sflag:$0x3], $0x40, s29, s17, $0xb8;
	[tilespmem:$0x10130] =	vst v63  }
0x55: {  	_ =	swait.ge [sflag:s14], $0x1400  }
0x56: {  	[sflag:s14] =	ssyncset.done $0x0  }
0x57: {  	[sflag:s14] =	ssyncadd.s32 $0xFFFFEC00  }
0x58: {  	_ =	swait.ge [sflag:s21], $0x1400  }
0x59: {  	[sflag:s21] =	ssyncset.done $0x0  }
0x5a: {  	s30 =	simm.s32 $0xA0;
	[sflag:s21] =	ssyncadd.s32 $0xFFFFEC00  }
0x5b: {  	[tilespmem:s18], [sflag:$0x1] =	stream.indirect.gather [hbm4b:s4+s17], $0x40, s30, s17, $0xb8;
	[tilespmem:$0x10130] =	vst v63  }
0x5c: {  	s31 =	simm.s32 $0x4E70  }
0x5d: {  	[spmem:s2] =	stream.indirect.scatter.add.f32 [tilespmem:s20], [sflag:$0x3], $0x40, s31, s17, $0xb8;
	[tilespmem:$0x10130] =	vst v63  }
0x5e: {  	_ =	swait.ge [sflag:s14], $0x1400  }
0x5f: {  	s26 =	simm.s32 $0x280;
	[sflag:s14] =	ssyncset.done $0x0  }
.LBB2_6:
0x60: {  	p1 =	sne.s32 s26, $0x9880  }
0x61: {  	[sflag:s14] =	ssyncadd.s32 $0xFFFFEC00;
	s28 =	smov.u32 s26;
	s26 =	sadd.s32 $0x280, s26  }
0x62: {  	_ = 	snop  }
0x63: {  	_ =	swait.ge [sflag:s19], $0x1400  }
0x64: {  	s28 =	sshra.s32 s28, $0x2;
	[sflag:s19] =	ssyncset.done $0x0  }
0x65: {  	s29 =	sadd.s32 $0x50, s28;
	[sflag:s19] =	ssyncadd.s32 $0xFFFFEC00  }
0x66: {  	[tilespmem:s20], [sflag:$0x2] =	stream.indirect.gather [hbm4b:s4+s17], $0x40, s29, s17, $0xb8;
	[tilespmem:$0x10130] =	vst v63  }
0x67: {  	s29 =	sadd.s32 $0x4E20, s28  }
0x68: {  	[spmem:s2] =	stream.indirect.scatter.add.f32 [tilespmem:s18], [sflag:$0x3], $0x40, s29, s17, $0xb8;
	[tilespmem:$0x10130] =	vst v63  }
0x69: {  	_ =	swait.ge [sflag:s14], $0x1400  }
0x6a: {  	[sflag:s14] =	ssyncset.done $0x0  }
0x6b: {  	[sflag:s14] =	ssyncadd.s32 $0xFFFFEC00  }
0x6c: {  	_ =	swait.ge [sflag:s21], $0x1400  }
0x6d: {  	[sflag:s21] =	ssyncset.done $0x0  }
0x6e: {  	s29 =	sadd.s32 $0xA0, s28;
	[sflag:s21] =	ssyncadd.s32 $0xFFFFEC00  }
0x6f: {  	[tilespmem:s18], [sflag:$0x1] =	stream.indirect.gather [hbm4b:s4+s17], $0x40, s29, s17, $0xb8;
	[tilespmem:$0x10130] =	vst v63  }
.Ltmp2:
0x70: {  	_ = 	snop;
	(pc) =	sbr.rel @p1 .LBB2_6-.Ltmp2, $4  }
0x71: {  	s28 =	sadd.s32 $0x4E70, s28  }
0x72: {  	[spmem:s2] =	stream.indirect.scatter.add.f32 [tilespmem:s20], [sflag:$0x3], $0x40, s28, s17, $0xb8;
	[tilespmem:$0x10130] =	vst v63  }
0x73: {  	_ =	swait.ge [sflag:s14], $0x1400  }
0x74: {  	[sflag:s14] =	ssyncset.done $0x0  }
0x75: {  	[sflag:s14] =	ssyncadd.s32 $0xFFFFEC00  }
0x76: {  	_ =	swait.ge [sflag:s19], $0x1400  }
0x77: {  	[sflag:s19] =	ssyncset.done $0x0  }
0x78: {  	[sflag:s19] =	ssyncadd.s32 $0xFFFFEC00  }
0x79: {  	[spmem:s2] =	stream.indirect.scatter.add.f32 [tilespmem:s18], [sflag:$0x3], $0x40, s22, s17, $0xb8;
	[tilespmem:$0x10130] =	vst v63  }
0x7a: {  	_ =	swait.ge [sflag:s14], $0x1400  }
0x7b: {  	[sflag:s14] =	ssyncset.done $0x0  }
0x7c: {  	s26 =	sshll.u32 s1, $0x6;
	[sflag:s14] =	ssyncadd.s32 $0xFFFFEC00  }
0x7d: {  	s26 =	sor.u32 $0x1C03, s26;
	[bflag:$0x0] =	sbarrier.arrive $0xFFFF  }
0x7e: {  	[hbm:s11], [sflag:s26] =	dma.local [spmem:s23], $0x9C0  }
0x7f: {  	_ =	swait.ge [sflag:s14], $0x9C0  }
0x80: {  	s25 =	sadd.s32 $0x1, s25;
	[sflag:s14] =	ssyncset.done $0x0  }
0x81: {  	p1 =	sne.s32 s25, s13;
	[sflag:s14] =	ssyncadd.s32 $0xFFFFF640  }
0x82: {  	[hbm:s12], [sflag:s26] =	dma.local @!p0 [spmem:s24], $0x40  }
.Ltmp3:
0x83: {  	_ = 	snop;
	(pc) =	sbr.rel @p1 .LBB2_1-.Ltmp3, $4  }
0x84: {  	s26 =	simm.s32 @!p0 $0x3  }
0x85: {  	_ =	swait.ge @!p0 [sflag:s26], $0x40  }
0x86: {  	[sflag:s26] =	ssyncset.done @!p0 $0x0  }
0x87: {  	[sflag:s26] =	ssyncadd.s32 @!p0 $0xFFFFFFC0  }
0x88: {  	_ =	sfence.sel $0x180000  }
0x89: {  	[bflag:$0x0] =	sbarrier.arrive $0xFFFF  }
0x8a: {  	p0 =	sne.s32 s1, $0x0;
	_ =	strace $0x9000004D  }
0x8b: {  	s0 =	sadd.s32 @!p0 $0x100000, s0;
	[bflag:$0x2] =	sbarrier.arrive $0xFFFF  }
0x8c: {  	[sflag:s0] =	ssyncadd.tile.s32 @!p0 $0x1;
	_ =	shalt  }
.Lfunc_end2:
_tile_overlayer_lowered:
.L_overlay_start_2:
0x8d: {  	(tag) =	ssettag $0x2  }
0x8e: {  	s0 =	rddreg [dreg:$0x0];
	s2 =	stileid.u32  }
0x8f: {  	s1 =	rddreg [dreg:$0x1];
	p0 =	sne.s32 s2, $0x0  }
0x90: {  	s3 =	rddreg [dreg:$0x2];
	[bflag:$0x3] =	sbarrier.arrive $0xFFFF;
	s2 =	simm.s32 @!p0 $0x1C03  }
0x91: {  	[timem:s3], [sflag:s2] =	dma.local @!p0 [hbm:s0], s1  }
0x92: {  	s0 =	simm.s32 @!p0 $0x3  }
0x93: {  	_ =	swait.ge @!p0 [sflag:s0], s1  }
0x94: {  	s1 =	ssub.s32 @!p0 $0x0, s1;
	[sflag:s0] =	ssyncset.done @!p0 $0x0  }
0x95: {  	[sflag:s0] =	ssyncadd.s32 @!p0 s1  }
0x96: {  	[bflag:$0x3] =	sbarrier.arrive $0xFFFF  }
0x97: {  	_ =	shalt  }

// kernel: kernel.8.cloned.1.call-start
scs
__scs_entry_jumppad:
0x0: {  	(pc) =	sbr.rel $0x88, $3  }
0x1: {  	(tag) =	ssettag $0x0;
	lr =	simm.s32 $0x1  }
0x2: {  	[smem:$0x3F9B] =	sst lr;
	_ =	strace $0xD0000000  }
0x3: {  	_ = 	snop  }
0x4: {  	_ = 	snop  }
0x5: {  	_ = 	snop  }
0x6: {  	_ = 	snop  }
0x7: {  	_ = 	snop  }
__scs_overlays_trampoline_lowered:
0x8: {  	[smem:$0x3FAA] =	sst s0  }
0x9: {  	[smem:$0x3FAB] =	sst s1  }
0xa: {  	[smem:$0x3FAC] =	sst s2  }
0xb: {  	[smem:$0x3FAD] =	sst s3  }
0xc: {  	[smem:$0x3FAE] =	sst s4  }
0xd: {  	[smem:$0x3FAF] =	sst s5  }
0xe: {  	[smem:$0x3FB0] =	sst s6  }
0xf: {  	[smem:$0x3FB1] =	sst s7  }
0x10: {  	[smem:$0x3FB2] =	sst s8  }
0x11: {  	[smem:$0x3FB3] =	sst s9;
	s0 =	simm.s32 @!p0 $0x0  }
0x12: {  	s1 =	sld [smem:$0x3F99];
	s0 =	simm.s32 @p0 $0x1  }
0x13: {  	[smem:$0x3FB4] =	sst s0;
	s0 =	simm.s32 @!p1 $0x0  }
0x14: {  	s2 =	sld [smem:$0x3F98];
	s0 =	simm.s32 @p1 $0x1  }
0x15: {  	[smem:$0x3FB5] =	sst s0;
	s0 =	simm.s32 @!p2 $0x0  }
0x16: {  	s3 =	sld [smem:$0x3FDB];
	s0 =	simm.s32 @p2 $0x1  }
0x17: {  	s4 =	simm.s32 $0x1BF5;
	[smem:$0x3FB7] =	sst s0  }
0x18: {  	s0 =	sld [smem:$0x3F9A];
	_ =	swait.ge [sflag:s4], $0x0  }
0x19: {  	s7 =	sld [smem:$0x3F9B]  }
0x1a: {  	s8 =	sadd.s32 $0xFFFFE003, lr  }
0x1b: {  	s9 =	sadd.s32 $0xFFFFFEF7, lr;
	s5 =	simm.s32 $0xFFFFFFFF;
	p2 =	slt.u32 s8, $0xFFFFF086  }
0x1c: {  	p1 =	slt.u32 s9, $0xF7A;
	s5 =	simm.s32 @!p2 $0x0  }
0x1d: {  	s5 =	simm.s32 @p1 $0x1;
	p0 =	seq.s32 s7, s2  }
0x1e: {  	s7 =	smul.u32 @!p0 $0xF7A, s2;
	p2 =	seq.s32 @!p0 s5, $0x0  }
0x1f: {  	s9 =	smul.u32 $0xF7A, s1;
	s8 =	simm.s32 @!p0 $0x1BF5;
	p2 =	por !p2, p0  }
0x20: {  	[sflag:s8] =	ssyncset.s32 @!p0 $0xFFFFF086;
	s6 =	sadd.s32 @!p0 s3, s7;
	s7 =	simm.s32 @!p0 $0x108  }
0x21: {  	s3 =	sadd.s32 s3, s9;
	s6 =	sadd.s32 @!p0 $0x88, s6;
	s7 =	simm.s32 @p2 $0x1082  }
0x22: {  	[simem:s7], [sflag:s8] =	dma.local @!p0 [hbm:s6], $0xF7A  }
0x23: {  	s9 =	sor.u32 $0xD0000000, s2;
	s6 =	simm.s32 $0x108;
	_ =	swait.ge @!p0 [sflag:s8], $0x0  }
0x24: {  	s3 =	sadd.s32 $0x88, s3;
	s6 =	simm.s32 @!p1 $0x1082;
	[sflag:s4] =	ssyncset.s32 $0xFFFFF086  }
0x25: {  	[simem:s6], [sflag:s4] =	dma.local [hbm:s3], $0xF7A  }
0x26: {  	[smem:$0x3F9B] =	sst s1;
	(tag) =	ssettag s2;
	_ =	strace s9  }
0x27: {  	s1 =	sld [smem:$0x3FAB]  }
0x28: {  	s2 =	sld [smem:$0x3FAC]  }
0x29: {  	s4 =	sld [smem:$0x3FAE]  }
0x2a: {  	p0 =	seq.s32 s5, $0x0;
	s5 =	sld [smem:$0x3FAF]  }
0x2b: {  	s6 =	sld [smem:$0x3FB0]  }
0x2c: {  	s7 =	sld [smem:$0x3FB1]  }
0x2d: {  	s3 =	simm.s32 $0x108;
	s8 =	sld [smem:$0x3FB2]  }
0x2e: {  	s3 =	simm.s32 @!p0 $0x1082;
	s9 =	sld [smem:$0x3FB3]  }
0x2f: {  	lr =	sadd.s32 s0, s3;
	s0 =	sld [smem:$0x3FAA]  }
0x30: {  	s3 =	sld [smem:$0x3FAD]  }
0x31: {  	[smem:$0x3FB6] =	sst s10  }
0x32: {  	s10 =	sld [smem:$0x3FB4];
	_ =	sdelay $0x3  }
0x33: {  	p0 =	seq.s32 s10, $0x1;
	s10 =	sld [smem:$0x3FB6];
	_ =	sdelay $0x3  }
0x34: {  	[smem:$0x3FB6] =	sst s10  }
0x35: {  	s10 =	sld [smem:$0x3FB5];
	_ =	sdelay $0x3  }
0x36: {  	p1 =	seq.s32 s10, $0x1;
	s10 =	sld [smem:$0x3FB6];
	_ =	sdelay $0x3  }
0x37: {  	[smem:$0x3FB6] =	sst s10  }
0x38: {  	s10 =	sld [smem:$0x3FB7]  }
0x39: {  	_ = 	snop;
	(pc) =	sbr.ind lr, $3  }
0x3a: {  	_ = 	snop  }
0x3b: {  	_ = 	snop  }
0x3c: {  	p2 =	seq.s32 s10, $0x1;
	s10 =	sld [smem:$0x3FB6]  }
0x3d: {  	_ =	shalt  }
0x3e: {  	_ =	shalt  }
0x3f: {  	_ =	shalt  }
0x40: {  	_ =	shalt  }
0x41: {  	_ =	shalt  }
0x42: {  	_ =	shalt  }
0x43: {  	_ =	shalt  }
0x44: {  	_ =	shalt  }
0x45: {  	_ =	shalt  }
0x46: {  	_ =	shalt  }
0x47: {  	_ =	shalt  }
0x48: {  	_ =	shalt  }
0x49: {  	_ =	shalt  }
0x4a: {  	_ =	shalt  }
0x4b: {  	_ =	shalt  }
0x4c: {  	_ =	shalt  }
0x4d: {  	_ =	shalt  }
0x4e: {  	_ =	shalt  }
0x4f: {  	_ =	shalt  }
0x50: {  	_ =	shalt  }
0x51: {  	_ =	shalt  }
0x52: {  	_ =	shalt  }
0x53: {  	_ =	shalt  }
0x54: {  	_ =	shalt  }
0x55: {  	_ =	shalt  }
0x56: {  	_ =	shalt  }
0x57: {  	_ =	shalt  }
0x58: {  	_ =	shalt  }
0x59: {  	_ =	shalt  }
0x5a: {  	_ =	shalt  }
0x5b: {  	_ =	shalt  }
0x5c: {  	_ =	shalt  }
0x5d: {  	_ =	shalt  }
0x5e: {  	_ =	shalt  }
0x5f: {  	_ =	shalt  }
0x60: {  	_ =	shalt  }
0x61: {  	_ =	shalt  }
0x62: {  	_ =	shalt  }
0x63: {  	_ =	shalt  }
0x64: {  	_ =	shalt  }
0x65: {  	_ =	shalt  }
0x66: {  	_ =	shalt  }
0x67: {  	_ =	shalt  }
0x68: {  	_ =	shalt  }
0x69: {  	_ =	shalt  }
0x6a: {  	_ =	shalt  }
0x6b: {  	_ =	shalt  }
0x6c: {  	_ =	shalt  }
0x6d: {  	_ =	shalt  }
0x6e: {  	_ =	shalt  }
0x6f: {  	_ =	shalt  }
0x70: {  	_ =	shalt  }
0x71: {  	_ =	shalt  }
0x72: {  	_ =	shalt  }
0x73: {  	_ =	shalt  }
0x74: {  	_ =	shalt  }
0x75: {  	_ =	shalt  }
0x76: {  	_ =	shalt  }
0x77: {  	_ =	shalt  }
0x78: {  	_ =	shalt  }
0x79: {  	_ =	shalt  }
0x7a: {  	_ =	shalt  }
0x7b: {  	_ =	shalt  }
0x7c: {  	_ =	shalt  }
0x7d: {  	_ =	shalt  }
0x7e: {  	_ =	shalt  }
0x7f: {  	_ =	shalt  }
0x80: {  	_ =	shalt  }
0x81: {  	_ =	shalt  }
0x82: {  	_ =	shalt  }
0x83: {  	_ =	shalt  }
0x84: {  	_ =	shalt  }
0x85: {  	_ =	shalt  }
0x86: {  	_ =	shalt  }
0x87: {  	_ =	shalt  }
.Lfunc_end0:
.L_simem_size_0:
called_computation_lowered:
.L_overlay_start_0:
0x88: {  	s2 =	sld [smem:$0x3FD9]  }
0x89: {  	s3 =	sld [smem:$0x3FFE];
	_ =	sdelay $0x1  }
0x8a: {  	s1 =	srdreg.scid  }
0x8b: {  	s0 =	sand.u32 $0x1, s1  }
0x8c: {  	s15 =	sshll.u32 s0, $0xA;
	s2 =	sadd.s32 s3, s2  }
0x8d: {  	s2 =	sadd.s32 s2, s15  }
0x8e: {  	[smem:$0x3FC2] =	sst s2  }
0x8f: {  	_ = 	snop  }
0x90: {  	s2 =	sld [smem:$0x3FD0];
	_ =	sdelay $0x2  }
0x91: {  	s16 =	simm.s32 $0xA;
	s4 =	simm.s32 $0x10  }
0x92: {  	[smem:s4], [sflag:s16] =	dma.local [hbm:s2], $0x1  }
0x93: {  	_ =	swait.eq [sflag:s16], $0x1  }
0x94: {  	[sflag:s16] =	ssyncset.done $0x0  }
0x95: {  	s17 =	sld [smem:$0x10];
	[sflag:s16] =	ssyncadd.s32 $0xFFFFFFFF  }
0x96: {  	s18 =	sld [smem:$0x11];
	(tm) =	ssettm $0x1  }
0x97: {  	s19 =	sld [smem:$0x3FFB];
	_ =	sdelay $0x3  }
0x98: {  	_ =	strace s19  }
0x99: {  	s4 =	sld [smem:$0x3FFC];
	_ =	sdelay $0x3  }
0x9a: {  	_ =	strace s4  }
0x9b: {  	s4 =	sld [smem:$0x3FFD];
	_ =	sdelay $0x3  }
0x9c: {  	_ =	strace s4  }
0x9d: {  	_ =	strace $0x8FFFFFFF  }
0x9e: {  	s20 =	sld [smem:$0x3FDB];
	_ =	sdelay $0x1  }
0x9f: {  	s5 =	simm.s32 $_scs_section_size  }
0xa0: {  	s6 =	simm.s32 $_size__tile_overlayer_lowered;
	s7 =	simm.s32 $_tile_overlayer_lowered  }
0xa1: {  	s23 =	simm.s32 $0x1BFF;
	s22 =	sshll.u32 s7, $0x1;
	s4 =	sadd.s32 s5, s20  }
0xa2: {  	s8 =	simm.s32 $0x0;
	s21 =	sshll.u32 s6, $0x1;
	s6 =	sadd.s32 s22, s4  }
0xa3: {  	[timem:s8], [sflag:s23] =	dma.local [hbm:s6], s21  }
0xa4: {  	_ =	swait.ge [sflag:s23], s21  }
0xa5: {  	s5 =	ssub.s32 $0x0, s21;
	[sflag:s23] =	ssyncset.done $0x0  }
0xa6: {  	[sflag:s23] =	ssyncadd.s32 s5;
	_ =	sdelay $0x1  }
0xa7: {  	s24 =	simm.s32 $0x1B8B  }
0xa8: {  	_ =	swait.ge [sflag:s24], $0x1  }
0xa9: {  	[sflag:s24] =	ssyncset.done $0x0  }
0xaa: {  	s25 =	simm.s32 $0x1B8E;
	[sflag:s24] =	ssyncadd.s32 $0xFFFFFFFF  }
0xab: {  	s26 =	simm.s32 $execute0_lowered;
	[smem:$0x3FD2] =	sst s25  }
0xac: {  	s5 =	sshll.u32 s26, $0x1;
	_ =	strace $0x80000046;
	[dreg:$0x1] =	wrdreg $0xFFFFFFFF  }
0xad: {  	s28 =	simm.s32 $_size_execute0_lowered;
	s4 =	sadd.s32 s4, s5;
	[dreg:$0x0] =	wrdreg $0x0  }
0xae: {  	s5 =	sshll.u32 s28, $0x1;
	[dreg:$0x2] =	wrdreg s4  }
0xaf: {  	[dreg:$0x3] =	wrdreg s5  }
0xb0: {  	[dreg:$0x4] =	wrdreg $0xC0  }
0xb1: {  	_ =	task [dreg:s8], $0x5FFFF  }
0xb2: {  	[dreg:$0x1] =	wrdreg $0xFFFFFFFF  }
0xb3: {  	[dreg:$0x0] =	wrdreg $0x60  }
0xb4: {  	[dreg:$0x2] =	wrdreg s17  }
0xb5: {  	[dreg:$0x3] =	wrdreg s18  }
0xb6: {  	[dreg:$0x4] =	wrdreg $0x42900  }
0xb7: {  	[dreg:$0x5] =	wrdreg $0x9  }
0xb8: {  	_ =	task.clear_ibuf [dreg:s8], $0x6FFFF;
	_ =	strace $0x90000046  }
0xb9: {  	s29 =	simm.s32 $0x9;
	_ =	strace $0x80000048  }
0xba: {  	_ =	swait.ge [sflag:s29], $0x1  }
0xbb: {  	[sflag:s29] =	ssyncadd.s32 $0xFFFFFFFF  }
0xbc: {  	_ =	strace $0x90000048  }
0xbd: {  	_ =	sfence  }
0xbe: {  	s30 =	sld [smem:$0x0];
	_ =	sdelay $0x2  }
0xbf: {  	s31 =	sshll.u32 s1, $0xD;
	s1 =	sshrl.u32 s1, $0x2  }
0xc0: {  	s3 =	sand.u32 $0x4000, s31;
	s1 =	sadd.s32 s1, s30  }
0xc1: {  	s0 =	sor.u32 s3, s0;
	s1 =	sshll.u32 s1, $0x11  }
0xc2: {  	s0 =	sor.u32 s1, s0  }
0xc3: {  	s0 =	sadd.s32 $0x8F2B, s0  }
0xc4: {  	[sflag:s0] =	ssyncadd.remote.s32 $0x1  }
0xc5: {  	_ =	sfence.sel $0xFFFF  }
0xc6: {  	[dreg:$0x0] =	wrdreg $0xFFFFFFFF;
	(pc) =	sbr.abs _section_cstart, $3  }
0xc7: {  	[dreg:$0x1] =	wrdreg $0xFFFFFFFF  }
0xc8: {  	_ =	task.clear_ibuf [dreg:s8], $0x2FFFF;
	_ =	strace $0x9FFFFFFF  }
0xc9: {  	(tm) =	ssettm $0x7FFFFFFF  }
tec
execute0_lowered:
.L_overlay_start_1:
0x0: {  	(tag) =	ssettag $0x1  }
0x1: {  	s4 =	rddreg [dreg:$0x0]  }
0x2: {  	s6 =	rddreg [dreg:$0x1]  }
0x3: {  	s2 =	rddreg [dreg:$0x2]  }
0x4: {  	s3 =	srdreg.scid;
	s1 =	stileid.u32  }
0x5: {  	s0 =	rddreg [dreg:$0x3];
	s11 =	simm.s32 $0x1450;
	s14 =	simm.s32 $0x0  }
0x6: {  	s5 =	sand.u32 $0x1, s3;
	s7 =	smul.u32 $0x2800, s1;
	s3 =	simm.s32 $0x0  }
0x7: {  	s12 =	sshll.u32 s1, $0x6;
	s8 =	sshll.u32 s5, $0x4;
	s9 =	smul.u32 $0x28000, s5  }
0x8: {  	[smem:$0x7FF] =	sst s3;
	s5 =	ssub.s32 $0x2, s5;
	s12 =	sor.u32 $0x1C01, s12  }
0x9: {  	s8 =	sor.u32 s1, s8;
	s10 =	sshrl.u32 s5, $0x1;
	_ =	strace $0x80000047  }
0xa: {  	s8 =	smul.u32 $0x28A, s8;
	s9 =	sadd.s32 s7, s9;
	s10 =	ssub.s32 s5, s10  }
0xb: {  	s5 =	sadd.s32 s7, s2;
	s9 =	sshrl.u32 s9, $0x3;
	s7 =	smax.u32 s10, $0x1  }
0xc: {  	s10 =	simm.s32 $0x64;
	s13 =	sshrl.u32 s5, $0x3;
	s4 =	sadd.s32 s4, s8  }
0xd: {  	v0 =	vimm.f32 $1.000000000e+00;
	v1 =	vimm.f32 $0.0e+00;
	s6 =	sadd.s32 s6, s9;
	s8 =	simm.s32 $0x1;
	s9 =	simm.s32 $0x1A90  }
.LBB2_1:
0xe: {  	[tilespmem:s3], [sflag:$0x1] =	stream.linear.gather [hbm4b:s4+s3], $0x1450, $0x38;
	[tilespmem:$0x6A90] =	vst v63  }
0xf: {  	_ =	swait.ge [sflag:s8], $0x1450  }
0x10: {  	[sflag:s8] =	ssyncset.done $0x0  }
0x11: {  	s15 =	simm.s32 $0x0;
	[sflag:s8] =	ssyncadd.s32 $0xFFFFEBB0  }
.LBB2_2:
0x12: {  	p0 =	sne.s32 s15, $0x18C0  }
.Ltmp0:
0x13: {  	_ = 	snop;
	(pc) =	sbr.rel @p0 .LBB2_2-.Ltmp0, $3  }
0x14: {  	_ =	sdelay $0x1  }
0x15: {  	s16 =	sshra.s32 s15, $0x2  }
0x16: {  	s15 =	sadd.s32 $0x40, s15;
	[tilespmem:s16+$0x1450] =	vst v0  }
0x17: {  	s15 =	simm.s32 $0x40;
	s16 =	simm.s32 $0x0  }
.LBB2_4:
0x18: {  	p0 =	sne.s32 s15, $0x9FC0;
	[tilespmem:s16+$0x1A90] =	vst v1;
	s16 =	smov.u32 s15;
	s15 =	sadd.s32 $0x40, s15  }
.Ltmp1:
0x19: {  	(pc) =	sbr.rel @p0 .LBB2_4-.Ltmp1, $2  }
0x1a: {  	_ =	sdelay $0x2  }
0x1b: {  	s16 =	sshra.s32 s16, $0x2  }
0x1c: {  	[tilespmem:s16+$0x1A90] =	vst v1  }
0x1d: {  	[spmem:s5] =	stream.linear.scatter [tilespmem:s9], [sflag:$0x1], $0x2800, $0x38;
	[tilespmem:$0x6A90] =	vst v63  }
0x1e: {  	_ =	swait.ge [sflag:s8], $0x2800  }
0x1f: {  	[sflag:s8] =	ssyncset.done $0x0  }
0x20: {  	[sflag:s8] =	ssyncadd.s32 $0xFFFFD800  }
0x21: {  	s15 =	simm.s32 $0x0;
	[bflag:$0x0] =	sbarrier.arrive $0xFFFF  }
0x22: {  	[spmem:s2] =	stream.indirect.scatter.add.f32 [tilespmem:s11], [sflag:$0x1], $0x10, s15, s10, $0xb8;
	[tilespmem:$0x6A90] =	vst v63  }
0x23: {  	_ =	swait.ge [sflag:s8], $0x640  }
0x24: {  	s15 =	simm.s32 $0x1A0;
	[sflag:s8] =	ssyncset.done $0x0  }
.LBB2_6:
0x25: {  	s16 =	sshra.s32 s15, $0x2;
	[sflag:s8] =	ssyncadd.s32 $0xFFFFF9C0;
	p0 =	sne.s32 s15, $0x4FA0  }
0x26: {  	[spmem:s2] =	stream.indirect.scatter.add.f32 [tilespmem:s11], [sflag:$0x1], $0x10, s16, s10, $0xb8;
	[tilespmem:$0x6A90] =	vst v63  }
.Ltmp2:
0x27: {  	_ = 	snop;
	(pc) =	sbr.rel @p0 .LBB2_6-.Ltmp2, $4  }
0x28: {  	_ = 	snop  }
0x29: {  	s15 =	sadd.s32 $0x1A0, s15  }
0x2a: {  	_ =	swait.ge [sflag:s8], $0x640  }
0x2b: {  	[sflag:s8] =	ssyncset.done $0x0  }
0x2c: {  	s14 =	sadd.s32 $0x1, s14  }
0x2d: {  	[sflag:s8] =	ssyncadd.s32 $0xFFFFF9C0;
	p0 =	sne.s32 s14, s7  }
.Ltmp3:
0x2e: {  	[bflag:$0x0] =	sbarrier.arrive $0xFFFF;
	(pc) =	sbr.rel @p0 .LBB2_1-.Ltmp3, $4  }
0x2f: {  	[hbm:s6], [sflag:s12] =	dma.local [spmem:s13], $0x500  }
0x30: {  	_ =	swait.ge [sflag:s8], $0x500  }
0x31: {  	[sflag:s8] =	ssyncset.done $0x0  }
0x32: {  	[sflag:s8] =	ssyncadd.s32 $0xFFFFFB00  }
0x33: {  	_ =	sfence.sel $0x180000  }
0x34: {  	[bflag:$0x0] =	sbarrier.arrive $0xFFFF  }
0x35: {  	p0 =	sne.s32 s1, $0x0;
	_ =	strace $0x90000047  }
0x36: {  	s0 =	sadd.s32 @!p0 $0x100000, s0;
	[bflag:$0x2] =	sbarrier.arrive $0xFFFF  }
0x37: {  	[sflag:s0] =	ssyncadd.tile.s32 @!p0 $0x1;
	_ =	shalt  }
.Lfunc_end2:
_tile_overlayer_lowered:
.L_overlay_start_2:
0x38: {  	(tag) =	ssettag $0x2  }
0x39: {  	s0 =	rddreg [dreg:$0x0];
	s2 =	stileid.u32  }
0x3a: {  	s1 =	rddreg [dreg:$0x1];
	p0 =	sne.s32 s2, $0x0  }
0x3b: {  	s3 =	rddreg [dreg:$0x2];
	[bflag:$0x3] =	sbarrier.arrive $0xFFFF;
	s2 =	simm.s32 @!p0 $0x1C01  }
0x3c: {  	[timem:s3], [sflag:s2] =	dma.local @!p0 [hbm:s0], s1  }
0x3d: {  	s0 =	simm.s32 @!p0 $0x1  }
0x3e: {  	_ =	swait.ge @!p0 [sflag:s0], s1  }
0x3f: {  	s1 =	ssub.s32 @!p0 $0x0, s1;
	[sflag:s0] =	ssyncset.done @!p0 $0x0  }
0x40: {  	[sflag:s0] =	ssyncadd.s32 @!p0 s1  }
0x41: {  	[bflag:$0x3] =	sbarrier.arrive $0xFFFF  }
0x42: {  	_ =	shalt  }

</sc_bundles>
